<compile_context>
chip_gen: v7x
topology: tpu7x:2x2x1
jax: 0.10.2.dev20260603
libtpu: 0.0.44.dev20260713+nightly
codegen_flags: <defaults>
</compile_context>

<pallas_src>
import functools

import jax
import jax.numpy as jnp
from jax import lax
from jax.experimental import pallas as pl
from jax.experimental.pallas import tpu as pltpu
from jax.experimental.pallas import tpu_sc as plsc

B = 4
N1 = 4096
N2 = 4096
K = 16
NSEL = K + 1
QPW = 512
NCH = N2 // 16
WARM = 4
BNDS = (4, 16, 64, 256)

_INF = float(jnp.inf)


def _lanes():
    return lax.broadcasted_iota(jnp.int32, (16,), 0)


def _last15():
    return jnp.full((16,), 15, jnp.int32)


def _vmaxs(v):
    return jnp.take_along_axis(plsc.cummax(v), _last15(), axis=0)


def _vmins(v):
    return -_vmaxs(-v)


def _bound17v(m1, m2):
    a = lax.sort(m1)
    bb = lax.rev(lax.sort(m2), (0,))
    return _vmins(jnp.maximum(a, bb))


def _sc_body(x2x, x2y, x2z, x2xr, x2yr, x2zr,
             x1x, x1y, x1z, x1xr, x1yr, x1zr, out,
             rx, ry, rz, rn, ux, uy, uz,
             qx, qy, qz, qn, vx, vy, vz,
             sd, si, sdB, siB, s2d, s2i, s2dB, s2iB, ob):
    cid = lax.axis_index("c")
    sid = lax.axis_index("s")
    wid = sid * 2 + cid
    b = wid // (N1 // QPW)
    qs = (wid % (N1 // QPW)) * QPW

    pltpu.sync_copy(x2x.at[b], ux)
    pltpu.sync_copy(x2y.at[b], uy)
    pltpu.sync_copy(x2z.at[b], uz)
    pltpu.sync_copy(x2xr.at[b], rx)
    pltpu.sync_copy(x2yr.at[b], ry)
    pltpu.sync_copy(x2zr.at[b], rz)
    pltpu.sync_copy(x1x.at[b, pl.ds(qs, QPW)], vx)
    pltpu.sync_copy(x1y.at[b, pl.ds(qs, QPW)], vy)
    pltpu.sync_copy(x1z.at[b, pl.ds(qs, QPW)], vz)
    pltpu.sync_copy(x1xr.at[b, pl.ds(qs, QPW)], qx)
    pltpu.sync_copy(x1yr.at[b, pl.ds(qs, QPW)], qy)
    pltpu.sync_copy(x1zr.at[b, pl.ds(qs, QPW)], qz)

    lanes = _lanes()

    def ref_pre(i, _):
        s = pl.ds(i * 16, 16)
        rn[s] = (ux[s] * ux[s] + uy[s] * uy[s]) + uz[s] * uz[s]
        return 0

    lax.fori_loop(0, NCH, ref_pre, 0, unroll=4)

    def q_pre(i, _):
        s = pl.ds(i * 16, 16)
        qn[s] = (vx[s] * vx[s] + vy[s] * vy[s]) + vz[s] * vz[s]
        return 0

    lax.fori_loop(0, QPW // 16, q_pre, 0, unroll=4)

    def idx_pre(i, _):
        s = pl.ds(i * 16, 16)
        iv = i * 16 + lanes
        si[s] = iv
        siB[s] = iv
        return 0

    lax.fori_loop(0, WARM, idx_pre, 0, unroll=4)

    def per_pair(pq, _):
        def qload(ref, qsplat):
            return plsc.load_gather(ref, [qsplat])

        qa = jnp.broadcast_to(pq * 2, (16,)).astype(jnp.int32)
        qb = qa + 1
        qxa, qya, qza, qna = (qload(qx, qa), qload(qy, qa),
                              qload(qz, qa), qload(qn, qa))
        qxb, qyb, qzb, qnb = (qload(qx, qb), qload(qy, qb),
                              qload(qz, qb), qload(qn, qb))

        def dist2(i):
            s = pl.ds(i * 16, 16)
            vrx, vry, vrz, vrn = rx[s], ry[s], rz[s], rn[s]

            def one(qxv, qyv, qzv, qnv):
                cross = vrx * qxv + vry * qyv + vrz * qzv
                d = (vrn + qnv) - (cross + cross)
                return d, jnp.maximum(d, jnp.float32(0.0))

            return one(qxa, qya, qza, qna), one(qxb, qyb, qzb, qnb)

        def minmax2(dc, m1, m2):
            hi = jnp.maximum(m1, dc)
            return jnp.minimum(m1, dc), jnp.minimum(m2, hi)

        def warm(i, carry):
            m1a, m2a, m1b, m2b = carry
            (_, dca), (_, dcb) = dist2(i)
            s = pl.ds(i * 16, 16)
            sd[s] = dca
            sdB[s] = dcb
            m1a, m2a = minmax2(dca, m1a, m2a)
            m1b, m2b = minmax2(dcb, m1b, m2b)
            return m1a, m2a, m1b, m2b

        inf16 = jnp.full((16,), _INF)
        m1a, m2a, m1b, m2b = plsc.parallel_loop(
            0, WARM, carry=(inf16, inf16, inf16, inf16), unroll=4)(warm)
        cnt0 = jnp.full((16,), WARM * 16, jnp.int32)

        def chunk(ta, tb):
            def go(i, carry):
                cnta, m1a, m2a, cntb, m1b, m2b = carry
                (da, dca), (db, dcb) = dist2(i)
                idxv = i * 16 + lanes
                mska = da <= ta
                posa = cnta + plsc.cumsum(mska.astype(jnp.int32)) - 1
                plsc.store_scatter(sd, [posa], dca, mask=mska)
                plsc.store_scatter(si, [posa], idxv, mask=mska)
                cnta = cnta + plsc.all_reduce_population_count(mska)
                m1a, m2a = minmax2(dca, m1a, m2a)
                mskb = db <= tb
                posb = cntb + plsc.cumsum(mskb.astype(jnp.int32)) - 1
                plsc.store_scatter(sdB, [posb], dcb, mask=mskb)
                plsc.store_scatter(siB, [posb], idxv, mask=mskb)
                cntb = cntb + plsc.all_reduce_population_count(mskb)
                m1b, m2b = minmax2(dcb, m1b, m2b)
                return cnta, m1a, m2a, cntb, m1b, m2b
            return go

        carry = (cnt0, m1a, m2a, cnt0, m1b, m2b)
        for lo, hi in zip(BNDS[:-1], BNDS[1:]):
            ta = _bound17v(carry[1], carry[2])
            tb = _bound17v(carry[4], carry[5])
            carry = plsc.parallel_loop(lo, hi, carry=carry,
                                       unroll=2)(chunk(ta, tb))
        cnta, m1a, m2a, cntb, m1b, m2b = carry

        def prep(sdr, sir, cnt, m1, m2, s2dr, s2ir):
            tfin = _bound17v(m1, m2)
            cnt_s = cnt[0]

            def refine(i, cnt2):
                s = pl.ds(i * 16, 16)
                v = sdr[s]
                iv = sir[s]
                posv = i * 16 + lanes
                msk = (v <= tfin) & (posv < cnt)
                pos = cnt2 + plsc.cumsum(msk.astype(jnp.int32)) - 1
                plsc.store_scatter(s2dr, [pos], v, mask=msk)
                plsc.store_scatter(s2ir, [pos], iv, mask=msk)
                return cnt2 + plsc.all_reduce_population_count(msk)

            nch1 = (cnt_s + 15) // 16
            cnt2 = plsc.parallel_loop(
                0, nch1, carry=jnp.zeros((16,), jnp.int32), unroll=2)(refine)
            return cnt2, cnt2[0]

        c2a, c2as = prep(sd, si, cnta, m1a, m2a, s2d, s2i)
        c2b, c2bs = prep(sdB, siB, cntb, m1b, m2b, s2dB, s2iB)

        def regs(s2dr, s2ir, cnt2):
            def masked(j):
                vj = s2dr[pl.ds(j * 16, 16)]
                return jnp.where(j * 16 + lanes < cnt2, vj, _INF)

            return (masked(0), masked(1), masked(2),
                    s2ir[pl.ds(0, 16)], s2ir[pl.ds(16, 16)],
                    s2ir[pl.ds(32, 16)])

        def one_step(k, wins, v1, v2, v3, i1, i2, i3):
            m = _vmins(jnp.minimum(jnp.minimum(v1, v2), v3))
            l1 = plsc.all_reduce_ffs(v1 == m)
            l2 = plsc.all_reduce_ffs(v2 == m)
            l3 = plsc.all_reduce_ffs(v3 == m)
            use1 = l1 < 16
            use2 = (~use1) & (l2 < 16)
            use3 = (~use1) & (~use2)
            g1 = jnp.take_along_axis(i1, jnp.minimum(l1, 15), axis=0)
            g2 = jnp.take_along_axis(i2, jnp.minimum(l2, 15), axis=0)
            g3 = jnp.take_along_axis(i3, jnp.minimum(l3, 15), axis=0)
            wi = jnp.where(use1, g1, jnp.where(use2, g2, g3))
            v1 = jnp.where(use1 & (lanes == l1), _INF, v1)
            v2 = jnp.where(use2 & (lanes == l2), _INF, v2)
            v3 = jnp.where(use3 & (lanes == l3), _INF, v3)
            wins = jnp.where(lanes == k - 1, wi, wins)
            return wins, v1, v2, v3

        def select_fast2(_):
            va = regs(s2d, s2i, c2a)
            vb = regs(s2dB, s2iB, c2b)
            zero = jnp.full((16,), jnp.int32(0))

            def sel(k, carry):
                wa, a1, a2, a3, wb, b1, b2, b3 = carry
                wa, a1, a2, a3 = one_step(k, wa, a1, a2, a3,
                                          va[3], va[4], va[5])
                wb, b1, b2, b3 = one_step(k, wb, b1, b2, b3,
                                          vb[3], vb[4], vb[5])
                return wa, a1, a2, a3, wb, b1, b2, b3

            out = lax.fori_loop(
                0, NSEL, sel,
                (zero, va[0], va[1], va[2], zero, vb[0], vb[1], vb[2]))
            return out[0], out[4]

        def select_slow2(_):
            def one(s2dr, s2ir, cnt2, cnt2_s):
                nch2 = (cnt2_s + 15) // 16

                def sel(k, carry):
                    wins, _ = carry

                    def scan(i, carry):
                        bv, bp = carry
                        s = pl.ds(i * 16, 16)
                        v = s2dr[s]
                        posv = i * 16 + lanes
                        v = jnp.where(posv < cnt2, v, _INF)
                        m = _vmins(v)
                        l = plsc.all_reduce_ffs(v == m)
                        p = i * 16 + jnp.minimum(l, 15)
                        mm = jnp.take_along_axis(v, jnp.minimum(l, 15),
                                                 axis=0)
                        better = mm < bv
                        bv = jnp.where(better, mm, bv)
                        bp = jnp.where(better, p, bp)
                        return bv, bp

                    bv, bp = lax.fori_loop(
                        0, nch2, scan,
                        (jnp.full((16,), _INF),
                         jnp.full((16,), jnp.int32(0))))
                    wi = plsc.load_gather(s2ir, [bp])
                    plsc.store_scatter(s2dr, [bp], jnp.full((16,), _INF),
                                       mask=lanes == 0)
                    wins = jnp.where(lanes == k - 1, wi, wins)
                    return wins, 0

                wins, _ = lax.fori_loop(
                    0, NSEL, sel, (jnp.full((16,), jnp.int32(0)), 0))
                return wins

            return (one(s2d, s2i, c2a, c2as), one(s2dB, s2iB, c2b, c2bs))

        winsA, winsB = lax.cond((c2as <= 48) & (c2bs <= 48),
                                select_fast2, select_slow2, 0)
        ob[pl.ds((pq * 2) * K, K)] = winsA
        ob[pl.ds((pq * 2 + 1) * K, K)] = winsB
        return 0

    lax.fori_loop(0, QPW // 2, per_pair, 0)

    pltpu.sync_copy(ob, out.at[b, pl.ds(qs * K, QPW * K)])


def _round_bf16(x):
    bits = lax.bitcast_convert_type(x, jnp.uint32)
    r = bits + jnp.uint32(0x7FFF) + ((bits >> jnp.uint32(16)) & jnp.uint32(1))
    r = r & jnp.uint32(0xFFFF0000)
    return lax.bitcast_convert_type(r, jnp.float32)


@jax.jit
def _run(xyz2, xyz1):
    x2r = _round_bf16(xyz2)
    x1r = _round_bf16(xyz1)
    ins = (xyz2[:, :, 0], xyz2[:, :, 1], xyz2[:, :, 2],
           x2r[:, :, 0], x2r[:, :, 1], x2r[:, :, 2],
           xyz1[:, :, 0], xyz1[:, :, 1], xyz1[:, :, 2],
           x1r[:, :, 0], x1r[:, :, 1], x1r[:, :, 2])
    mesh = plsc.VectorSubcoreMesh(core_axis_name="c", subcore_axis_name="s")
    f = functools.partial(
        pl.kernel,
        out_type=jax.ShapeDtypeStruct((B, N1 * K), jnp.int32),
        mesh=mesh,
        compiler_params=pltpu.CompilerParams(needs_layout_passes=False),
        scratch_types=[
            pltpu.VMEM((N2,), jnp.float32),
            pltpu.VMEM((N2,), jnp.float32),
            pltpu.VMEM((N2,), jnp.float32),
            pltpu.VMEM((N2,), jnp.float32),
            pltpu.VMEM((N2,), jnp.float32),
            pltpu.VMEM((N2,), jnp.float32),
            pltpu.VMEM((N2,), jnp.float32),
            pltpu.VMEM((QPW,), jnp.float32),
            pltpu.VMEM((QPW,), jnp.float32),
            pltpu.VMEM((QPW,), jnp.float32),
            pltpu.VMEM((QPW,), jnp.float32),
            pltpu.VMEM((QPW,), jnp.float32),
            pltpu.VMEM((QPW,), jnp.float32),
            pltpu.VMEM((QPW,), jnp.float32),
            pltpu.VMEM((N2,), jnp.float32),
            pltpu.VMEM((N2,), jnp.int32),
            pltpu.VMEM((N2,), jnp.float32),
            pltpu.VMEM((N2,), jnp.int32),
            pltpu.VMEM((N2,), jnp.float32),
            pltpu.VMEM((N2,), jnp.int32),
            pltpu.VMEM((N2,), jnp.float32),
            pltpu.VMEM((N2,), jnp.int32),
            pltpu.VMEM((QPW * K,), jnp.int32),
        ],
    )(_sc_body)
    out = f(*ins)
    return out.reshape(B, N1, K)


def kernel(xyz2, xyz1):
    return _run(xyz2, xyz1)

# --- scband reference (transcript-rebuilt; emitter-appended) ---
"""Pipeline reference for scband-sample-neighbors-11690900979981 (READ-ONLY COPY).

The authoritative reference and input builder live on the scoring server;
editing this copy changes nothing except your own understanding.
"""

import jax, jax.numpy as jnp
import numpy as np

NUM_SAMPLES = 16

def pdist2squared(x, y):
    # x: [B, 3, N2], y: [B, 3, N1] -> dist [B, N2, N1]
    xx = jnp.sum(x ** 2, axis=1)[:, :, None]
    yy = jnp.sum(y ** 2, axis=1)[:, None, :]
    dist = xx + yy - 2.0 * jnp.einsum('bdn,bdm->bnm', x, y)
    dist = jnp.where(jnp.isnan(dist), 0.0, dist)
    dist = jnp.clip(dist, 0.0, np.inf)
    return dist

def setup_inputs(seed: int = 0) -> dict:
    key = jax.random.key(seed)
    k1, k2 = jax.random.split(key)
    xyz2 = jax.random.normal(k1, (4, 4096, 3), dtype=jnp.float32)
    xyz1 = jax.random.normal(k2, (4, 4096, 3), dtype=jnp.float32)
    return {"xyz2": xyz2, "xyz1": xyz1}

def reference(xyz2, xyz1):
    # knn=True branch of SampleNeighbors.forward
    dist = pdist2squared(jnp.transpose(xyz2, (0, 2, 1)), jnp.transpose(xyz1, (0, 2, 1)))  # [B, N2, N1]
    # torch: dist.topk(k+1, dim=1, largest=False)[1].permute(0,2,1)[:, :, 1:]
    d = jnp.transpose(dist, (0, 2, 1))  # [B, N1, N2]
    _, idx = jax.lax.top_k(-d, NUM_SAMPLES + 1)  # smallest distances first
    ind = idx[:, :, 1:].astype(jnp.int32)  # drop self / nearest duplicate -> [B, N1, K]
    return ind

if __name__ == "__main__":
    import jax
    _d = setup_inputs()
    print(jax.jit(kernel)(*tuple(_d.values())))

</pallas_src>

<mosaic_0001>
#map = affine_map<(d0, d1) -> (0, 0)>
module attributes {stable_mosaic.version = 14 : i64} {
  func.func @_sc_body(%arg0: i32, %arg1: i32, %arg2: memref<4x4096xf32, #tpu.memory_space<hbm>>, %arg3: memref<4x4096xf32, #tpu.memory_space<hbm>>, %arg4: memref<4x4096xf32, #tpu.memory_space<hbm>>, %arg5: memref<4x4096xf32, #tpu.memory_space<hbm>>, %arg6: memref<4x4096xf32, #tpu.memory_space<hbm>>, %arg7: memref<4x4096xf32, #tpu.memory_space<hbm>>, %arg8: memref<4x4096xf32, #tpu.memory_space<hbm>>, %arg9: memref<4x4096xf32, #tpu.memory_space<hbm>>, %arg10: memref<4x4096xf32, #tpu.memory_space<hbm>>, %arg11: memref<4x4096xf32, #tpu.memory_space<hbm>>, %arg12: memref<4x4096xf32, #tpu.memory_space<hbm>>, %arg13: memref<4x4096xf32, #tpu.memory_space<hbm>>, %arg14: memref<4x65536xi32, #tpu.memory_space<hbm>>, %arg15: memref<4096xf32, #tpu.memory_space<vmem>>, %arg16: memref<4096xf32, #tpu.memory_space<vmem>>, %arg17: memref<4096xf32, #tpu.memory_space<vmem>>, %arg18: memref<4096xf32, #tpu.memory_space<vmem>>, %arg19: memref<4096xf32, #tpu.memory_space<vmem>>, %arg20: memref<4096xf32, #tpu.memory_space<vmem>>, %arg21: memref<4096xf32, #tpu.memory_space<vmem>>, %arg22: memref<512xf32, #tpu.memory_space<vmem>>, %arg23: memref<512xf32, #tpu.memory_space<vmem>>, %arg24: memref<512xf32, #tpu.memory_space<vmem>>, %arg25: memref<512xf32, #tpu.memory_space<vmem>>, %arg26: memref<512xf32, #tpu.memory_space<vmem>>, %arg27: memref<512xf32, #tpu.memory_space<vmem>>, %arg28: memref<512xf32, #tpu.memory_space<vmem>>, %arg29: memref<4096xf32, #tpu.memory_space<vmem>>, %arg30: memref<4096xi32, #tpu.memory_space<vmem>>, %arg31: memref<4096xf32, #tpu.memory_space<vmem>>, %arg32: memref<4096xi32, #tpu.memory_space<vmem>>, %arg33: memref<4096xf32, #tpu.memory_space<vmem>>, %arg34: memref<4096xi32, #tpu.memory_space<vmem>>, %arg35: memref<4096xf32, #tpu.memory_space<vmem>>, %arg36: memref<4096xi32, #tpu.memory_space<vmem>>, %arg37: memref<8192xi32, #tpu.memory_space<vmem>>) attributes {dimension_semantics = [#tpu.dimension_semantics<core_parallel>, #tpu.dimension_semantics<subcore_parallel>], iteration_bounds = array<i64: 2, 16>, scalar_prefetch = 0 : i64, scratch_operands = 23 : i64, tpu.core_type = #tpu.core_type<sc_vector_subcore>, window_params = [{transform_indices = #map}, {transform_indices = #map}, {transform_indices = #map}, {transform_indices = #map}, {transform_indices = #map}, {transform_indices = #map}, {transform_indices = #map}, {transform_indices = #map}, {transform_indices = #map}, {transform_indices = #map}, {transform_indices = #map}, {transform_indices = #map}, {transform_indices = #map}]} {
    %mul3A = arith.constant 2 : i32
    %mul3A_0 = arith.muli %arg1, %mul3A : i32
    %add3A = arith.addi %mul3A_0, %arg0 : i32
    %jit3A = arith.constant 8 : i32
    %div3A = arith.divsi %add3A, %jit3A : i32
    %sign3A = arith.constant 0 : i32
    %sign3A_1 = arith.cmpi sgt, %add3A, %sign3A : i32
    %sign3A_2 = arith.extui %sign3A_1 : i1 to i32
    %sign3A_3 = arith.constant 0 : i32
    %sign3A_4 = arith.cmpi slt, %add3A, %sign3A_3 : i32
    %sign3A_5 = arith.extui %sign3A_4 : i1 to i32
    %sign3A_6 = arith.subi %sign3A_2, %sign3A_5 : i32
    %sign3A_7 = arith.constant 0 : i32
    %sign3A_8 = arith.cmpi sgt, %jit3A, %sign3A_7 : i32
    %sign3A_9 = arith.extui %sign3A_8 : i1 to i32
    %sign3A_10 = arith.constant 0 : i32
    %sign3A_11 = arith.cmpi slt, %jit3A, %sign3A_10 : i32
    %sign3A_12 = arith.extui %sign3A_11 : i1 to i32
    %sign3A_13 = arith.subi %sign3A_9, %sign3A_12 : i32
    %ne3A = arith.cmpi ne, %sign3A_6, %sign3A_13 : i32
    %rem3A = arith.remsi %add3A, %jit3A : i32
    %ne3A_14 = arith.constant 0 : i32
    %ne3A_15 = arith.cmpi ne, %rem3A, %ne3A_14 : i32
    %and3A = arith.andi %ne3A, %ne3A_15 : i1
    %sub3A = arith.constant 1 : i32
    %sub3A_16 = arith.subi %div3A, %sub3A : i32
    %select_n3A = arith.select %and3A, %sub3A_16, %div3A : i32
    %jit3A_17 = arith.constant 8 : i32
    %eq3A = arith.constant 0 : i32
    %eq3A_18 = arith.cmpi eq, %jit3A_17, %eq3A : i32
    %jit3A_19 = arith.constant 1 : i32
    %select_n3A_20 = arith.select %eq3A_18, %jit3A_19, %jit3A_17 : i32
    %rem3A_21 = arith.remsi %add3A, %select_n3A_20 : i32
    %ne3A_22 = arith.constant 0 : i32
    %ne3A_23 = arith.cmpi ne, %rem3A_21, %ne3A_22 : i32
    %lt3A = arith.constant 0 : i32
    %lt3A_24 = arith.cmpi slt, %rem3A_21, %lt3A : i32
    %lt3A_25 = arith.constant 0 : i32
    %lt3A_26 = arith.cmpi slt, %select_n3A_20, %lt3A_25 : i32
    %ne3A_27 = arith.xori %lt3A_24, %lt3A_26 : i1
    %and3A_28 = arith.andi %ne3A_27, %ne3A_23 : i1
    %add3A_29 = arith.addi %rem3A_21, %select_n3A_20 : i32
    %select_n3A_30 = arith.select %and3A_28, %add3A_29, %rem3A_21 : i32
    %mul3A_31 = arith.constant 512 : i32
    %mul3A_32 = arith.muli %select_n3A_30, %mul3A_31 : i32
    "tpu.region"() ({
      %run_scoped3A = tpu.sem_alloc : memref<!tpu.dma_semaphore, #tpu.memory_space<semaphore_mem>>
      %dma_start3A = arith.constant 0 : i32
      %dma_start3A_104 = tpu.memref_slice %arg2[%select_n3A, %dma_start3A] : memref<4x4096xf32, #tpu.memory_space<hbm>> -> memref<1x4096xf32, #tpu.memory_space<hbm>>
      %dma_start3A_105 = tpu.memref_squeeze %dma_start3A_104 : memref<1x4096xf32, #tpu.memory_space<hbm>> -> memref<4096xf32, #tpu.memory_space<hbm>>
      %dma_start3A_106 = arith.constant 0 : i32
      %dma_start3A_107 = tpu.memref_slice %arg2[%select_n3A, %dma_start3A_106] : memref<4x4096xf32, #tpu.memory_space<hbm>> -> memref<1x4096xf32, #tpu.memory_space<hbm>>
      %dma_start3A_108 = tpu.memref_squeeze %dma_start3A_107 : memref<1x4096xf32, #tpu.memory_space<hbm>> -> memref<4096xf32, #tpu.memory_space<hbm>>
      tpu.enqueue_dma source(%dma_start3A_108 : memref<4096xf32, #tpu.memory_space<hbm>>) target(%arg19 : memref<4096xf32, #tpu.memory_space<vmem>>) target_semaphore(%run_scoped3A : memref<!tpu.dma_semaphore, #tpu.memory_space<semaphore_mem>>)
      %dma_wait3A = arith.constant 0 : i32
      %dma_wait3A_109 = tpu.memref_slice %arg2[%select_n3A, %dma_wait3A] : memref<4x4096xf32, #tpu.memory_space<hbm>> -> memref<1x4096xf32, #tpu.memory_space<hbm>>
      %dma_wait3A_110 = tpu.memref_squeeze %dma_wait3A_109 : memref<1x4096xf32, #tpu.memory_space<hbm>> -> memref<4096xf32, #tpu.memory_space<hbm>>
      %dma_wait3A_111 = arith.constant 0 : i32
      %dma_wait3A_112 = tpu.memref_slice %arg2[%select_n3A, %dma_wait3A_111] : memref<4x4096xf32, #tpu.memory_space<hbm>> -> memref<1x4096xf32, #tpu.memory_space<hbm>>
      %dma_wait3A_113 = tpu.memref_squeeze %dma_wait3A_112 : memref<1x4096xf32, #tpu.memory_space<hbm>> -> memref<4096xf32, #tpu.memory_space<hbm>>
      tpu.wait_dma2 semaphore(%run_scoped3A : memref<!tpu.dma_semaphore, #tpu.memory_space<semaphore_mem>>) src(%dma_wait3A_113 : memref<4096xf32, #tpu.memory_space<hbm>>) dst(%arg19 : memref<4096xf32, #tpu.memory_space<vmem>>)
      tpu.yield
    }) : () -> ()
    "tpu.region"() ({
      %run_scoped3A = tpu.sem_alloc : memref<!tpu.dma_semaphore, #tpu.memory_space<semaphore_mem>>
      %dma_start3A = arith.constant 0 : i32
      %dma_start3A_104 = tpu.memref_slice %arg3[%select_n3A, %dma_start3A] : memref<4x4096xf32, #tpu.memory_space<hbm>> -> memref<1x4096xf32, #tpu.memory_space<hbm>>
      %dma_start3A_105 = tpu.memref_squeeze %dma_start3A_104 : memref<1x4096xf32, #tpu.memory_space<hbm>> -> memref<4096xf32, #tpu.memory_space<hbm>>
      %dma_start3A_106 = arith.constant 0 : i32
      %dma_start3A_107 = tpu.memref_slice %arg3[%select_n3A, %dma_start3A_106] : memref<4x4096xf32, #tpu.memory_space<hbm>> -> memref<1x4096xf32, #tpu.memory_space<hbm>>
      %dma_start3A_108 = tpu.memref_squeeze %dma_start3A_107 : memref<1x4096xf32, #tpu.memory_space<hbm>> -> memref<4096xf32, #tpu.memory_space<hbm>>
      tpu.enqueue_dma source(%dma_start3A_108 : memref<4096xf32, #tpu.memory_space<hbm>>) target(%arg20 : memref<4096xf32, #tpu.memory_space<vmem>>) target_semaphore(%run_scoped3A : memref<!tpu.dma_semaphore, #tpu.memory_space<semaphore_mem>>)
      %dma_wait3A = arith.constant 0 : i32
      %dma_wait3A_109 = tpu.memref_slice %arg3[%select_n3A, %dma_wait3A] : memref<4x4096xf32, #tpu.memory_space<hbm>> -> memref<1x4096xf32, #tpu.memory_space<hbm>>
      %dma_wait3A_110 = tpu.memref_squeeze %dma_wait3A_109 : memref<1x4096xf32, #tpu.memory_space<hbm>> -> memref<4096xf32, #tpu.memory_space<hbm>>
      %dma_wait3A_111 = arith.constant 0 : i32
      %dma_wait3A_112 = tpu.memref_slice %arg3[%select_n3A, %dma_wait3A_111] : memref<4x4096xf32, #tpu.memory_space<hbm>> -> memref<1x4096xf32, #tpu.memory_space<hbm>>
      %dma_wait3A_113 = tpu.memref_squeeze %dma_wait3A_112 : memref<1x4096xf32, #tpu.memory_space<hbm>> -> memref<4096xf32, #tpu.memory_space<hbm>>
      tpu.wait_dma2 semaphore(%run_scoped3A : memref<!tpu.dma_semaphore, #tpu.memory_space<semaphore_mem>>) src(%dma_wait3A_113 : memref<4096xf32, #tpu.memory_space<hbm>>) dst(%arg20 : memref<4096xf32, #tpu.memory_space<vmem>>)
      tpu.yield
    }) : () -> ()
    "tpu.region"() ({
      %run_scoped3A = tpu.sem_alloc : memref<!tpu.dma_semaphore, #tpu.memory_space<semaphore_mem>>
      %dma_start3A = arith.constant 0 : i32
      %dma_start3A_104 = tpu.memref_slice %arg4[%select_n3A, %dma_start3A] : memref<4x4096xf32, #tpu.memory_space<hbm>> -> memref<1x4096xf32, #tpu.memory_space<hbm>>
      %dma_start3A_105 = tpu.memref_squeeze %dma_start3A_104 : memref<1x4096xf32, #tpu.memory_space<hbm>> -> memref<4096xf32, #tpu.memory_space<hbm>>
      %dma_start3A_106 = arith.constant 0 : i32
      %dma_start3A_107 = tpu.memref_slice %arg4[%select_n3A, %dma_start3A_106] : memref<4x4096xf32, #tpu.memory_space<hbm>> -> memref<1x4096xf32, #tpu.memory_space<hbm>>
      %dma_start3A_108 = tpu.memref_squeeze %dma_start3A_107 : memref<1x4096xf32, #tpu.memory_space<hbm>> -> memref<4096xf32, #tpu.memory_space<hbm>>
      tpu.enqueue_dma source(%dma_start3A_108 : memref<4096xf32, #tpu.memory_space<hbm>>) target(%arg21 : memref<4096xf32, #tpu.memory_space<vmem>>) target_semaphore(%run_scoped3A : memref<!tpu.dma_semaphore, #tpu.memory_space<semaphore_mem>>)
      %dma_wait3A = arith.constant 0 : i32
      %dma_wait3A_109 = tpu.memref_slice %arg4[%select_n3A, %dma_wait3A] : memref<4x4096xf32, #tpu.memory_space<hbm>> -> memref<1x4096xf32, #tpu.memory_space<hbm>>
      %dma_wait3A_110 = tpu.memref_squeeze %dma_wait3A_109 : memref<1x4096xf32, #tpu.memory_space<hbm>> -> memref<4096xf32, #tpu.memory_space<hbm>>
      %dma_wait3A_111 = arith.constant 0 : i32
      %dma_wait3A_112 = tpu.memref_slice %arg4[%select_n3A, %dma_wait3A_111] : memref<4x4096xf32, #tpu.memory_space<hbm>> -> memref<1x4096xf32, #tpu.memory_space<hbm>>
      %dma_wait3A_113 = tpu.memref_squeeze %dma_wait3A_112 : memref<1x4096xf32, #tpu.memory_space<hbm>> -> memref<4096xf32, #tpu.memory_space<hbm>>
      tpu.wait_dma2 semaphore(%run_scoped3A : memref<!tpu.dma_semaphore, #tpu.memory_space<semaphore_mem>>) src(%dma_wait3A_113 : memref<4096xf32, #tpu.memory_space<hbm>>) dst(%arg21 : memref<4096xf32, #tpu.memory_space<vmem>>)
      tpu.yield
    }) : () -> ()
    "tpu.region"() ({
      %run_scoped3A = tpu.sem_alloc : memref<!tpu.dma_semaphore, #tpu.memory_space<semaphore_mem>>
      %dma_start3A = arith.constant 0 : i32
      %dma_start3A_104 = tpu.memref_slice %arg5[%select_n3A, %dma_start3A] : memref<4x4096xf32, #tpu.memory_space<hbm>> -> memref<1x4096xf32, #tpu.memory_space<hbm>>
      %dma_start3A_105 = tpu.memref_squeeze %dma_start3A_104 : memref<1x4096xf32, #tpu.memory_space<hbm>> -> memref<4096xf32, #tpu.memory_space<hbm>>
      %dma_start3A_106 = arith.constant 0 : i32
      %dma_start3A_107 = tpu.memref_slice %arg5[%select_n3A, %dma_start3A_106] : memref<4x4096xf32, #tpu.memory_space<hbm>> -> memref<1x4096xf32, #tpu.memory_space<hbm>>
      %dma_start3A_108 = tpu.memref_squeeze %dma_start3A_107 : memref<1x4096xf32, #tpu.memory_space<hbm>> -> memref<4096xf32, #tpu.memory_space<hbm>>
      tpu.enqueue_dma source(%dma_start3A_108 : memref<4096xf32, #tpu.memory_space<hbm>>) target(%arg15 : memref<4096xf32, #tpu.memory_space<vmem>>) target_semaphore(%run_scoped3A : memref<!tpu.dma_semaphore, #tpu.memory_space<semaphore_mem>>)
      %dma_wait3A = arith.constant 0 : i32
      %dma_wait3A_109 = tpu.memref_slice %arg5[%select_n3A, %dma_wait3A] : memref<4x4096xf32, #tpu.memory_space<hbm>> -> memref<1x4096xf32, #tpu.memory_space<hbm>>
      %dma_wait3A_110 = tpu.memref_squeeze %dma_wait3A_109 : memref<1x4096xf32, #tpu.memory_space<hbm>> -> memref<4096xf32, #tpu.memory_space<hbm>>
      %dma_wait3A_111 = arith.constant 0 : i32
      %dma_wait3A_112 = tpu.memref_slice %arg5[%select_n3A, %dma_wait3A_111] : memref<4x4096xf32, #tpu.memory_space<hbm>> -> memref<1x4096xf32, #tpu.memory_space<hbm>>
      %dma_wait3A_113 = tpu.memref_squeeze %dma_wait3A_112 : memref<1x4096xf32, #tpu.memory_space<hbm>> -> memref<4096xf32, #tpu.memory_space<hbm>>
      tpu.wait_dma2 semaphore(%run_scoped3A : memref<!tpu.dma_semaphore, #tpu.memory_space<semaphore_mem>>) src(%dma_wait3A_113 : memref<4096xf32, #tpu.memory_space<hbm>>) dst(%arg15 : memref<4096xf32, #tpu.memory_space<vmem>>)
      tpu.yield
    }) : () -> ()
    "tpu.region"() ({
      %run_scoped3A = tpu.sem_alloc : memref<!tpu.dma_semaphore, #tpu.memory_space<semaphore_mem>>
      %dma_start3A = arith.constant 0 : i32
      %dma_start3A_104 = tpu.memref_slice %arg6[%select_n3A, %dma_start3A] : memref<4x4096xf32, #tpu.memory_space<hbm>> -> memref<1x4096xf32, #tpu.memory_space<hbm>>
      %dma_start3A_105 = tpu.memref_squeeze %dma_start3A_104 : memref<1x4096xf32, #tpu.memory_space<hbm>> -> memref<4096xf32, #tpu.memory_space<hbm>>
      %dma_start3A_106 = arith.constant 0 : i32
      %dma_start3A_107 = tpu.memref_slice %arg6[%select_n3A, %dma_start3A_106] : memref<4x4096xf32, #tpu.memory_space<hbm>> -> memref<1x4096xf32, #tpu.memory_space<hbm>>
      %dma_start3A_108 = tpu.memref_squeeze %dma_start3A_107 : memref<1x4096xf32, #tpu.memory_space<hbm>> -> memref<4096xf32, #tpu.memory_space<hbm>>
      tpu.enqueue_dma source(%dma_start3A_108 : memref<4096xf32, #tpu.memory_space<hbm>>) target(%arg16 : memref<4096xf32, #tpu.memory_space<vmem>>) target_semaphore(%run_scoped3A : memref<!tpu.dma_semaphore, #tpu.memory_space<semaphore_mem>>)
      %dma_wait3A = arith.constant 0 : i32
      %dma_wait3A_109 = tpu.memref_slice %arg6[%select_n3A, %dma_wait3A] : memref<4x4096xf32, #tpu.memory_space<hbm>> -> memref<1x4096xf32, #tpu.memory_space<hbm>>
      %dma_wait3A_110 = tpu.memref_squeeze %dma_wait3A_109 : memref<1x4096xf32, #tpu.memory_space<hbm>> -> memref<4096xf32, #tpu.memory_space<hbm>>
      %dma_wait3A_111 = arith.constant 0 : i32
      %dma_wait3A_112 = tpu.memref_slice %arg6[%select_n3A, %dma_wait3A_111] : memref<4x4096xf32, #tpu.memory_space<hbm>> -> memref<1x4096xf32, #tpu.memory_space<hbm>>
      %dma_wait3A_113 = tpu.memref_squeeze %dma_wait3A_112 : memref<1x4096xf32, #tpu.memory_space<hbm>> -> memref<4096xf32, #tpu.memory_space<hbm>>
      tpu.wait_dma2 semaphore(%run_scoped3A : memref<!tpu.dma_semaphore, #tpu.memory_space<semaphore_mem>>) src(%dma_wait3A_113 : memref<4096xf32, #tpu.memory_space<hbm>>) dst(%arg16 : memref<4096xf32, #tpu.memory_space<vmem>>)
      tpu.yield
    }) : () -> ()
    "tpu.region"() ({
      %run_scoped3A = tpu.sem_alloc : memref<!tpu.dma_semaphore, #tpu.memory_space<semaphore_mem>>
      %dma_start3A = arith.constant 0 : i32
      %dma_start3A_104 = tpu.memref_slice %arg7[%select_n3A, %dma_start3A] : memref<4x4096xf32, #tpu.memory_space<hbm>> -> memref<1x4096xf32, #tpu.memory_space<hbm>>
      %dma_start3A_105 = tpu.memref_squeeze %dma_start3A_104 : memref<1x4096xf32, #tpu.memory_space<hbm>> -> memref<4096xf32, #tpu.memory_space<hbm>>
      %dma_start3A_106 = arith.constant 0 : i32
      %dma_start3A_107 = tpu.memref_slice %arg7[%select_n3A, %dma_start3A_106] : memref<4x4096xf32, #tpu.memory_space<hbm>> -> memref<1x4096xf32, #tpu.memory_space<hbm>>
      %dma_start3A_108 = tpu.memref_squeeze %dma_start3A_107 : memref<1x4096xf32, #tpu.memory_space<hbm>> -> memref<4096xf32, #tpu.memory_space<hbm>>
      tpu.enqueue_dma source(%dma_start3A_108 : memref<4096xf32, #tpu.memory_space<hbm>>) target(%arg17 : memref<4096xf32, #tpu.memory_space<vmem>>) target_semaphore(%run_scoped3A : memref<!tpu.dma_semaphore, #tpu.memory_space<semaphore_mem>>)
      %dma_wait3A = arith.constant 0 : i32
      %dma_wait3A_109 = tpu.memref_slice %arg7[%select_n3A, %dma_wait3A] : memref<4x4096xf32, #tpu.memory_space<hbm>> -> memref<1x4096xf32, #tpu.memory_space<hbm>>
      %dma_wait3A_110 = tpu.memref_squeeze %dma_wait3A_109 : memref<1x4096xf32, #tpu.memory_space<hbm>> -> memref<4096xf32, #tpu.memory_space<hbm>>
      %dma_wait3A_111 = arith.constant 0 : i32
      %dma_wait3A_112 = tpu.memref_slice %arg7[%select_n3A, %dma_wait3A_111] : memref<4x4096xf32, #tpu.memory_space<hbm>> -> memref<1x4096xf32, #tpu.memory_space<hbm>>
      %dma_wait3A_113 = tpu.memref_squeeze %dma_wait3A_112 : memref<1x4096xf32, #tpu.memory_space<hbm>> -> memref<4096xf32, #tpu.memory_space<hbm>>
      tpu.wait_dma2 semaphore(%run_scoped3A : memref<!tpu.dma_semaphore, #tpu.memory_space<semaphore_mem>>) src(%dma_wait3A_113 : memref<4096xf32, #tpu.memory_space<hbm>>) dst(%arg17 : memref<4096xf32, #tpu.memory_space<vmem>>)
      tpu.yield
    }) : () -> ()
    "tpu.region"() ({
      %run_scoped3A = tpu.sem_alloc : memref<!tpu.dma_semaphore, #tpu.memory_space<semaphore_mem>>
      %dma_start3A = tpu.memref_slice %arg8[%select_n3A, %mul3A_32] : memref<4x4096xf32, #tpu.memory_space<hbm>> -> memref<1x512xf32, #tpu.memory_space<hbm>>
      %dma_start3A_104 = tpu.memref_squeeze %dma_start3A : memref<1x512xf32, #tpu.memory_space<hbm>> -> memref<512xf32, #tpu.memory_space<hbm>>
      %dma_start3A_105 = tpu.memref_slice %arg8[%select_n3A, %mul3A_32] : memref<4x4096xf32, #tpu.memory_space<hbm>> -> memref<1x512xf32, #tpu.memory_space<hbm>>
      %dma_start3A_106 = tpu.memref_squeeze %dma_start3A_105 : memref<1x512xf32, #tpu.memory_space<hbm>> -> memref<512xf32, #tpu.memory_space<hbm>>
      tpu.enqueue_dma source(%dma_start3A_106 : memref<512xf32, #tpu.memory_space<hbm>>) target(%arg26 : memref<512xf32, #tpu.memory_space<vmem>>) target_semaphore(%run_scoped3A : memref<!tpu.dma_semaphore, #tpu.memory_space<semaphore_mem>>)
      %dma_wait3A = tpu.memref_slice %arg8[%select_n3A, %mul3A_32] : memref<4x4096xf32, #tpu.memory_space<hbm>> -> memref<1x512xf32, #tpu.memory_space<hbm>>
      %dma_wait3A_107 = tpu.memref_squeeze %dma_wait3A : memref<1x512xf32, #tpu.memory_space<hbm>> -> memref<512xf32, #tpu.memory_space<hbm>>
      %dma_wait3A_108 = tpu.memref_slice %arg8[%select_n3A, %mul3A_32] : memref<4x4096xf32, #tpu.memory_space<hbm>> -> memref<1x512xf32, #tpu.memory_space<hbm>>
      %dma_wait3A_109 = tpu.memref_squeeze %dma_wait3A_108 : memref<1x512xf32, #tpu.memory_space<hbm>> -> memref<512xf32, #tpu.memory_space<hbm>>
      tpu.wait_dma2 semaphore(%run_scoped3A : memref<!tpu.dma_semaphore, #tpu.memory_space<semaphore_mem>>) src(%dma_wait3A_109 : memref<512xf32, #tpu.memory_space<hbm>>) dst(%arg26 : memref<512xf32, #tpu.memory_space<vmem>>)
      tpu.yield
    }) : () -> ()
    "tpu.region"() ({
      %run_scoped3A = tpu.sem_alloc : memref<!tpu.dma_semaphore, #tpu.memory_space<semaphore_mem>>
      %dma_start3A = tpu.memref_slice %arg9[%select_n3A, %mul3A_32] : memref<4x4096xf32, #tpu.memory_space<hbm>> -> memref<1x512xf32, #tpu.memory_space<hbm>>
      %dma_start3A_104 = tpu.memref_squeeze %dma_start3A : memref<1x512xf32, #tpu.memory_space<hbm>> -> memref<512xf32, #tpu.memory_space<hbm>>
      %dma_start3A_105 = tpu.memref_slice %arg9[%select_n3A, %mul3A_32] : memref<4x4096xf32, #tpu.memory_space<hbm>> -> memref<1x512xf32, #tpu.memory_space<hbm>>
      %dma_start3A_106 = tpu.memref_squeeze %dma_start3A_105 : memref<1x512xf32, #tpu.memory_space<hbm>> -> memref<512xf32, #tpu.memory_space<hbm>>
      tpu.enqueue_dma source(%dma_start3A_106 : memref<512xf32, #tpu.memory_space<hbm>>) target(%arg27 : memref<512xf32, #tpu.memory_space<vmem>>) target_semaphore(%run_scoped3A : memref<!tpu.dma_semaphore, #tpu.memory_space<semaphore_mem>>)
      %dma_wait3A = tpu.memref_slice %arg9[%select_n3A, %mul3A_32] : memref<4x4096xf32, #tpu.memory_space<hbm>> -> memref<1x512xf32, #tpu.memory_space<hbm>>
      %dma_wait3A_107 = tpu.memref_squeeze %dma_wait3A : memref<1x512xf32, #tpu.memory_space<hbm>> -> memref<512xf32, #tpu.memory_space<hbm>>
      %dma_wait3A_108 = tpu.memref_slice %arg9[%select_n3A, %mul3A_32] : memref<4x4096xf32, #tpu.memory_space<hbm>> -> memref<1x512xf32, #tpu.memory_space<hbm>>
      %dma_wait3A_109 = tpu.memref_squeeze %dma_wait3A_108 : memref<1x512xf32, #tpu.memory_space<hbm>> -> memref<512xf32, #tpu.memory_space<hbm>>
      tpu.wait_dma2 semaphore(%run_scoped3A : memref<!tpu.dma_semaphore, #tpu.memory_space<semaphore_mem>>) src(%dma_wait3A_109 : memref<512xf32, #tpu.memory_space<hbm>>) dst(%arg27 : memref<512xf32, #tpu.memory_space<vmem>>)
      tpu.yield
    }) : () -> ()
    "tpu.region"() ({
      %run_scoped3A = tpu.sem_alloc : memref<!tpu.dma_semaphore, #tpu.memory_space<semaphore_mem>>
      %dma_start3A = tpu.memref_slice %arg10[%select_n3A, %mul3A_32] : memref<4x4096xf32, #tpu.memory_space<hbm>> -> memref<1x512xf32, #tpu.memory_space<hbm>>
      %dma_start3A_104 = tpu.memref_squeeze %dma_start3A : memref<1x512xf32, #tpu.memory_space<hbm>> -> memref<512xf32, #tpu.memory_space<hbm>>
      %dma_start3A_105 = tpu.memref_slice %arg10[%select_n3A, %mul3A_32] : memref<4x4096xf32, #tpu.memory_space<hbm>> -> memref<1x512xf32, #tpu.memory_space<hbm>>
      %dma_start3A_106 = tpu.memref_squeeze %dma_start3A_105 : memref<1x512xf32, #tpu.memory_space<hbm>> -> memref<512xf32, #tpu.memory_space<hbm>>
      tpu.enqueue_dma source(%dma_start3A_106 : memref<512xf32, #tpu.memory_space<hbm>>) target(%arg28 : memref<512xf32, #tpu.memory_space<vmem>>) target_semaphore(%run_scoped3A : memref<!tpu.dma_semaphore, #tpu.memory_space<semaphore_mem>>)
      %dma_wait3A = tpu.memref_slice %arg10[%select_n3A, %mul3A_32] : memref<4x4096xf32, #tpu.memory_space<hbm>> -> memref<1x512xf32, #tpu.memory_space<hbm>>
      %dma_wait3A_107 = tpu.memref_squeeze %dma_wait3A : memref<1x512xf32, #tpu.memory_space<hbm>> -> memref<512xf32, #tpu.memory_space<hbm>>
      %dma_wait3A_108 = tpu.memref_slice %arg10[%select_n3A, %mul3A_32] : memref<4x4096xf32, #tpu.memory_space<hbm>> -> memref<1x512xf32, #tpu.memory_space<hbm>>
      %dma_wait3A_109 = tpu.memref_squeeze %dma_wait3A_108 : memref<1x512xf32, #tpu.memory_space<hbm>> -> memref<512xf32, #tpu.memory_space<hbm>>
      tpu.wait_dma2 semaphore(%run_scoped3A : memref<!tpu.dma_semaphore, #tpu.memory_space<semaphore_mem>>) src(%dma_wait3A_109 : memref<512xf32, #tpu.memory_space<hbm>>) dst(%arg28 : memref<512xf32, #tpu.memory_space<vmem>>)
      tpu.yield
    }) : () -> ()
    "tpu.region"() ({
      %run_scoped3A = tpu.sem_alloc : memref<!tpu.dma_semaphore, #tpu.memory_space<semaphore_mem>>
      %dma_start3A = tpu.memref_slice %arg11[%select_n3A, %mul3A_32] : memref<4x4096xf32, #tpu.memory_space<hbm>> -> memref<1x512xf32, #tpu.memory_space<hbm>>
      %dma_start3A_104 = tpu.memref_squeeze %dma_start3A : memref<1x512xf32, #tpu.memory_space<hbm>> -> memref<512xf32, #tpu.memory_space<hbm>>
      %dma_start3A_105 = tpu.memref_slice %arg11[%select_n3A, %mul3A_32] : memref<4x4096xf32, #tpu.memory_space<hbm>> -> memref<1x512xf32, #tpu.memory_space<hbm>>
      %dma_start3A_106 = tpu.memref_squeeze %dma_start3A_105 : memref<1x512xf32, #tpu.memory_space<hbm>> -> memref<512xf32, #tpu.memory_space<hbm>>
      tpu.enqueue_dma source(%dma_start3A_106 : memref<512xf32, #tpu.memory_space<hbm>>) target(%arg22 : memref<512xf32, #tpu.memory_space<vmem>>) target_semaphore(%run_scoped3A : memref<!tpu.dma_semaphore, #tpu.memory_space<semaphore_mem>>)
      %dma_wait3A = tpu.memref_slice %arg11[%select_n3A, %mul3A_32] : memref<4x4096xf32, #tpu.memory_space<hbm>> -> memref<1x512xf32, #tpu.memory_space<hbm>>
      %dma_wait3A_107 = tpu.memref_squeeze %dma_wait3A : memref<1x512xf32, #tpu.memory_space<hbm>> -> memref<512xf32, #tpu.memory_space<hbm>>
      %dma_wait3A_108 = tpu.memref_slice %arg11[%select_n3A, %mul3A_32] : memref<4x4096xf32, #tpu.memory_space<hbm>> -> memref<1x512xf32, #tpu.memory_space<hbm>>
      %dma_wait3A_109 = tpu.memref_squeeze %dma_wait3A_108 : memref<1x512xf32, #tpu.memory_space<hbm>> -> memref<512xf32, #tpu.memory_space<hbm>>
      tpu.wait_dma2 semaphore(%run_scoped3A : memref<!tpu.dma_semaphore, #tpu.memory_space<semaphore_mem>>) src(%dma_wait3A_109 : memref<512xf32, #tpu.memory_space<hbm>>) dst(%arg22 : memref<512xf32, #tpu.memory_space<vmem>>)
      tpu.yield
    }) : () -> ()
    "tpu.region"() ({
      %run_scoped3A = tpu.sem_alloc : memref<!tpu.dma_semaphore, #tpu.memory_space<semaphore_mem>>
      %dma_start3A = tpu.memref_slice %arg12[%select_n3A, %mul3A_32] : memref<4x4096xf32, #tpu.memory_space<hbm>> -> memref<1x512xf32, #tpu.memory_space<hbm>>
      %dma_start3A_104 = tpu.memref_squeeze %dma_start3A : memref<1x512xf32, #tpu.memory_space<hbm>> -> memref<512xf32, #tpu.memory_space<hbm>>
      %dma_start3A_105 = tpu.memref_slice %arg12[%select_n3A, %mul3A_32] : memref<4x4096xf32, #tpu.memory_space<hbm>> -> memref<1x512xf32, #tpu.memory_space<hbm>>
      %dma_start3A_106 = tpu.memref_squeeze %dma_start3A_105 : memref<1x512xf32, #tpu.memory_space<hbm>> -> memref<512xf32, #tpu.memory_space<hbm>>
      tpu.enqueue_dma source(%dma_start3A_106 : memref<512xf32, #tpu.memory_space<hbm>>) target(%arg23 : memref<512xf32, #tpu.memory_space<vmem>>) target_semaphore(%run_scoped3A : memref<!tpu.dma_semaphore, #tpu.memory_space<semaphore_mem>>)
      %dma_wait3A = tpu.memref_slice %arg12[%select_n3A, %mul3A_32] : memref<4x4096xf32, #tpu.memory_space<hbm>> -> memref<1x512xf32, #tpu.memory_space<hbm>>
      %dma_wait3A_107 = tpu.memref_squeeze %dma_wait3A : memref<1x512xf32, #tpu.memory_space<hbm>> -> memref<512xf32, #tpu.memory_space<hbm>>
      %dma_wait3A_108 = tpu.memref_slice %arg12[%select_n3A, %mul3A_32] : memref<4x4096xf32, #tpu.memory_space<hbm>> -> memref<1x512xf32, #tpu.memory_space<hbm>>
      %dma_wait3A_109 = tpu.memref_squeeze %dma_wait3A_108 : memref<1x512xf32, #tpu.memory_space<hbm>> -> memref<512xf32, #tpu.memory_space<hbm>>
      tpu.wait_dma2 semaphore(%run_scoped3A : memref<!tpu.dma_semaphore, #tpu.memory_space<semaphore_mem>>) src(%dma_wait3A_109 : memref<512xf32, #tpu.memory_space<hbm>>) dst(%arg23 : memref<512xf32, #tpu.memory_space<vmem>>)
      tpu.yield
    }) : () -> ()
    "tpu.region"() ({
      %run_scoped3A = tpu.sem_alloc : memref<!tpu.dma_semaphore, #tpu.memory_space<semaphore_mem>>
      %dma_start3A = tpu.memref_slice %arg13[%select_n3A, %mul3A_32] : memref<4x4096xf32, #tpu.memory_space<hbm>> -> memref<1x512xf32, #tpu.memory_space<hbm>>
      %dma_start3A_104 = tpu.memref_squeeze %dma_start3A : memref<1x512xf32, #tpu.memory_space<hbm>> -> memref<512xf32, #tpu.memory_space<hbm>>
      %dma_start3A_105 = tpu.memref_slice %arg13[%select_n3A, %mul3A_32] : memref<4x4096xf32, #tpu.memory_space<hbm>> -> memref<1x512xf32, #tpu.memory_space<hbm>>
      %dma_start3A_106 = tpu.memref_squeeze %dma_start3A_105 : memref<1x512xf32, #tpu.memory_space<hbm>> -> memref<512xf32, #tpu.memory_space<hbm>>
      tpu.enqueue_dma source(%dma_start3A_106 : memref<512xf32, #tpu.memory_space<hbm>>) target(%arg24 : memref<512xf32, #tpu.memory_space<vmem>>) target_semaphore(%run_scoped3A : memref<!tpu.dma_semaphore, #tpu.memory_space<semaphore_mem>>)
      %dma_wait3A = tpu.memref_slice %arg13[%select_n3A, %mul3A_32] : memref<4x4096xf32, #tpu.memory_space<hbm>> -> memref<1x512xf32, #tpu.memory_space<hbm>>
      %dma_wait3A_107 = tpu.memref_squeeze %dma_wait3A : memref<1x512xf32, #tpu.memory_space<hbm>> -> memref<512xf32, #tpu.memory_space<hbm>>
      %dma_wait3A_108 = tpu.memref_slice %arg13[%select_n3A, %mul3A_32] : memref<4x4096xf32, #tpu.memory_space<hbm>> -> memref<1x512xf32, #tpu.memory_space<hbm>>
      %dma_wait3A_109 = tpu.memref_squeeze %dma_wait3A_108 : memref<1x512xf32, #tpu.memory_space<hbm>> -> memref<512xf32, #tpu.memory_space<hbm>>
      tpu.wait_dma2 semaphore(%run_scoped3A : memref<!tpu.dma_semaphore, #tpu.memory_space<semaphore_mem>>) src(%dma_wait3A_109 : memref<512xf32, #tpu.memory_space<hbm>>) dst(%arg24 : memref<512xf32, #tpu.memory_space<vmem>>)
      tpu.yield
    }) : () -> ()
    %iota3A = tpu.iota {dimensions = array<i32: 0>} : vector<16xi32>
    %scan3A = arith.constant 0 : i32
    %scan3A_33 = arith.constant 0 : i32
    %scan3A_34 = arith.constant 256 : i32
    %scan3A_35 = arith.addi %scan3A_33, %scan3A_34 : i32
    %scan3A_36 = arith.constant 4 : i32
    %scan3A_37 = scf.for %scan3A_104 = %scan3A_33 to %scan3A_35 step %scan3A_36 iter_args(%scan3A_105 = %scan3A) -> (i32)  : i32 {
      %mul3A_106 = arith.constant 16 : i32
      %mul3A_107 = arith.muli %scan3A_104, %mul3A_106 : i32
      %get3A = arith.index_cast %mul3A_107 : i32 to index
      %get3A_108 = tpu.vector_load %arg19[%get3A] {strides = array<i32>} : memref<4096xf32, #tpu.memory_space<vmem>>, vector<16xf32>,
      %get3A_109 = arith.index_cast %mul3A_107 : i32 to index
      %get3A_110 = tpu.vector_load %arg19[%get3A_109] {strides = array<i32>} : memref<4096xf32, #tpu.memory_space<vmem>>, vector<16xf32>,
      %mul3A_111 = arith.mulf %get3A_108, %get3A_110 : vector<16xf32>
      %get3A_112 = arith.index_cast %mul3A_107 : i32 to index
      %get3A_113 = tpu.vector_load %arg20[%get3A_112] {strides = array<i32>} : memref<4096xf32, #tpu.memory_space<vmem>>, vector<16xf32>,
      %get3A_114 = arith.index_cast %mul3A_107 : i32 to index
      %get3A_115 = tpu.vector_load %arg20[%get3A_114] {strides = array<i32>} : memref<4096xf32, #tpu.memory_space<vmem>>, vector<16xf32>,
      %mul3A_116 = arith.mulf %get3A_113, %get3A_115 : vector<16xf32>
      %add3A_117 = arith.addf %mul3A_111, %mul3A_116 : vector<16xf32>
      %get3A_118 = arith.index_cast %mul3A_107 : i32 to index
      %get3A_119 = tpu.vector_load %arg21[%get3A_118] {strides = array<i32>} : memref<4096xf32, #tpu.memory_space<vmem>>, vector<16xf32>,
      %get3A_120 = arith.index_cast %mul3A_107 : i32 to index
      %get3A_121 = tpu.vector_load %arg21[%get3A_120] {strides = array<i32>} : memref<4096xf32, #tpu.memory_space<vmem>>, vector<16xf32>,
      %mul3A_122 = arith.mulf %get3A_119, %get3A_121 : vector<16xf32>
      %add3A_123 = arith.addf %add3A_117, %mul3A_122 : vector<16xf32>
      %swap3A_124 = arith.index_cast %mul3A_107 : i32 to index
      %swap3A_125 = tpu.vector_load %arg18[%swap3A_124] {strides = array<i32>} : memref<4096xf32, #tpu.memory_space<vmem>>, vector<16xf32>,
      tpu.vector_store %arg18[%swap3A_124], %add3A_123 {strides = array<i32>} : memref<4096xf32, #tpu.memory_space<vmem>>, vector<16xf32>,
      %scan3A_126 = arith.constant 0 : i32
      %scan3A_127 = arith.constant 1 : i32
      %scan3A_128 = arith.addi %scan3A_104, %scan3A_127 : i32
      %mul3A_129 = arith.constant 16 : i32
      %mul3A_130 = arith.muli %scan3A_128, %mul3A_129 : i32
      %get3A_131 = arith.index_cast %mul3A_130 : i32 to index
      %get3A_132 = tpu.vector_load %arg19[%get3A_131] {strides = array<i32>} : memref<4096xf32, #tpu.memory_space<vmem>>, vector<16xf32>,
      %get3A_133 = arith.index_cast %mul3A_130 : i32 to index
      %get3A_134 = tpu.vector_load %arg19[%get3A_133] {strides = array<i32>} : memref<4096xf32, #tpu.memory_space<vmem>>, vector<16xf32>,
      %mul3A_135 = arith.mulf %get3A_132, %get3A_134 : vector<16xf32>
      %get3A_136 = arith.index_cast %mul3A_130 : i32 to index
      %get3A_137 = tpu.vector_load %arg20[%get3A_136] {strides = array<i32>} : memref<4096xf32, #tpu.memory_space<vmem>>, vector<16xf32>,
      %get3A_138 = arith.index_cast %mul3A_130 : i32 to index
      %get3A_139 = tpu.vector_load %arg20[%get3A_138] {strides = array<i32>} : memref<4096xf32, #tpu.memory_space<vmem>>, vector<16xf32>,
      %mul3A_140 = arith.mulf %get3A_137, %get3A_139 : vector<16xf32>
      %add3A_141 = arith.addf %mul3A_135, %mul3A_140 : vector<16xf32>
      %get3A_142 = arith.index_cast %mul3A_130 : i32 to index
      %get3A_143 = tpu.vector_load %arg21[%get3A_142] {strides = array<i32>} : memref<4096xf32, #tpu.memory_space<vmem>>, vector<16xf32>,
      %get3A_144 = arith.index_cast %mul3A_130 : i32 to index
      %get3A_145 = tpu.vector_load %arg21[%get3A_144] {strides = array<i32>} : memref<4096xf32, #tpu.memory_space<vmem>>, vector<16xf32>,
      %mul3A_146 = arith.mulf %get3A_143, %get3A_145 : vector<16xf32>
      %add3A_147 = arith.addf %add3A_141, %mul3A_146 : vector<16xf32>
      %swap3A_148 = arith.index_cast %mul3A_130 : i32 to index
      %swap3A_149 = tpu.vector_load %arg18[%swap3A_148] {strides = array<i32>} : memref<4096xf32, #tpu.memory_space<vmem>>, vector<16xf32>,
      tpu.vector_store %arg18[%swap3A_148], %add3A_147 {strides = array<i32>} : memref<4096xf32, #tpu.memory_space<vmem>>, vector<16xf32>,
      %scan3A_150 = arith.constant 0 : i32
      %scan3A_151 = arith.constant 2 : i32
      %scan3A_152 = arith.addi %scan3A_104, %scan3A_151 : i32
      %mul3A_153 = arith.constant 16 : i32
      %mul3A_154 = arith.muli %scan3A_152, %mul3A_153 : i32
      %get3A_155 = arith.index_cast %mul3A_154 : i32 to index
      %get3A_156 = tpu.vector_load %arg19[%get3A_155] {strides = array<i32>} : memref<4096xf32, #tpu.memory_space<vmem>>, vector<16xf32>,
      %get3A_157 = arith.index_cast %mul3A_154 : i32 to index
      %get3A_158 = tpu.vector_load %arg19[%get3A_157] {strides = array<i32>} : memref<4096xf32, #tpu.memory_space<vmem>>, vector<16xf32>,
      %mul3A_159 = arith.mulf %get3A_156, %get3A_158 : vector<16xf32>
      %get3A_160 = arith.index_cast %mul3A_154 : i32 to index
      %get3A_161 = tpu.vector_load %arg20[%get3A_160] {strides = array<i32>} : memref<4096xf32, #tpu.memory_space<vmem>>, vector<16xf32>,
      %get3A_162 = arith.index_cast %mul3A_154 : i32 to index
      %get3A_163 = tpu.vector_load %arg20[%get3A_162] {strides = array<i32>} : memref<4096xf32, #tpu.memory_space<vmem>>, vector<16xf32>,
      %mul3A_164 = arith.mulf %get3A_161, %get3A_163 : vector<16xf32>
      %add3A_165 = arith.addf %mul3A_159, %mul3A_164 : vector<16xf32>
      %get3A_166 = arith.index_cast %mul3A_154 : i32 to index
      %get3A_167 = tpu.vector_load %arg21[%get3A_166] {strides = array<i32>} : memref<4096xf32, #tpu.memory_space<vmem>>, vector<16xf32>,
      %get3A_168 = arith.index_cast %mul3A_154 : i32 to index
      %get3A_169 = tpu.vector_load %arg21[%get3A_168] {strides = array<i32>} : memref<4096xf32, #tpu.memory_space<vmem>>, vector<16xf32>,
      %mul3A_170 = arith.mulf %get3A_167, %get3A_169 : vector<16xf32>
      %add3A_171 = arith.addf %add3A_165, %mul3A_170 : vector<16xf32>
      %swap3A_172 = arith.index_cast %mul3A_154 : i32 to index
      %swap3A_173 = tpu.vector_load %arg18[%swap3A_172] {strides = array<i32>} : memref<4096xf32, #tpu.memory_space<vmem>>, vector<16xf32>,
      tpu.vector_store %arg18[%swap3A_172], %add3A_171 {strides = array<i32>} : memref<4096xf32, #tpu.memory_space<vmem>>, vector<16xf32>,
      %scan3A_174 = arith.constant 0 : i32
      %scan3A_175 = arith.constant 3 : i32
      %scan3A_176 = arith.addi %scan3A_104, %scan3A_175 : i32
      %mul3A_177 = arith.constant 16 : i32
      %mul3A_178 = arith.muli %scan3A_176, %mul3A_177 : i32
      %get3A_179 = arith.index_cast %mul3A_178 : i32 to index
      %get3A_180 = tpu.vector_load %arg19[%get3A_179] {strides = array<i32>} : memref<4096xf32, #tpu.memory_space<vmem>>, vector<16xf32>,
      %get3A_181 = arith.index_cast %mul3A_178 : i32 to index
      %get3A_182 = tpu.vector_load %arg19[%get3A_181] {strides = array<i32>} : memref<4096xf32, #tpu.memory_space<vmem>>, vector<16xf32>,
      %mul3A_183 = arith.mulf %get3A_180, %get3A_182 : vector<16xf32>
      %get3A_184 = arith.index_cast %mul3A_178 : i32 to index
      %get3A_185 = tpu.vector_load %arg20[%get3A_184] {strides = array<i32>} : memref<4096xf32, #tpu.memory_space<vmem>>, vector<16xf32>,
      %get3A_186 = arith.index_cast %mul3A_178 : i32 to index
      %get3A_187 = tpu.vector_load %arg20[%get3A_186] {strides = array<i32>} : memref<4096xf32, #tpu.memory_space<vmem>>, vector<16xf32>,
      %mul3A_188 = arith.mulf %get3A_185, %get3A_187 : vector<16xf32>
      %add3A_189 = arith.addf %mul3A_183, %mul3A_188 : vector<16xf32>
      %get3A_190 = arith.index_cast %mul3A_178 : i32 to index
      %get3A_191 = tpu.vector_load %arg21[%get3A_190] {strides = array<i32>} : memref<4096xf32, #tpu.memory_space<vmem>>, vector<16xf32>,
      %get3A_192 = arith.index_cast %mul3A_178 : i32 to index
      %get3A_193 = tpu.vector_load %arg21[%get3A_192] {strides = array<i32>} : memref<4096xf32, #tpu.memory_space<vmem>>, vector<16xf32>,
      %mul3A_194 = arith.mulf %get3A_191, %get3A_193 : vector<16xf32>
      %add3A_195 = arith.addf %add3A_189, %mul3A_194 : vector<16xf32>
      %swap3A_196 = arith.index_cast %mul3A_178 : i32 to index
      %swap3A_197 = tpu.vector_load %arg18[%swap3A_196] {strides = array<i32>} : memref<4096xf32, #tpu.memory_space<vmem>>, vector<16xf32>,
      tpu.vector_store %arg18[%swap3A_196], %add3A_195 {strides = array<i32>} : memref<4096xf32, #tpu.memory_space<vmem>>, vector<16xf32>,
      %scan3A_198 = arith.constant 0 : i32
      scf.yield %scan3A_198 : i32
    }
    %scan3A_38 = arith.constant 256 : i32
    %scan3A_39 = arith.constant 0 : i32
    %scan3A_40 = arith.constant 0 : i32
    %scan3A_41 = arith.constant 32 : i32
    %scan3A_42 = arith.addi %scan3A_40, %scan3A_41 : i32
    %scan3A_43 = arith.constant 4 : i32
    %scan3A_44 = scf.for %scan3A_104 = %scan3A_40 to %scan3A_42 step %scan3A_43 iter_args(%scan3A_105 = %scan3A_39) -> (i32)  : i32 {
      %mul3A_106 = arith.constant 16 : i32
      %mul3A_107 = arith.muli %scan3A_104, %mul3A_106 : i32
      %get3A = arith.index_cast %mul3A_107 : i32 to index
      %get3A_108 = tpu.vector_load %arg26[%get3A] {strides = array<i32>} : memref<512xf32, #tpu.memory_space<vmem>>, vector<16xf32>,
      %get3A_109 = arith.index_cast %mul3A_107 : i32 to index
      %get3A_110 = tpu.vector_load %arg26[%get3A_109] {strides = array<i32>} : memref<512xf32, #tpu.memory_space<vmem>>, vector<16xf32>,
      %mul3A_111 = arith.mulf %get3A_108, %get3A_110 : vector<16xf32>
      %get3A_112 = arith.index_cast %mul3A_107 : i32 to index
      %get3A_113 = tpu.vector_load %arg27[%get3A_112] {strides = array<i32>} : memref<512xf32, #tpu.memory_space<vmem>>, vector<16xf32>,
      %get3A_114 = arith.index_cast %mul3A_107 : i32 to index
      %get3A_115 = tpu.vector_load %arg27[%get3A_114] {strides = array<i32>} : memref<512xf32, #tpu.memory_space<vmem>>, vector<16xf32>,
      %mul3A_116 = arith.mulf %get3A_113, %get3A_115 : vector<16xf32>
      %add3A_117 = arith.addf %mul3A_111, %mul3A_116 : vector<16xf32>
      %get3A_118 = arith.index_cast %mul3A_107 : i32 to index
      %get3A_119 = tpu.vector_load %arg28[%get3A_118] {strides = array<i32>} : memref<512xf32, #tpu.memory_space<vmem>>, vector<16xf32>,
      %get3A_120 = arith.index_cast %mul3A_107 : i32 to index
      %get3A_121 = tpu.vector_load %arg28[%get3A_120] {strides = array<i32>} : memref<512xf32, #tpu.memory_space<vmem>>, vector<16xf32>,
      %mul3A_122 = arith.mulf %get3A_119, %get3A_121 : vector<16xf32>
      %add3A_123 = arith.addf %add3A_117, %mul3A_122 : vector<16xf32>
      %swap3A_124 = arith.index_cast %mul3A_107 : i32 to index
      %swap3A_125 = tpu.vector_load %arg25[%swap3A_124] {strides = array<i32>} : memref<512xf32, #tpu.memory_space<vmem>>, vector<16xf32>,
      tpu.vector_store %arg25[%swap3A_124], %add3A_123 {strides = array<i32>} : memref<512xf32, #tpu.memory_space<vmem>>, vector<16xf32>,
      %scan3A_126 = arith.constant 0 : i32
      %scan3A_127 = arith.constant 1 : i32
      %scan3A_128 = arith.addi %scan3A_104, %scan3A_127 : i32
      %mul3A_129 = arith.constant 16 : i32
      %mul3A_130 = arith.muli %scan3A_128, %mul3A_129 : i32
      %get3A_131 = arith.index_cast %mul3A_130 : i32 to index
      %get3A_132 = tpu.vector_load %arg26[%get3A_131] {strides = array<i32>} : memref<512xf32, #tpu.memory_space<vmem>>, vector<16xf32>,
      %get3A_133 = arith.index_cast %mul3A_130 : i32 to index
      %get3A_134 = tpu.vector_load %arg26[%get3A_133] {strides = array<i32>} : memref<512xf32, #tpu.memory_space<vmem>>, vector<16xf32>,
      %mul3A_135 = arith.mulf %get3A_132, %get3A_134 : vector<16xf32>
      %get3A_136 = arith.index_cast %mul3A_130 : i32 to index
      %get3A_137 = tpu.vector_load %arg27[%get3A_136] {strides = array<i32>} : memref<512xf32, #tpu.memory_space<vmem>>, vector<16xf32>,
      %get3A_138 = arith.index_cast %mul3A_130 : i32 to index
      %get3A_139 = tpu.vector_load %arg27[%get3A_138] {strides = array<i32>} : memref<512xf32, #tpu.memory_space<vmem>>, vector<16xf32>,
      %mul3A_140 = arith.mulf %get3A_137, %get3A_139 : vector<16xf32>
      %add3A_141 = arith.addf %mul3A_135, %mul3A_140 : vector<16xf32>
      %get3A_142 = arith.index_cast %mul3A_130 : i32 to index
      %get3A_143 = tpu.vector_load %arg28[%get3A_142] {strides = array<i32>} : memref<512xf32, #tpu.memory_space<vmem>>, vector<16xf32>,
      %get3A_144 = arith.index_cast %mul3A_130 : i32 to index
      %get3A_145 = tpu.vector_load %arg28[%get3A_144] {strides = array<i32>} : memref<512xf32, #tpu.memory_space<vmem>>, vector<16xf32>,
      %mul3A_146 = arith.mulf %get3A_143, %get3A_145 : vector<16xf32>
      %add3A_147 = arith.addf %add3A_141, %mul3A_146 : vector<16xf32>
      %swap3A_148 = arith.index_cast %mul3A_130 : i32 to index
      %swap3A_149 = tpu.vector_load %arg25[%swap3A_148] {strides = array<i32>} : memref<512xf32, #tpu.memory_space<vmem>>, vector<16xf32>,
      tpu.vector_store %arg25[%swap3A_148], %add3A_147 {strides = array<i32>} : memref<512xf32, #tpu.memory_space<vmem>>, vector<16xf32>,
      %scan3A_150 = arith.constant 0 : i32
      %scan3A_151 = arith.constant 2 : i32
      %scan3A_152 = arith.addi %scan3A_104, %scan3A_151 : i32
      %mul3A_153 = arith.constant 16 : i32
      %mul3A_154 = arith.muli %scan3A_152, %mul3A_153 : i32
      %get3A_155 = arith.index_cast %mul3A_154 : i32 to index
      %get3A_156 = tpu.vector_load %arg26[%get3A_155] {strides = array<i32>} : memref<512xf32, #tpu.memory_space<vmem>>, vector<16xf32>,
      %get3A_157 = arith.index_cast %mul3A_154 : i32 to index
      %get3A_158 = tpu.vector_load %arg26[%get3A_157] {strides = array<i32>} : memref<512xf32, #tpu.memory_space<vmem>>, vector<16xf32>,
      %mul3A_159 = arith.mulf %get3A_156, %get3A_158 : vector<16xf32>
      %get3A_160 = arith.index_cast %mul3A_154 : i32 to index
      %get3A_161 = tpu.vector_load %arg27[%get3A_160] {strides = array<i32>} : memref<512xf32, #tpu.memory_space<vmem>>, vector<16xf32>,
      %get3A_162 = arith.index_cast %mul3A_154 : i32 to index
      %get3A_163 = tpu.vector_load %arg27[%get3A_162] {strides = array<i32>} : memref<512xf32, #tpu.memory_space<vmem>>, vector<16xf32>,
      %mul3A_164 = arith.mulf %get3A_161, %get3A_163 : vector<16xf32>
      %add3A_165 = arith.addf %mul3A_159, %mul3A_164 : vector<16xf32>
      %get3A_166 = arith.index_cast %mul3A_154 : i32 to index
      %get3A_167 = tpu.vector_load %arg28[%get3A_166] {strides = array<i32>} : memref<512xf32, #tpu.memory_space<vmem>>, vector<16xf32>,
      %get3A_168 = arith.index_cast %mul3A_154 : i32 to index
      %get3A_169 = tpu.vector_load %arg28[%get3A_168] {strides = array<i32>} : memref<512xf32, #tpu.memory_space<vmem>>, vector<16xf32>,
      %mul3A_170 = arith.mulf %get3A_167, %get3A_169 : vector<16xf32>
      %add3A_171 = arith.addf %add3A_165, %mul3A_170 : vector<16xf32>
      %swap3A_172 = arith.index_cast %mul3A_154 : i32 to index
      %swap3A_173 = tpu.vector_load %arg25[%swap3A_172] {strides = array<i32>} : memref<512xf32, #tpu.memory_space<vmem>>, vector<16xf32>,
      tpu.vector_store %arg25[%swap3A_172], %add3A_171 {strides = array<i32>} : memref<512xf32, #tpu.memory_space<vmem>>, vector<16xf32>,
      %scan3A_174 = arith.constant 0 : i32
      %scan3A_175 = arith.constant 3 : i32
      %scan3A_176 = arith.addi %scan3A_104, %scan3A_175 : i32
      %mul3A_177 = arith.constant 16 : i32
      %mul3A_178 = arith.muli %scan3A_176, %mul3A_177 : i32
      %get3A_179 = arith.index_cast %mul3A_178 : i32 to index
      %get3A_180 = tpu.vector_load %arg26[%get3A_179] {strides = array<i32>} : memref<512xf32, #tpu.memory_space<vmem>>, vector<16xf32>,
      %get3A_181 = arith.index_cast %mul3A_178 : i32 to index
      %get3A_182 = tpu.vector_load %arg26[%get3A_181] {strides = array<i32>} : memref<512xf32, #tpu.memory_space<vmem>>, vector<16xf32>,
      %mul3A_183 = arith.mulf %get3A_180, %get3A_182 : vector<16xf32>
      %get3A_184 = arith.index_cast %mul3A_178 : i32 to index
      %get3A_185 = tpu.vector_load %arg27[%get3A_184] {strides = array<i32>} : memref<512xf32, #tpu.memory_space<vmem>>, vector<16xf32>,
      %get3A_186 = arith.index_cast %mul3A_178 : i32 to index
      %get3A_187 = tpu.vector_load %arg27[%get3A_186] {strides = array<i32>} : memref<512xf32, #tpu.memory_space<vmem>>, vector<16xf32>,
      %mul3A_188 = arith.mulf %get3A_185, %get3A_187 : vector<16xf32>
      %add3A_189 = arith.addf %mul3A_183, %mul3A_188 : vector<16xf32>
      %get3A_190 = arith.index_cast %mul3A_178 : i32 to index
      %get3A_191 = tpu.vector_load %arg28[%get3A_190] {strides = array<i32>} : memref<512xf32, #tpu.memory_space<vmem>>, vector<16xf32>,
      %get3A_192 = arith.index_cast %mul3A_178 : i32 to index
      %get3A_193 = tpu.vector_load %arg28[%get3A_192] {strides = array<i32>} : memref<512xf32, #tpu.memory_space<vmem>>, vector<16xf32>,
      %mul3A_194 = arith.mulf %get3A_191, %get3A_193 : vector<16xf32>
      %add3A_195 = arith.addf %add3A_189, %mul3A_194 : vector<16xf32>
      %swap3A_196 = arith.index_cast %mul3A_178 : i32 to index
      %swap3A_197 = tpu.vector_load %arg25[%swap3A_196] {strides = array<i32>} : memref<512xf32, #tpu.memory_space<vmem>>, vector<16xf32>,
      tpu.vector_store %arg25[%swap3A_196], %add3A_195 {strides = array<i32>} : memref<512xf32, #tpu.memory_space<vmem>>, vector<16xf32>,
      %scan3A_198 = arith.constant 0 : i32
      scf.yield %scan3A_198 : i32
    }
    %scan3A_45 = arith.constant 32 : i32
    %scan3A_46 = arith.constant 0 : i32
    %scan3A_47 = arith.constant 0 : i32
    %mul3A_48 = arith.constant 16 : i32
    %mul3A_49 = arith.muli %scan3A_47, %mul3A_48 : i32
    %mul3A_50 = arith.constant 16 : i32
    %mul3A_51 = arith.muli %scan3A_47, %mul3A_50 : i32
    %add3A_52 = vector.broadcast %mul3A_51 : i32 to vector<16xi32>
    %add3A_53 = arith.addi %add3A_52, %iota3A : vector<16xi32>
    %swap3A = arith.index_cast %mul3A_49 : i32 to index
    %swap3A_54 = tpu.vector_load %arg30[%swap3A] {strides = array<i32>} : memref<4096xi32, #tpu.memory_space<vmem>>, vector<16xi32>,
    tpu.vector_store %arg30[%swap3A], %add3A_53 {strides = array<i32>} : memref<4096xi32, #tpu.memory_space<vmem>>, vector<16xi32>,
    %swap3A_55 = arith.index_cast %mul3A_49 : i32 to index
    %swap3A_56 = tpu.vector_load %arg32[%swap3A_55] {strides = array<i32>} : memref<4096xi32, #tpu.memory_space<vmem>>, vector<16xi32>,
    tpu.vector_store %arg32[%swap3A_55], %add3A_53 {strides = array<i32>} : memref<4096xi32, #tpu.memory_space<vmem>>, vector<16xi32>,
    %scan3A_57 = arith.constant 0 : i32
    %scan3A_58 = arith.constant 1 : i32
    %mul3A_59 = arith.constant 16 : i32
    %mul3A_60 = arith.muli %scan3A_58, %mul3A_59 : i32
    %mul3A_61 = arith.constant 16 : i32
    %mul3A_62 = arith.muli %scan3A_58, %mul3A_61 : i32
    %add3A_63 = vector.broadcast %mul3A_62 : i32 to vector<16xi32>
    %add3A_64 = arith.addi %add3A_63, %iota3A : vector<16xi32>
    %swap3A_65 = arith.index_cast %mul3A_60 : i32 to index
    %swap3A_66 = tpu.vector_load %arg30[%swap3A_65] {strides = array<i32>} : memref<4096xi32, #tpu.memory_space<vmem>>, vector<16xi32>,
    tpu.vector_store %arg30[%swap3A_65], %add3A_64 {strides = array<i32>} : memref<4096xi32, #tpu.memory_space<vmem>>, vector<16xi32>,
    %swap3A_67 = arith.index_cast %mul3A_60 : i32 to index
    %swap3A_68 = tpu.vector_load %arg32[%swap3A_67] {strides = array<i32>} : memref<4096xi32, #tpu.memory_space<vmem>>, vector<16xi32>,
    tpu.vector_store %arg32[%swap3A_67], %add3A_64 {strides = array<i32>} : memref<4096xi32, #tpu.memory_space<vmem>>, vector<16xi32>,
    %scan3A_69 = arith.constant 0 : i32
    %scan3A_70 = arith.constant 2 : i32
    %mul3A_71 = arith.constant 16 : i32
    %mul3A_72 = arith.muli %scan3A_70, %mul3A_71 : i32
    %mul3A_73 = arith.constant 16 : i32
    %mul3A_74 = arith.muli %scan3A_70, %mul3A_73 : i32
    %add3A_75 = vector.broadcast %mul3A_74 : i32 to vector<16xi32>
    %add3A_76 = arith.addi %add3A_75, %iota3A : vector<16xi32>
    %swap3A_77 = arith.index_cast %mul3A_72 : i32 to index
    %swap3A_78 = tpu.vector_load %arg30[%swap3A_77] {strides = array<i32>} : memref<4096xi32, #tpu.memory_space<vmem>>, vector<16xi32>,
    tpu.vector_store %arg30[%swap3A_77], %add3A_76 {strides = array<i32>} : memref<4096xi32, #tpu.memory_space<vmem>>, vector<16xi32>,
    %swap3A_79 = arith.index_cast %mul3A_72 : i32 to index
    %swap3A_80 = tpu.vector_load %arg32[%swap3A_79] {strides = array<i32>} : memref<4096xi32, #tpu.memory_space<vmem>>, vector<16xi32>,
    tpu.vector_store %arg32[%swap3A_79], %add3A_76 {strides = array<i32>} : memref<4096xi32, #tpu.memory_space<vmem>>, vector<16xi32>,
    %scan3A_81 = arith.constant 0 : i32
    %scan3A_82 = arith.constant 3 : i32
    %mul3A_83 = arith.constant 16 : i32
    %mul3A_84 = arith.muli %scan3A_82, %mul3A_83 : i32
    %mul3A_85 = arith.constant 16 : i32
    %mul3A_86 = arith.muli %scan3A_82, %mul3A_85 : i32
    %add3A_87 = vector.broadcast %mul3A_86 : i32 to vector<16xi32>
    %add3A_88 = arith.addi %add3A_87, %iota3A : vector<16xi32>
    %swap3A_89 = arith.index_cast %mul3A_84 : i32 to index
    %swap3A_90 = tpu.vector_load %arg30[%swap3A_89] {strides = array<i32>} : memref<4096xi32, #tpu.memory_space<vmem>>, vector<16xi32>,
    tpu.vector_store %arg30[%swap3A_89], %add3A_88 {strides = array<i32>} : memref<4096xi32, #tpu.memory_space<vmem>>, vector<16xi32>,
    %swap3A_91 = arith.index_cast %mul3A_84 : i32 to index
    %swap3A_92 = tpu.vector_load %arg32[%swap3A_91] {strides = array<i32>} : memref<4096xi32, #tpu.memory_space<vmem>>, vector<16xi32>,
    tpu.vector_store %arg32[%swap3A_91], %add3A_88 {strides = array<i32>} : memref<4096xi32, #tpu.memory_space<vmem>>, vector<16xi32>,
    %scan3A_93 = arith.constant 0 : i32
    %scan3A_94 = arith.constant 4 : i32
    %scan3A_95 = arith.constant 0 : i32
    %scan3A_96 = arith.constant 0 : i32
    %scan3A_97 = arith.constant 256 : i32
    %scan3A_98 = arith.addi %scan3A_96, %scan3A_97 : i32
    %scan3A_99 = arith.constant 1 : i32
    %scan3A_100 = scf.for %scan3A_104 = %scan3A_96 to %scan3A_98 step %scan3A_99 iter_args(%scan3A_105 = %scan3A_95) -> (i32)  : i32 {
      %mul3A_106 = arith.constant 2 : i32
      %mul3A_107 = arith.muli %scan3A_104, %mul3A_106 : i32
      %broadcast_in_dim3A = vector.broadcast %mul3A_107 : i32 to vector<16xi32>
      %add3A_108 = arith.constant 1 : i32
      %add3A_109 = vector.broadcast %add3A_108 : i32 to vector<16xi32>
      %add3A_110 = arith.addi %broadcast_in_dim3A, %add3A_109 : vector<16xi32>
      %gather3A = tpu.vector_load_idx %arg22[%broadcast_in_dim3A] : memref<512xf32, #tpu.memory_space<vmem>>[vector<16xi32>], vector<16xf32>,
      %gather3A_111 = tpu.vector_load_idx %arg23[%broadcast_in_dim3A] : memref<512xf32, #tpu.memory_space<vmem>>[vector<16xi32>], vector<16xf32>,
      %gather3A_112 = tpu.vector_load_idx %arg24[%broadcast_in_dim3A] : memref<512xf32, #tpu.memory_space<vmem>>[vector<16xi32>], vector<16xf32>,
      %gather3A_113 = tpu.vector_load_idx %arg25[%broadcast_in_dim3A] : memref<512xf32, #tpu.memory_space<vmem>>[vector<16xi32>], vector<16xf32>,
      %gather3A_114 = tpu.vector_load_idx %arg22[%add3A_110] : memref<512xf32, #tpu.memory_space<vmem>>[vector<16xi32>], vector<16xf32>,
      %gather3A_115 = tpu.vector_load_idx %arg23[%add3A_110] : memref<512xf32, #tpu.memory_space<vmem>>[vector<16xi32>], vector<16xf32>,
      %gather3A_116 = tpu.vector_load_idx %arg24[%add3A_110] : memref<512xf32, #tpu.memory_space<vmem>>[vector<16xi32>], vector<16xf32>,
      %gather3A_117 = tpu.vector_load_idx %arg25[%add3A_110] : memref<512xf32, #tpu.memory_space<vmem>>[vector<16xi32>], vector<16xf32>,
      %broadcast_in_dim3A_118 = arith.constant 0x7F800000 : f32
      %broadcast_in_dim3A_119 = vector.broadcast %broadcast_in_dim3A_118 : f32 to vector<16xf32>
      %parallel_loop3A = arith.constant 0 : i32
      %parallel_loop3A_120 = arith.constant 4 : i32
      %parallel_loop3A_121 = arith.constant 1 : i32
      %parallel_loop3A_122:4 = scf.for %parallel_loop3A_501 = %parallel_loop3A to %parallel_loop3A_120 step %parallel_loop3A_121 iter_args(%parallel_loop3A_502 = %broadcast_in_dim3A_119, %parallel_loop3A_503 = %broadcast_in_dim3A_119, %parallel_loop3A_504 = %broadcast_in_dim3A_119, %parallel_loop3A_505 = %broadcast_in_dim3A_119) -> (vector<16xf32>, vector<16xf32>, vector<16xf32>, vector<16xf32>)  : i32 {
        %parallel_loop3A_506 = arith.constant 16 : i32
        %parallel_loop3A_507 = arith.muli %parallel_loop3A_501, %parallel_loop3A_506 : i32
        %parallel_loop3A_508 = arith.index_cast %parallel_loop3A_507 : i32 to index
        %parallel_loop3A_509 = tpu.vector_load %arg15[%parallel_loop3A_508] {strides = array<i32>} : memref<4096xf32, #tpu.memory_space<vmem>>, vector<16xf32>,
        %parallel_loop3A_510 = arith.index_cast %parallel_loop3A_507 : i32 to index
        %parallel_loop3A_511 = tpu.vector_load %arg16[%parallel_loop3A_510] {strides = array<i32>} : memref<4096xf32, #tpu.memory_space<vmem>>, vector<16xf32>,
        %parallel_loop3A_512 = arith.index_cast %parallel_loop3A_507 : i32 to index
        %parallel_loop3A_513 = tpu.vector_load %arg17[%parallel_loop3A_512] {strides = array<i32>} : memref<4096xf32, #tpu.memory_space<vmem>>, vector<16xf32>,
        %parallel_loop3A_514 = arith.index_cast %parallel_loop3A_507 : i32 to index
        %parallel_loop3A_515 = tpu.vector_load %arg18[%parallel_loop3A_514] {strides = array<i32>} : memref<4096xf32, #tpu.memory_space<vmem>>, vector<16xf32>,
        %parallel_loop3A_516 = arith.mulf %parallel_loop3A_509, %gather3A : vector<16xf32>
        %parallel_loop3A_517 = arith.mulf %parallel_loop3A_511, %gather3A_111 : vector<16xf32>
        %parallel_loop3A_518 = arith.addf %parallel_loop3A_516, %parallel_loop3A_517 : vector<16xf32>
        %parallel_loop3A_519 = arith.mulf %parallel_loop3A_513, %gather3A_112 : vector<16xf32>
        %parallel_loop3A_520 = arith.addf %parallel_loop3A_518, %parallel_loop3A_519 : vector<16xf32>
        %parallel_loop3A_521 = arith.addf %parallel_loop3A_515, %gather3A_113 : vector<16xf32>
        %parallel_loop3A_522 = arith.addf %parallel_loop3A_520, %parallel_loop3A_520 : vector<16xf32>
        %parallel_loop3A_523 = arith.subf %parallel_loop3A_521, %parallel_loop3A_522 : vector<16xf32>
        %parallel_loop3A_524 = arith.constant 0.000000e+00 : f32
        %parallel_loop3A_525 = vector.broadcast %parallel_loop3A_524 : f32 to vector<16xf32>
        %parallel_loop3A_526 = arith.maximumf %parallel_loop3A_523, %parallel_loop3A_525 : vector<16xf32>
        %parallel_loop3A_527 = arith.mulf %parallel_loop3A_509, %gather3A_114 : vector<16xf32>
        %parallel_loop3A_528 = arith.mulf %parallel_loop3A_511, %gather3A_115 : vector<16xf32>
        %parallel_loop3A_529 = arith.addf %parallel_loop3A_527, %parallel_loop3A_528 : vector<16xf32>
        %parallel_loop3A_530 = arith.mulf %parallel_loop3A_513, %gather3A_116 : vector<16xf32>
        %parallel_loop3A_531 = arith.addf %parallel_loop3A_529, %parallel_loop3A_530 : vector<16xf32>
        %parallel_loop3A_532 = arith.addf %parallel_loop3A_515, %gather3A_117 : vector<16xf32>
        %parallel_loop3A_533 = arith.addf %parallel_loop3A_531, %parallel_loop3A_531 : vector<16xf32>
        %parallel_loop3A_534 = arith.subf %parallel_loop3A_532, %parallel_loop3A_533 : vector<16xf32>
        %parallel_loop3A_535 = arith.constant 0.000000e+00 : f32
        %parallel_loop3A_536 = vector.broadcast %parallel_loop3A_535 : f32 to vector<16xf32>
        %parallel_loop3A_537 = arith.maximumf %parallel_loop3A_534, %parallel_loop3A_536 : vector<16xf32>
        %parallel_loop3A_538 = arith.constant 16 : i32
        %parallel_loop3A_539 = arith.muli %parallel_loop3A_501, %parallel_loop3A_538 : i32
        %parallel_loop3A_540 = arith.index_cast %parallel_loop3A_539 : i32 to index
        %parallel_loop3A_541 = tpu.vector_load %arg29[%parallel_loop3A_540] {strides = array<i32>} : memref<4096xf32, #tpu.memory_space<vmem>>, vector<16xf32>,
        tpu.vector_store %arg29[%parallel_loop3A_540], %parallel_loop3A_526 {strides = array<i32>} : memref<4096xf32, #tpu.memory_space<vmem>>, vector<16xf32>,
        %parallel_loop3A_542 = arith.index_cast %parallel_loop3A_539 : i32 to index
        %parallel_loop3A_543 = tpu.vector_load %arg31[%parallel_loop3A_542] {strides = array<i32>} : memref<4096xf32, #tpu.memory_space<vmem>>, vector<16xf32>,
        tpu.vector_store %arg31[%parallel_loop3A_542], %parallel_loop3A_537 {strides = array<i32>} : memref<4096xf32, #tpu.memory_space<vmem>>, vector<16xf32>,
        %parallel_loop3A_544 = arith.maximumf %parallel_loop3A_502, %parallel_loop3A_526 : vector<16xf32>
        %parallel_loop3A_545 = arith.minimumf %parallel_loop3A_502, %parallel_loop3A_526 : vector<16xf32>
        %parallel_loop3A_546 = arith.minimumf %parallel_loop3A_503, %parallel_loop3A_544 : vector<16xf32>
        %parallel_loop3A_547 = arith.maximumf %parallel_loop3A_504, %parallel_loop3A_537 : vector<16xf32>
        %parallel_loop3A_548 = arith.minimumf %parallel_loop3A_504, %parallel_loop3A_537 : vector<16xf32>
        %parallel_loop3A_549 = arith.minimumf %parallel_loop3A_505, %parallel_loop3A_547 : vector<16xf32>
        scf.yield %parallel_loop3A_545, %parallel_loop3A_546, %parallel_loop3A_548, %parallel_loop3A_549 : vector<16xf32>, vector<16xf32>, vector<16xf32>, vector<16xf32>
      } {sc.loop_unroll_factor = 4 : i64, sc.parallel_access}
      %broadcast_in_dim3A_123 = arith.constant 64 : i32
      %broadcast_in_dim3A_124 = vector.broadcast %broadcast_in_dim3A_123 : i32 to vector<16xi32>
      %sort3A = arith.constant dense<true> : vector<16xi1>
      %sort3A_125, %sort3A_126, %sort3A_127 = tpu.sort %parallel_loop3A_122#0, %parallel_loop3A_122#0 masked %sort3A : (vector<16xf32>, vector<16xf32>, vector<16xi1>) -> (vector<16xi1>, vector<16xf32>, vector<16xf32>)
      %sort3A_128 = arith.constant dense<true> : vector<16xi1>
      %sort3A_129, %sort3A_130, %sort3A_131 = tpu.sort %parallel_loop3A_122#1, %parallel_loop3A_122#1 masked %sort3A_128 : (vector<16xf32>, vector<16xf32>, vector<16xi1>) -> (vector<16xi1>, vector<16xf32>, vector<16xf32>)
      %rev3A = arith.constant 15 : i32
      %rev3A_132 = vector.broadcast %rev3A : i32 to vector<16xi32>
      %rev3A_133 = tpu.iota {dimensions = array<i32: 0>} : vector<16xi32>
      %rev3A_134 = arith.subi %rev3A_132, %rev3A_133 : vector<16xi32>
      %rev3A_135 = tpu.dynamic_gather %sort3A_130[%rev3A_134] in [0] : vector<16xf32>, vector<16xi32> -> vector<16xf32>
      %max3A = arith.maximumf %sort3A_126, %rev3A_135 : vector<16xf32>
      %neg3A = arith.constant 0.000000e+00 : f32
      %neg3A_136 = vector.broadcast %neg3A : f32 to vector<16xf32>
      %neg3A_137 = arith.subf %neg3A_136, %max3A : vector<16xf32>
      %broadcast_in_dim3A_138 = arith.constant true
      %broadcast_in_dim3A_139 = vector.broadcast %broadcast_in_dim3A_138 : i1 to vector<16xi1>
      %masked_cummax3A = tpu.scan <max>, %neg3A_137 masked %broadcast_in_dim3A_139 : vector<16xf32>, vector<16xi1> -> vector<16xf32>
      %broadcast_in_dim3A_140 = arith.constant 15 : i32
      %broadcast_in_dim3A_141 = vector.broadcast %broadcast_in_dim3A_140 : i32 to vector<16xi32>
      %lt3A_142 = arith.constant 0 : i32
      %lt3A_143 = vector.broadcast %lt3A_142 : i32 to vector<16xi32>
      %lt3A_144 = arith.cmpi slt, %broadcast_in_dim3A_141, %lt3A_143 : vector<16xi32>
      %add3A_145 = arith.constant 16 : i32
      %add3A_146 = vector.broadcast %add3A_145 : i32 to vector<16xi32>
      %add3A_147 = arith.addi %broadcast_in_dim3A_141, %add3A_146 : vector<16xi32>
      %select_n3A_148 = arith.select %lt3A_144, %add3A_147, %broadcast_in_dim3A_141 : vector<16xi1>, vector<16xi32>
      %reshape3A = vector.shape_cast %select_n3A_148 : vector<16xi32> to vector<16x1xi32>
      %gather3A_149 = vector.shape_cast %reshape3A : vector<16x1xi32> to vector<16xi32>
      %gather3A_150 = tpu.dynamic_gather %masked_cummax3A[%gather3A_149] in [0] : vector<16xf32>, vector<16xi32> -> vector<16xf32>
      %neg3A_151 = arith.constant 0.000000e+00 : f32
      %neg3A_152 = vector.broadcast %neg3A_151 : f32 to vector<16xf32>
      %neg3A_153 = arith.subf %neg3A_152, %gather3A_150 : vector<16xf32>
      %sort3A_154 = arith.constant dense<true> : vector<16xi1>
      %sort3A_155, %sort3A_156, %sort3A_157 = tpu.sort %parallel_loop3A_122#2, %parallel_loop3A_122#2 masked %sort3A_154 : (vector<16xf32>, vector<16xf32>, vector<16xi1>) -> (vector<16xi1>, vector<16xf32>, vector<16xf32>)
      %sort3A_158 = arith.constant dense<true> : vector<16xi1>
      %sort3A_159, %sort3A_160, %sort3A_161 = tpu.sort %parallel_loop3A_122#3, %parallel_loop3A_122#3 masked %sort3A_158 : (vector<16xf32>, vector<16xf32>, vector<16xi1>) -> (vector<16xi1>, vector<16xf32>, vector<16xf32>)
      %rev3A_162 = arith.constant 15 : i32
      %rev3A_163 = vector.broadcast %rev3A_162 : i32 to vector<16xi32>
      %rev3A_164 = tpu.iota {dimensions = array<i32: 0>} : vector<16xi32>
      %rev3A_165 = arith.subi %rev3A_163, %rev3A_164 : vector<16xi32>
      %rev3A_166 = tpu.dynamic_gather %sort3A_160[%rev3A_165] in [0] : vector<16xf32>, vector<16xi32> -> vector<16xf32>
      %max3A_167 = arith.maximumf %sort3A_156, %rev3A_166 : vector<16xf32>
      %neg3A_168 = arith.constant 0.000000e+00 : f32
      %neg3A_169 = vector.broadcast %neg3A_168 : f32 to vector<16xf32>
      %neg3A_170 = arith.subf %neg3A_169, %max3A_167 : vector<16xf32>
      %broadcast_in_dim3A_171 = arith.constant true
      %broadcast_in_dim3A_172 = vector.broadcast %broadcast_in_dim3A_171 : i1 to vector<16xi1>
      %masked_cummax3A_173 = tpu.scan <max>, %neg3A_170 masked %broadcast_in_dim3A_172 : vector<16xf32>, vector<16xi1> -> vector<16xf32>
      %broadcast_in_dim3A_174 = arith.constant 15 : i32
      %broadcast_in_dim3A_175 = vector.broadcast %broadcast_in_dim3A_174 : i32 to vector<16xi32>
      %lt3A_176 = arith.constant 0 : i32
      %lt3A_177 = vector.broadcast %lt3A_176 : i32 to vector<16xi32>
      %lt3A_178 = arith.cmpi slt, %broadcast_in_dim3A_175, %lt3A_177 : vector<16xi32>
      %add3A_179 = arith.constant 16 : i32
      %add3A_180 = vector.broadcast %add3A_179 : i32 to vector<16xi32>
      %add3A_181 = arith.addi %broadcast_in_dim3A_175, %add3A_180 : vector<16xi32>
      %select_n3A_182 = arith.select %lt3A_178, %add3A_181, %broadcast_in_dim3A_175 : vector<16xi1>, vector<16xi32>
      %reshape3A_183 = vector.shape_cast %select_n3A_182 : vector<16xi32> to vector<16x1xi32>
      %gather3A_184 = vector.shape_cast %reshape3A_183 : vector<16x1xi32> to vector<16xi32>
      %gather3A_185 = tpu.dynamic_gather %masked_cummax3A_173[%gather3A_184] in [0] : vector<16xf32>, vector<16xi32> -> vector<16xf32>
      %neg3A_186 = arith.constant 0.000000e+00 : f32
      %neg3A_187 = vector.broadcast %neg3A_186 : f32 to vector<16xf32>
      %neg3A_188 = arith.subf %neg3A_187, %gather3A_185 : vector<16xf32>
      %parallel_loop3A_189 = arith.constant 4 : i32
      %parallel_loop3A_190 = arith.constant 16 : i32
      %parallel_loop3A_191 = arith.constant 1 : i32
      %parallel_loop3A_192:6 = scf.for %parallel_loop3A_501 = %parallel_loop3A_189 to %parallel_loop3A_190 step %parallel_loop3A_191 iter_args(%parallel_loop3A_502 = %broadcast_in_dim3A_124, %parallel_loop3A_503 = %parallel_loop3A_122#0, %parallel_loop3A_504 = %parallel_loop3A_122#1, %parallel_loop3A_505 = %broadcast_in_dim3A_124, %parallel_loop3A_506 = %parallel_loop3A_122#2, %parallel_loop3A_507 = %parallel_loop3A_122#3) -> (vector<16xi32>, vector<16xf32>, vector<16xf32>, vector<16xi32>, vector<16xf32>, vector<16xf32>)  : i32 {
        %parallel_loop3A_508 = arith.constant 16 : i32
        %parallel_loop3A_509 = arith.muli %parallel_loop3A_501, %parallel_loop3A_508 : i32
        %parallel_loop3A_510 = arith.index_cast %parallel_loop3A_509 : i32 to index
        %parallel_loop3A_511 = tpu.vector_load %arg15[%parallel_loop3A_510] {strides = array<i32>} : memref<4096xf32, #tpu.memory_space<vmem>>, vector<16xf32>,
        %parallel_loop3A_512 = arith.index_cast %parallel_loop3A_509 : i32 to index
        %parallel_loop3A_513 = tpu.vector_load %arg16[%parallel_loop3A_512] {strides = array<i32>} : memref<4096xf32, #tpu.memory_space<vmem>>, vector<16xf32>,
        %parallel_loop3A_514 = arith.index_cast %parallel_loop3A_509 : i32 to index
        %parallel_loop3A_515 = tpu.vector_load %arg17[%parallel_loop3A_514] {strides = array<i32>} : memref<4096xf32, #tpu.memory_space<vmem>>, vector<16xf32>,
        %parallel_loop3A_516 = arith.index_cast %parallel_loop3A_509 : i32 to index
        %parallel_loop3A_517 = tpu.vector_load %arg18[%parallel_loop3A_516] {strides = array<i32>} : memref<4096xf32, #tpu.memory_space<vmem>>, vector<16xf32>,
        %parallel_loop3A_518 = arith.mulf %parallel_loop3A_511, %gather3A : vector<16xf32>
        %parallel_loop3A_519 = arith.mulf %parallel_loop3A_513, %gather3A_111 : vector<16xf32>
        %parallel_loop3A_520 = arith.addf %parallel_loop3A_518, %parallel_loop3A_519 : vector<16xf32>
        %parallel_loop3A_521 = arith.mulf %parallel_loop3A_515, %gather3A_112 : vector<16xf32>
        %parallel_loop3A_522 = arith.addf %parallel_loop3A_520, %parallel_loop3A_521 : vector<16xf32>
        %parallel_loop3A_523 = arith.addf %parallel_loop3A_517, %gather3A_113 : vector<16xf32>
        %parallel_loop3A_524 = arith.addf %parallel_loop3A_522, %parallel_loop3A_522 : vector<16xf32>
        %parallel_loop3A_525 = arith.subf %parallel_loop3A_523, %parallel_loop3A_524 : vector<16xf32>
        %parallel_loop3A_526 = arith.constant 0.000000e+00 : f32
        %parallel_loop3A_527 = vector.broadcast %parallel_loop3A_526 : f32 to vector<16xf32>
        %parallel_loop3A_528 = arith.maximumf %parallel_loop3A_525, %parallel_loop3A_527 : vector<16xf32>
        %parallel_loop3A_529 = arith.mulf %parallel_loop3A_511, %gather3A_114 : vector<16xf32>
        %parallel_loop3A_530 = arith.mulf %parallel_loop3A_513, %gather3A_115 : vector<16xf32>
        %parallel_loop3A_531 = arith.addf %parallel_loop3A_529, %parallel_loop3A_530 : vector<16xf32>
        %parallel_loop3A_532 = arith.mulf %parallel_loop3A_515, %gather3A_116 : vector<16xf32>
        %parallel_loop3A_533 = arith.addf %parallel_loop3A_531, %parallel_loop3A_532 : vector<16xf32>
        %parallel_loop3A_534 = arith.addf %parallel_loop3A_517, %gather3A_117 : vector<16xf32>
        %parallel_loop3A_535 = arith.addf %parallel_loop3A_533, %parallel_loop3A_533 : vector<16xf32>
        %parallel_loop3A_536 = arith.subf %parallel_loop3A_534, %parallel_loop3A_535 : vector<16xf32>
        %parallel_loop3A_537 = arith.constant 0.000000e+00 : f32
        %parallel_loop3A_538 = vector.broadcast %parallel_loop3A_537 : f32 to vector<16xf32>
        %parallel_loop3A_539 = arith.maximumf %parallel_loop3A_536, %parallel_loop3A_538 : vector<16xf32>
        %parallel_loop3A_540 = arith.constant 16 : i32
        %parallel_loop3A_541 = arith.muli %parallel_loop3A_501, %parallel_loop3A_540 : i32
        %parallel_loop3A_542 = vector.broadcast %parallel_loop3A_541 : i32 to vector<16xi32>
        %parallel_loop3A_543 = arith.addi %parallel_loop3A_542, %iota3A : vector<16xi32>
        %parallel_loop3A_544 = arith.cmpf ole, %parallel_loop3A_525, %neg3A_153 : vector<16xf32>
        %parallel_loop3A_545 = arith.extui %parallel_loop3A_544 : vector<16xi1> to vector<16xi32>
        %parallel_loop3A_546 = arith.constant true
        %parallel_loop3A_547 = vector.broadcast %parallel_loop3A_546 : i1 to vector<16xi1>
        %parallel_loop3A_548 = tpu.scan <sum>, %parallel_loop3A_545 masked %parallel_loop3A_547 : vector<16xi32>, vector<16xi1> -> vector<16xi32>
        %parallel_loop3A_549 = arith.addi %parallel_loop3A_502, %parallel_loop3A_548 : vector<16xi32>
        %parallel_loop3A_550 = arith.constant 1 : i32
        %parallel_loop3A_551 = vector.broadcast %parallel_loop3A_550 : i32 to vector<16xi32>
        %parallel_loop3A_552 = arith.subi %parallel_loop3A_549, %parallel_loop3A_551 : vector<16xi32>
        tpu.vector_store_idx %arg29[%parallel_loop3A_552], %parallel_loop3A_528 masked %parallel_loop3A_544 : memref<4096xf32, #tpu.memory_space<vmem>>[vector<16xi32>], vector<16xf32>, vector<16xi1>
        tpu.vector_store_idx %arg30[%parallel_loop3A_552], %parallel_loop3A_543 masked %parallel_loop3A_544 : memref<4096xi32, #tpu.memory_space<vmem>>[vector<16xi32>], vector<16xi32>, vector<16xi1>
        %parallel_loop3A_553 = tpu.all_reduce %parallel_loop3A_544 {dim = 0 : i64, kind = #tpu.reduction_kind<sum>} : vector<16xi1> -> vector<16xi32>
        %parallel_loop3A_554 = arith.addi %parallel_loop3A_502, %parallel_loop3A_553 : vector<16xi32>
        %parallel_loop3A_555 = arith.maximumf %parallel_loop3A_503, %parallel_loop3A_528 : vector<16xf32>
        %parallel_loop3A_556 = arith.minimumf %parallel_loop3A_503, %parallel_loop3A_528 : vector<16xf32>
        %parallel_loop3A_557 = arith.minimumf %parallel_loop3A_504, %parallel_loop3A_555 : vector<16xf32>
        %parallel_loop3A_558 = arith.cmpf ole, %parallel_loop3A_536, %neg3A_188 : vector<16xf32>
        %parallel_loop3A_559 = arith.extui %parallel_loop3A_558 : vector<16xi1> to vector<16xi32>
        %parallel_loop3A_560 = arith.constant true
        %parallel_loop3A_561 = vector.broadcast %parallel_loop3A_560 : i1 to vector<16xi1>
        %parallel_loop3A_562 = tpu.scan <sum>, %parallel_loop3A_559 masked %parallel_loop3A_561 : vector<16xi32>, vector<16xi1> -> vector<16xi32>
        %parallel_loop3A_563 = arith.addi %parallel_loop3A_505, %parallel_loop3A_562 : vector<16xi32>
        %parallel_loop3A_564 = arith.constant 1 : i32
        %parallel_loop3A_565 = vector.broadcast %parallel_loop3A_564 : i32 to vector<16xi32>
        %parallel_loop3A_566 = arith.subi %parallel_loop3A_563, %parallel_loop3A_565 : vector<16xi32>
        tpu.vector_store_idx %arg31[%parallel_loop3A_566], %parallel_loop3A_539 masked %parallel_loop3A_558 : memref<4096xf32, #tpu.memory_space<vmem>>[vector<16xi32>], vector<16xf32>, vector<16xi1>
        tpu.vector_store_idx %arg32[%parallel_loop3A_566], %parallel_loop3A_543 masked %parallel_loop3A_558 : memref<4096xi32, #tpu.memory_space<vmem>>[vector<16xi32>], vector<16xi32>, vector<16xi1>
        %parallel_loop3A_567 = tpu.all_reduce %parallel_loop3A_558 {dim = 0 : i64, kind = #tpu.reduction_kind<sum>} : vector<16xi1> -> vector<16xi32>
        %parallel_loop3A_568 = arith.addi %parallel_loop3A_505, %parallel_loop3A_567 : vector<16xi32>
        %parallel_loop3A_569 = arith.maximumf %parallel_loop3A_506, %parallel_loop3A_539 : vector<16xf32>
        %parallel_loop3A_570 = arith.minimumf %parallel_loop3A_506, %parallel_loop3A_539 : vector<16xf32>
        %parallel_loop3A_571 = arith.minimumf %parallel_loop3A_507, %parallel_loop3A_569 : vector<16xf32>
        scf.yield %parallel_loop3A_554, %parallel_loop3A_556, %parallel_loop3A_557, %parallel_loop3A_568, %parallel_loop3A_570, %parallel_loop3A_571 : vector<16xi32>, vector<16xf32>, vector<16xf32>, vector<16xi32>, vector<16xf32>, vector<16xf32>
      } {sc.loop_unroll_factor = 2 : i64, sc.parallel_access}
      %sort3A_193 = arith.constant dense<true> : vector<16xi1>
      %sort3A_194, %sort3A_195, %sort3A_196 = tpu.sort %parallel_loop3A_192#1, %parallel_loop3A_192#1 masked %sort3A_193 : (vector<16xf32>, vector<16xf32>, vector<16xi1>) -> (vector<16xi1>, vector<16xf32>, vector<16xf32>)
      %sort3A_197 = arith.constant dense<true> : vector<16xi1>
      %sort3A_198, %sort3A_199, %sort3A_200 = tpu.sort %parallel_loop3A_192#2, %parallel_loop3A_192#2 masked %sort3A_197 : (vector<16xf32>, vector<16xf32>, vector<16xi1>) -> (vector<16xi1>, vector<16xf32>, vector<16xf32>)
      %rev3A_201 = arith.constant 15 : i32
      %rev3A_202 = vector.broadcast %rev3A_201 : i32 to vector<16xi32>
      %rev3A_203 = tpu.iota {dimensions = array<i32: 0>} : vector<16xi32>
      %rev3A_204 = arith.subi %rev3A_202, %rev3A_203 : vector<16xi32>
      %rev3A_205 = tpu.dynamic_gather %sort3A_199[%rev3A_204] in [0] : vector<16xf32>, vector<16xi32> -> vector<16xf32>
      %max3A_206 = arith.maximumf %sort3A_195, %rev3A_205 : vector<16xf32>
      %neg3A_207 = arith.constant 0.000000e+00 : f32
      %neg3A_208 = vector.broadcast %neg3A_207 : f32 to vector<16xf32>
      %neg3A_209 = arith.subf %neg3A_208, %max3A_206 : vector<16xf32>
      %broadcast_in_dim3A_210 = arith.constant true
      %broadcast_in_dim3A_211 = vector.broadcast %broadcast_in_dim3A_210 : i1 to vector<16xi1>
      %masked_cummax3A_212 = tpu.scan <max>, %neg3A_209 masked %broadcast_in_dim3A_211 : vector<16xf32>, vector<16xi1> -> vector<16xf32>
      %broadcast_in_dim3A_213 = arith.constant 15 : i32
      %broadcast_in_dim3A_214 = vector.broadcast %broadcast_in_dim3A_213 : i32 to vector<16xi32>
      %lt3A_215 = arith.constant 0 : i32
      %lt3A_216 = vector.broadcast %lt3A_215 : i32 to vector<16xi32>
      %lt3A_217 = arith.cmpi slt, %broadcast_in_dim3A_214, %lt3A_216 : vector<16xi32>
      %add3A_218 = arith.constant 16 : i32
      %add3A_219 = vector.broadcast %add3A_218 : i32 to vector<16xi32>
      %add3A_220 = arith.addi %broadcast_in_dim3A_214, %add3A_219 : vector<16xi32>
      %select_n3A_221 = arith.select %lt3A_217, %add3A_220, %broadcast_in_dim3A_214 : vector<16xi1>, vector<16xi32>
      %reshape3A_222 = vector.shape_cast %select_n3A_221 : vector<16xi32> to vector<16x1xi32>
      %gather3A_223 = vector.shape_cast %reshape3A_222 : vector<16x1xi32> to vector<16xi32>
      %gather3A_224 = tpu.dynamic_gather %masked_cummax3A_212[%gather3A_223] in [0] : vector<16xf32>, vector<16xi32> -> vector<16xf32>
      %neg3A_225 = arith.constant 0.000000e+00 : f32
      %neg3A_226 = vector.broadcast %neg3A_225 : f32 to vector<16xf32>
      %neg3A_227 = arith.subf %neg3A_226, %gather3A_224 : vector<16xf32>
      %sort3A_228 = arith.constant dense<true> : vector<16xi1>
      %sort3A_229, %sort3A_230, %sort3A_231 = tpu.sort %parallel_loop3A_192#4, %parallel_loop3A_192#4 masked %sort3A_228 : (vector<16xf32>, vector<16xf32>, vector<16xi1>) -> (vector<16xi1>, vector<16xf32>, vector<16xf32>)
      %sort3A_232 = arith.constant dense<true> : vector<16xi1>
      %sort3A_233, %sort3A_234, %sort3A_235 = tpu.sort %parallel_loop3A_192#5, %parallel_loop3A_192#5 masked %sort3A_232 : (vector<16xf32>, vector<16xf32>, vector<16xi1>) -> (vector<16xi1>, vector<16xf32>, vector<16xf32>)
      %rev3A_236 = arith.constant 15 : i32
      %rev3A_237 = vector.broadcast %rev3A_236 : i32 to vector<16xi32>
      %rev3A_238 = tpu.iota {dimensions = array<i32: 0>} : vector<16xi32>
      %rev3A_239 = arith.subi %rev3A_237, %rev3A_238 : vector<16xi32>
      %rev3A_240 = tpu.dynamic_gather %sort3A_234[%rev3A_239] in [0] : vector<16xf32>, vector<16xi32> -> vector<16xf32>
      %max3A_241 = arith.maximumf %sort3A_230, %rev3A_240 : vector<16xf32>
      %neg3A_242 = arith.constant 0.000000e+00 : f32
      %neg3A_243 = vector.broadcast %neg3A_242 : f32 to vector<16xf32>
      %neg3A_244 = arith.subf %neg3A_243, %max3A_241 : vector<16xf32>
      %broadcast_in_dim3A_245 = arith.constant true
      %broadcast_in_dim3A_246 = vector.broadcast %broadcast_in_dim3A_245 : i1 to vector<16xi1>
      %masked_cummax3A_247 = tpu.scan <max>, %neg3A_244 masked %broadcast_in_dim3A_246 : vector<16xf32>, vector<16xi1> -> vector<16xf32>
      %broadcast_in_dim3A_248 = arith.constant 15 : i32
      %broadcast_in_dim3A_249 = vector.broadcast %broadcast_in_dim3A_248 : i32 to vector<16xi32>
      %lt3A_250 = arith.constant 0 : i32
      %lt3A_251 = vector.broadcast %lt3A_250 : i32 to vector<16xi32>
      %lt3A_252 = arith.cmpi slt, %broadcast_in_dim3A_249, %lt3A_251 : vector<16xi32>
      %add3A_253 = arith.constant 16 : i32
      %add3A_254 = vector.broadcast %add3A_253 : i32 to vector<16xi32>
      %add3A_255 = arith.addi %broadcast_in_dim3A_249, %add3A_254 : vector<16xi32>
      %select_n3A_256 = arith.select %lt3A_252, %add3A_255, %broadcast_in_dim3A_249 : vector<16xi1>, vector<16xi32>
      %reshape3A_257 = vector.shape_cast %select_n3A_256 : vector<16xi32> to vector<16x1xi32>
      %gather3A_258 = vector.shape_cast %reshape3A_257 : vector<16x1xi32> to vector<16xi32>
      %gather3A_259 = tpu.dynamic_gather %masked_cummax3A_247[%gather3A_258] in [0] : vector<16xf32>, vector<16xi32> -> vector<16xf32>
      %neg3A_260 = arith.constant 0.000000e+00 : f32
      %neg3A_261 = vector.broadcast %neg3A_260 : f32 to vector<16xf32>
      %neg3A_262 = arith.subf %neg3A_261, %gather3A_259 : vector<16xf32>
      %parallel_loop3A_263 = arith.constant 16 : i32
      %parallel_loop3A_264 = arith.constant 64 : i32
      %parallel_loop3A_265 = arith.constant 1 : i32
      %parallel_loop3A_266:6 = scf.for %parallel_loop3A_501 = %parallel_loop3A_263 to %parallel_loop3A_264 step %parallel_loop3A_265 iter_args(%parallel_loop3A_502 = %parallel_loop3A_192#0, %parallel_loop3A_503 = %parallel_loop3A_192#1, %parallel_loop3A_504 = %parallel_loop3A_192#2, %parallel_loop3A_505 = %parallel_loop3A_192#3, %parallel_loop3A_506 = %parallel_loop3A_192#4, %parallel_loop3A_507 = %parallel_loop3A_192#5) -> (vector<16xi32>, vector<16xf32>, vector<16xf32>, vector<16xi32>, vector<16xf32>, vector<16xf32>)  : i32 {
        %parallel_loop3A_508 = arith.constant 16 : i32
        %parallel_loop3A_509 = arith.muli %parallel_loop3A_501, %parallel_loop3A_508 : i32
        %parallel_loop3A_510 = arith.index_cast %parallel_loop3A_509 : i32 to index
        %parallel_loop3A_511 = tpu.vector_load %arg15[%parallel_loop3A_510] {strides = array<i32>} : memref<4096xf32, #tpu.memory_space<vmem>>, vector<16xf32>,
        %parallel_loop3A_512 = arith.index_cast %parallel_loop3A_509 : i32 to index
        %parallel_loop3A_513 = tpu.vector_load %arg16[%parallel_loop3A_512] {strides = array<i32>} : memref<4096xf32, #tpu.memory_space<vmem>>, vector<16xf32>,
        %parallel_loop3A_514 = arith.index_cast %parallel_loop3A_509 : i32 to index
        %parallel_loop3A_515 = tpu.vector_load %arg17[%parallel_loop3A_514] {strides = array<i32>} : memref<4096xf32, #tpu.memory_space<vmem>>, vector<16xf32>,
        %parallel_loop3A_516 = arith.index_cast %parallel_loop3A_509 : i32 to index
        %parallel_loop3A_517 = tpu.vector_load %arg18[%parallel_loop3A_516] {strides = array<i32>} : memref<4096xf32, #tpu.memory_space<vmem>>, vector<16xf32>,
        %parallel_loop3A_518 = arith.mulf %parallel_loop3A_511, %gather3A : vector<16xf32>
        %parallel_loop3A_519 = arith.mulf %parallel_loop3A_513, %gather3A_111 : vector<16xf32>
        %parallel_loop3A_520 = arith.addf %parallel_loop3A_518, %parallel_loop3A_519 : vector<16xf32>
        %parallel_loop3A_521 = arith.mulf %parallel_loop3A_515, %gather3A_112 : vector<16xf32>
        %parallel_loop3A_522 = arith.addf %parallel_loop3A_520, %parallel_loop3A_521 : vector<16xf32>
        %parallel_loop3A_523 = arith.addf %parallel_loop3A_517, %gather3A_113 : vector<16xf32>
        %parallel_loop3A_524 = arith.addf %parallel_loop3A_522, %parallel_loop3A_522 : vector<16xf32>
        %parallel_loop3A_525 = arith.subf %parallel_loop3A_523, %parallel_loop3A_524 : vector<16xf32>
        %parallel_loop3A_526 = arith.constant 0.000000e+00 : f32
        %parallel_loop3A_527 = vector.broadcast %parallel_loop3A_526 : f32 to vector<16xf32>
        %parallel_loop3A_528 = arith.maximumf %parallel_loop3A_525, %parallel_loop3A_527 : vector<16xf32>
        %parallel_loop3A_529 = arith.mulf %parallel_loop3A_511, %gather3A_114 : vector<16xf32>
        %parallel_loop3A_530 = arith.mulf %parallel_loop3A_513, %gather3A_115 : vector<16xf32>
        %parallel_loop3A_531 = arith.addf %parallel_loop3A_529, %parallel_loop3A_530 : vector<16xf32>
        %parallel_loop3A_532 = arith.mulf %parallel_loop3A_515, %gather3A_116 : vector<16xf32>
        %parallel_loop3A_533 = arith.addf %parallel_loop3A_531, %parallel_loop3A_532 : vector<16xf32>
        %parallel_loop3A_534 = arith.addf %parallel_loop3A_517, %gather3A_117 : vector<16xf32>
        %parallel_loop3A_535 = arith.addf %parallel_loop3A_533, %parallel_loop3A_533 : vector<16xf32>
        %parallel_loop3A_536 = arith.subf %parallel_loop3A_534, %parallel_loop3A_535 : vector<16xf32>
        %parallel_loop3A_537 = arith.constant 0.000000e+00 : f32
        %parallel_loop3A_538 = vector.broadcast %parallel_loop3A_537 : f32 to vector<16xf32>
        %parallel_loop3A_539 = arith.maximumf %parallel_loop3A_536, %parallel_loop3A_538 : vector<16xf32>
        %parallel_loop3A_540 = arith.constant 16 : i32
        %parallel_loop3A_541 = arith.muli %parallel_loop3A_501, %parallel_loop3A_540 : i32
        %parallel_loop3A_542 = vector.broadcast %parallel_loop3A_541 : i32 to vector<16xi32>
        %parallel_loop3A_543 = arith.addi %parallel_loop3A_542, %iota3A : vector<16xi32>
        %parallel_loop3A_544 = arith.cmpf ole, %parallel_loop3A_525, %neg3A_227 : vector<16xf32>
        %parallel_loop3A_545 = arith.extui %parallel_loop3A_544 : vector<16xi1> to vector<16xi32>
        %parallel_loop3A_546 = arith.constant true
        %parallel_loop3A_547 = vector.broadcast %parallel_loop3A_546 : i1 to vector<16xi1>
        %parallel_loop3A_548 = tpu.scan <sum>, %parallel_loop3A_545 masked %parallel_loop3A_547 : vector<16xi32>, vector<16xi1> -> vector<16xi32>
        %parallel_loop3A_549 = arith.addi %parallel_loop3A_502, %parallel_loop3A_548 : vector<16xi32>
        %parallel_loop3A_550 = arith.constant 1 : i32
        %parallel_loop3A_551 = vector.broadcast %parallel_loop3A_550 : i32 to vector<16xi32>
        %parallel_loop3A_552 = arith.subi %parallel_loop3A_549, %parallel_loop3A_551 : vector<16xi32>
        tpu.vector_store_idx %arg29[%parallel_loop3A_552], %parallel_loop3A_528 masked %parallel_loop3A_544 : memref<4096xf32, #tpu.memory_space<vmem>>[vector<16xi32>], vector<16xf32>, vector<16xi1>
        tpu.vector_store_idx %arg30[%parallel_loop3A_552], %parallel_loop3A_543 masked %parallel_loop3A_544 : memref<4096xi32, #tpu.memory_space<vmem>>[vector<16xi32>], vector<16xi32>, vector<16xi1>
        %parallel_loop3A_553 = tpu.all_reduce %parallel_loop3A_544 {dim = 0 : i64, kind = #tpu.reduction_kind<sum>} : vector<16xi1> -> vector<16xi32>
        %parallel_loop3A_554 = arith.addi %parallel_loop3A_502, %parallel_loop3A_553 : vector<16xi32>
        %parallel_loop3A_555 = arith.maximumf %parallel_loop3A_503, %parallel_loop3A_528 : vector<16xf32>
        %parallel_loop3A_556 = arith.minimumf %parallel_loop3A_503, %parallel_loop3A_528 : vector<16xf32>
        %parallel_loop3A_557 = arith.minimumf %parallel_loop3A_504, %parallel_loop3A_555 : vector<16xf32>
        %parallel_loop3A_558 = arith.cmpf ole, %parallel_loop3A_536, %neg3A_262 : vector<16xf32>
        %parallel_loop3A_559 = arith.extui %parallel_loop3A_558 : vector<16xi1> to vector<16xi32>
        %parallel_loop3A_560 = arith.constant true
        %parallel_loop3A_561 = vector.broadcast %parallel_loop3A_560 : i1 to vector<16xi1>
        %parallel_loop3A_562 = tpu.scan <sum>, %parallel_loop3A_559 masked %parallel_loop3A_561 : vector<16xi32>, vector<16xi1> -> vector<16xi32>
        %parallel_loop3A_563 = arith.addi %parallel_loop3A_505, %parallel_loop3A_562 : vector<16xi32>
        %parallel_loop3A_564 = arith.constant 1 : i32
        %parallel_loop3A_565 = vector.broadcast %parallel_loop3A_564 : i32 to vector<16xi32>
        %parallel_loop3A_566 = arith.subi %parallel_loop3A_563, %parallel_loop3A_565 : vector<16xi32>
        tpu.vector_store_idx %arg31[%parallel_loop3A_566], %parallel_loop3A_539 masked %parallel_loop3A_558 : memref<4096xf32, #tpu.memory_space<vmem>>[vector<16xi32>], vector<16xf32>, vector<16xi1>
        tpu.vector_store_idx %arg32[%parallel_loop3A_566], %parallel_loop3A_543 masked %parallel_loop3A_558 : memref<4096xi32, #tpu.memory_space<vmem>>[vector<16xi32>], vector<16xi32>, vector<16xi1>
        %parallel_loop3A_567 = tpu.all_reduce %parallel_loop3A_558 {dim = 0 : i64, kind = #tpu.reduction_kind<sum>} : vector<16xi1> -> vector<16xi32>
        %parallel_loop3A_568 = arith.addi %parallel_loop3A_505, %parallel_loop3A_567 : vector<16xi32>
        %parallel_loop3A_569 = arith.maximumf %parallel_loop3A_506, %parallel_loop3A_539 : vector<16xf32>
        %parallel_loop3A_570 = arith.minimumf %parallel_loop3A_506, %parallel_loop3A_539 : vector<16xf32>
        %parallel_loop3A_571 = arith.minimumf %parallel_loop3A_507, %parallel_loop3A_569 : vector<16xf32>
        scf.yield %parallel_loop3A_554, %parallel_loop3A_556, %parallel_loop3A_557, %parallel_loop3A_568, %parallel_loop3A_570, %parallel_loop3A_571 : vector<16xi32>, vector<16xf32>, vector<16xf32>, vector<16xi32>, vector<16xf32>, vector<16xf32>
      } {sc.loop_unroll_factor = 2 : i64, sc.parallel_access}
      %sort3A_267 = arith.constant dense<true> : vector<16xi1>
      %sort3A_268, %sort3A_269, %sort3A_270 = tpu.sort %parallel_loop3A_266#1, %parallel_loop3A_266#1 masked %sort3A_267 : (vector<16xf32>, vector<16xf32>, vector<16xi1>) -> (vector<16xi1>, vector<16xf32>, vector<16xf32>)
      %sort3A_271 = arith.constant dense<true> : vector<16xi1>
      %sort3A_272, %sort3A_273, %sort3A_274 = tpu.sort %parallel_loop3A_266#2, %parallel_loop3A_266#2 masked %sort3A_271 : (vector<16xf32>, vector<16xf32>, vector<16xi1>) -> (vector<16xi1>, vector<16xf32>, vector<16xf32>)
      %rev3A_275 = arith.constant 15 : i32
      %rev3A_276 = vector.broadcast %rev3A_275 : i32 to vector<16xi32>
      %rev3A_277 = tpu.iota {dimensions = array<i32: 0>} : vector<16xi32>
      %rev3A_278 = arith.subi %rev3A_276, %rev3A_277 : vector<16xi32>
      %rev3A_279 = tpu.dynamic_gather %sort3A_273[%rev3A_278] in [0] : vector<16xf32>, vector<16xi32> -> vector<16xf32>
      %max3A_280 = arith.maximumf %sort3A_269, %rev3A_279 : vector<16xf32>
      %neg3A_281 = arith.constant 0.000000e+00 : f32
      %neg3A_282 = vector.broadcast %neg3A_281 : f32 to vector<16xf32>
      %neg3A_283 = arith.subf %neg3A_282, %max3A_280 : vector<16xf32>
      %broadcast_in_dim3A_284 = arith.constant true
      %broadcast_in_dim3A_285 = vector.broadcast %broadcast_in_dim3A_284 : i1 to vector<16xi1>
      %masked_cummax3A_286 = tpu.scan <max>, %neg3A_283 masked %broadcast_in_dim3A_285 : vector<16xf32>, vector<16xi1> -> vector<16xf32>
      %broadcast_in_dim3A_287 = arith.constant 15 : i32
      %broadcast_in_dim3A_288 = vector.broadcast %broadcast_in_dim3A_287 : i32 to vector<16xi32>
      %lt3A_289 = arith.constant 0 : i32
      %lt3A_290 = vector.broadcast %lt3A_289 : i32 to vector<16xi32>
      %lt3A_291 = arith.cmpi slt, %broadcast_in_dim3A_288, %lt3A_290 : vector<16xi32>
      %add3A_292 = arith.constant 16 : i32
      %add3A_293 = vector.broadcast %add3A_292 : i32 to vector<16xi32>
      %add3A_294 = arith.addi %broadcast_in_dim3A_288, %add3A_293 : vector<16xi32>
      %select_n3A_295 = arith.select %lt3A_291, %add3A_294, %broadcast_in_dim3A_288 : vector<16xi1>, vector<16xi32>
      %reshape3A_296 = vector.shape_cast %select_n3A_295 : vector<16xi32> to vector<16x1xi32>
      %gather3A_297 = vector.shape_cast %reshape3A_296 : vector<16x1xi32> to vector<16xi32>
      %gather3A_298 = tpu.dynamic_gather %masked_cummax3A_286[%gather3A_297] in [0] : vector<16xf32>, vector<16xi32> -> vector<16xf32>
      %neg3A_299 = arith.constant 0.000000e+00 : f32
      %neg3A_300 = vector.broadcast %neg3A_299 : f32 to vector<16xf32>
      %neg3A_301 = arith.subf %neg3A_300, %gather3A_298 : vector<16xf32>
      %sort3A_302 = arith.constant dense<true> : vector<16xi1>
      %sort3A_303, %sort3A_304, %sort3A_305 = tpu.sort %parallel_loop3A_266#4, %parallel_loop3A_266#4 masked %sort3A_302 : (vector<16xf32>, vector<16xf32>, vector<16xi1>) -> (vector<16xi1>, vector<16xf32>, vector<16xf32>)
      %sort3A_306 = arith.constant dense<true> : vector<16xi1>
      %sort3A_307, %sort3A_308, %sort3A_309 = tpu.sort %parallel_loop3A_266#5, %parallel_loop3A_266#5 masked %sort3A_306 : (vector<16xf32>, vector<16xf32>, vector<16xi1>) -> (vector<16xi1>, vector<16xf32>, vector<16xf32>)
      %rev3A_310 = arith.constant 15 : i32
      %rev3A_311 = vector.broadcast %rev3A_310 : i32 to vector<16xi32>
      %rev3A_312 = tpu.iota {dimensions = array<i32: 0>} : vector<16xi32>
      %rev3A_313 = arith.subi %rev3A_311, %rev3A_312 : vector<16xi32>
      %rev3A_314 = tpu.dynamic_gather %sort3A_308[%rev3A_313] in [0] : vector<16xf32>, vector<16xi32> -> vector<16xf32>
      %max3A_315 = arith.maximumf %sort3A_304, %rev3A_314 : vector<16xf32>
      %neg3A_316 = arith.constant 0.000000e+00 : f32
      %neg3A_317 = vector.broadcast %neg3A_316 : f32 to vector<16xf32>
      %neg3A_318 = arith.subf %neg3A_317, %max3A_315 : vector<16xf32>
      %broadcast_in_dim3A_319 = arith.constant true
      %broadcast_in_dim3A_320 = vector.broadcast %broadcast_in_dim3A_319 : i1 to vector<16xi1>
      %masked_cummax3A_321 = tpu.scan <max>, %neg3A_318 masked %broadcast_in_dim3A_320 : vector<16xf32>, vector<16xi1> -> vector<16xf32>
      %broadcast_in_dim3A_322 = arith.constant 15 : i32
      %broadcast_in_dim3A_323 = vector.broadcast %broadcast_in_dim3A_322 : i32 to vector<16xi32>
      %lt3A_324 = arith.constant 0 : i32
      %lt3A_325 = vector.broadcast %lt3A_324 : i32 to vector<16xi32>
      %lt3A_326 = arith.cmpi slt, %broadcast_in_dim3A_323, %lt3A_325 : vector<16xi32>
      %add3A_327 = arith.constant 16 : i32
      %add3A_328 = vector.broadcast %add3A_327 : i32 to vector<16xi32>
      %add3A_329 = arith.addi %broadcast_in_dim3A_323, %add3A_328 : vector<16xi32>
      %select_n3A_330 = arith.select %lt3A_326, %add3A_329, %broadcast_in_dim3A_323 : vector<16xi1>, vector<16xi32>
      %reshape3A_331 = vector.shape_cast %select_n3A_330 : vector<16xi32> to vector<16x1xi32>
      %gather3A_332 = vector.shape_cast %reshape3A_331 : vector<16x1xi32> to vector<16xi32>
      %gather3A_333 = tpu.dynamic_gather %masked_cummax3A_321[%gather3A_332] in [0] : vector<16xf32>, vector<16xi32> -> vector<16xf32>
      %neg3A_334 = arith.constant 0.000000e+00 : f32
      %neg3A_335 = vector.broadcast %neg3A_334 : f32 to vector<16xf32>
      %neg3A_336 = arith.subf %neg3A_335, %gather3A_333 : vector<16xf32>
      %parallel_loop3A_337 = arith.constant 64 : i32
      %parallel_loop3A_338 = arith.constant 256 : i32
      %parallel_loop3A_339 = arith.constant 1 : i32
      %parallel_loop3A_340:6 = scf.for %parallel_loop3A_501 = %parallel_loop3A_337 to %parallel_loop3A_338 step %parallel_loop3A_339 iter_args(%parallel_loop3A_502 = %parallel_loop3A_266#0, %parallel_loop3A_503 = %parallel_loop3A_266#1, %parallel_loop3A_504 = %parallel_loop3A_266#2, %parallel_loop3A_505 = %parallel_loop3A_266#3, %parallel_loop3A_506 = %parallel_loop3A_266#4, %parallel_loop3A_507 = %parallel_loop3A_266#5) -> (vector<16xi32>, vector<16xf32>, vector<16xf32>, vector<16xi32>, vector<16xf32>, vector<16xf32>)  : i32 {
        %parallel_loop3A_508 = arith.constant 16 : i32
        %parallel_loop3A_509 = arith.muli %parallel_loop3A_501, %parallel_loop3A_508 : i32
        %parallel_loop3A_510 = arith.index_cast %parallel_loop3A_509 : i32 to index
        %parallel_loop3A_511 = tpu.vector_load %arg15[%parallel_loop3A_510] {strides = array<i32>} : memref<4096xf32, #tpu.memory_space<vmem>>, vector<16xf32>,
        %parallel_loop3A_512 = arith.index_cast %parallel_loop3A_509 : i32 to index
        %parallel_loop3A_513 = tpu.vector_load %arg16[%parallel_loop3A_512] {strides = array<i32>} : memref<4096xf32, #tpu.memory_space<vmem>>, vector<16xf32>,
        %parallel_loop3A_514 = arith.index_cast %parallel_loop3A_509 : i32 to index
        %parallel_loop3A_515 = tpu.vector_load %arg17[%parallel_loop3A_514] {strides = array<i32>} : memref<4096xf32, #tpu.memory_space<vmem>>, vector<16xf32>,
        %parallel_loop3A_516 = arith.index_cast %parallel_loop3A_509 : i32 to index
        %parallel_loop3A_517 = tpu.vector_load %arg18[%parallel_loop3A_516] {strides = array<i32>} : memref<4096xf32, #tpu.memory_space<vmem>>, vector<16xf32>,
        %parallel_loop3A_518 = arith.mulf %parallel_loop3A_511, %gather3A : vector<16xf32>
        %parallel_loop3A_519 = arith.mulf %parallel_loop3A_513, %gather3A_111 : vector<16xf32>
        %parallel_loop3A_520 = arith.addf %parallel_loop3A_518, %parallel_loop3A_519 : vector<16xf32>
        %parallel_loop3A_521 = arith.mulf %parallel_loop3A_515, %gather3A_112 : vector<16xf32>
        %parallel_loop3A_522 = arith.addf %parallel_loop3A_520, %parallel_loop3A_521 : vector<16xf32>
        %parallel_loop3A_523 = arith.addf %parallel_loop3A_517, %gather3A_113 : vector<16xf32>
        %parallel_loop3A_524 = arith.addf %parallel_loop3A_522, %parallel_loop3A_522 : vector<16xf32>
        %parallel_loop3A_525 = arith.subf %parallel_loop3A_523, %parallel_loop3A_524 : vector<16xf32>
        %parallel_loop3A_526 = arith.constant 0.000000e+00 : f32
        %parallel_loop3A_527 = vector.broadcast %parallel_loop3A_526 : f32 to vector<16xf32>
        %parallel_loop3A_528 = arith.maximumf %parallel_loop3A_525, %parallel_loop3A_527 : vector<16xf32>
        %parallel_loop3A_529 = arith.mulf %parallel_loop3A_511, %gather3A_114 : vector<16xf32>
        %parallel_loop3A_530 = arith.mulf %parallel_loop3A_513, %gather3A_115 : vector<16xf32>
        %parallel_loop3A_531 = arith.addf %parallel_loop3A_529, %parallel_loop3A_530 : vector<16xf32>
        %parallel_loop3A_532 = arith.mulf %parallel_loop3A_515, %gather3A_116 : vector<16xf32>
        %parallel_loop3A_533 = arith.addf %parallel_loop3A_531, %parallel_loop3A_532 : vector<16xf32>
        %parallel_loop3A_534 = arith.addf %parallel_loop3A_517, %gather3A_117 : vector<16xf32>
        %parallel_loop3A_535 = arith.addf %parallel_loop3A_533, %parallel_loop3A_533 : vector<16xf32>
        %parallel_loop3A_536 = arith.subf %parallel_loop3A_534, %parallel_loop3A_535 : vector<16xf32>
        %parallel_loop3A_537 = arith.constant 0.000000e+00 : f32
        %parallel_loop3A_538 = vector.broadcast %parallel_loop3A_537 : f32 to vector<16xf32>
        %parallel_loop3A_539 = arith.maximumf %parallel_loop3A_536, %parallel_loop3A_538 : vector<16xf32>
        %parallel_loop3A_540 = arith.constant 16 : i32
        %parallel_loop3A_541 = arith.muli %parallel_loop3A_501, %parallel_loop3A_540 : i32
        %parallel_loop3A_542 = vector.broadcast %parallel_loop3A_541 : i32 to vector<16xi32>
        %parallel_loop3A_543 = arith.addi %parallel_loop3A_542, %iota3A : vector<16xi32>
        %parallel_loop3A_544 = arith.cmpf ole, %parallel_loop3A_525, %neg3A_301 : vector<16xf32>
        %parallel_loop3A_545 = arith.extui %parallel_loop3A_544 : vector<16xi1> to vector<16xi32>
        %parallel_loop3A_546 = arith.constant true
        %parallel_loop3A_547 = vector.broadcast %parallel_loop3A_546 : i1 to vector<16xi1>
        %parallel_loop3A_548 = tpu.scan <sum>, %parallel_loop3A_545 masked %parallel_loop3A_547 : vector<16xi32>, vector<16xi1> -> vector<16xi32>
        %parallel_loop3A_549 = arith.addi %parallel_loop3A_502, %parallel_loop3A_548 : vector<16xi32>
        %parallel_loop3A_550 = arith.constant 1 : i32
        %parallel_loop3A_551 = vector.broadcast %parallel_loop3A_550 : i32 to vector<16xi32>
        %parallel_loop3A_552 = arith.subi %parallel_loop3A_549, %parallel_loop3A_551 : vector<16xi32>
        tpu.vector_store_idx %arg29[%parallel_loop3A_552], %parallel_loop3A_528 masked %parallel_loop3A_544 : memref<4096xf32, #tpu.memory_space<vmem>>[vector<16xi32>], vector<16xf32>, vector<16xi1>
        tpu.vector_store_idx %arg30[%parallel_loop3A_552], %parallel_loop3A_543 masked %parallel_loop3A_544 : memref<4096xi32, #tpu.memory_space<vmem>>[vector<16xi32>], vector<16xi32>, vector<16xi1>
        %parallel_loop3A_553 = tpu.all_reduce %parallel_loop3A_544 {dim = 0 : i64, kind = #tpu.reduction_kind<sum>} : vector<16xi1> -> vector<16xi32>
        %parallel_loop3A_554 = arith.addi %parallel_loop3A_502, %parallel_loop3A_553 : vector<16xi32>
        %parallel_loop3A_555 = arith.maximumf %parallel_loop3A_503, %parallel_loop3A_528 : vector<16xf32>
        %parallel_loop3A_556 = arith.minimumf %parallel_loop3A_503, %parallel_loop3A_528 : vector<16xf32>
        %parallel_loop3A_557 = arith.minimumf %parallel_loop3A_504, %parallel_loop3A_555 : vector<16xf32>
        %parallel_loop3A_558 = arith.cmpf ole, %parallel_loop3A_536, %neg3A_336 : vector<16xf32>
        %parallel_loop3A_559 = arith.extui %parallel_loop3A_558 : vector<16xi1> to vector<16xi32>
        %parallel_loop3A_560 = arith.constant true
        %parallel_loop3A_561 = vector.broadcast %parallel_loop3A_560 : i1 to vector<16xi1>
        %parallel_loop3A_562 = tpu.scan <sum>, %parallel_loop3A_559 masked %parallel_loop3A_561 : vector<16xi32>, vector<16xi1> -> vector<16xi32>
        %parallel_loop3A_563 = arith.addi %parallel_loop3A_505, %parallel_loop3A_562 : vector<16xi32>
        %parallel_loop3A_564 = arith.constant 1 : i32
        %parallel_loop3A_565 = vector.broadcast %parallel_loop3A_564 : i32 to vector<16xi32>
        %parallel_loop3A_566 = arith.subi %parallel_loop3A_563, %parallel_loop3A_565 : vector<16xi32>
        tpu.vector_store_idx %arg31[%parallel_loop3A_566], %parallel_loop3A_539 masked %parallel_loop3A_558 : memref<4096xf32, #tpu.memory_space<vmem>>[vector<16xi32>], vector<16xf32>, vector<16xi1>
        tpu.vector_store_idx %arg32[%parallel_loop3A_566], %parallel_loop3A_543 masked %parallel_loop3A_558 : memref<4096xi32, #tpu.memory_space<vmem>>[vector<16xi32>], vector<16xi32>, vector<16xi1>
        %parallel_loop3A_567 = tpu.all_reduce %parallel_loop3A_558 {dim = 0 : i64, kind = #tpu.reduction_kind<sum>} : vector<16xi1> -> vector<16xi32>
        %parallel_loop3A_568 = arith.addi %parallel_loop3A_505, %parallel_loop3A_567 : vector<16xi32>
        %parallel_loop3A_569 = arith.maximumf %parallel_loop3A_506, %parallel_loop3A_539 : vector<16xf32>
        %parallel_loop3A_570 = arith.minimumf %parallel_loop3A_506, %parallel_loop3A_539 : vector<16xf32>
        %parallel_loop3A_571 = arith.minimumf %parallel_loop3A_507, %parallel_loop3A_569 : vector<16xf32>
        scf.yield %parallel_loop3A_554, %parallel_loop3A_556, %parallel_loop3A_557, %parallel_loop3A_568, %parallel_loop3A_570, %parallel_loop3A_571 : vector<16xi32>, vector<16xf32>, vector<16xf32>, vector<16xi32>, vector<16xf32>, vector<16xf32>
      } {sc.loop_unroll_factor = 2 : i64, sc.parallel_access}
      %sort3A_341 = arith.constant dense<true> : vector<16xi1>
      %sort3A_342, %sort3A_343, %sort3A_344 = tpu.sort %parallel_loop3A_340#1, %parallel_loop3A_340#1 masked %sort3A_341 : (vector<16xf32>, vector<16xf32>, vector<16xi1>) -> (vector<16xi1>, vector<16xf32>, vector<16xf32>)
      %sort3A_345 = arith.constant dense<true> : vector<16xi1>
      %sort3A_346, %sort3A_347, %sort3A_348 = tpu.sort %parallel_loop3A_340#2, %parallel_loop3A_340#2 masked %sort3A_345 : (vector<16xf32>, vector<16xf32>, vector<16xi1>) -> (vector<16xi1>, vector<16xf32>, vector<16xf32>)
      %rev3A_349 = arith.constant 15 : i32
      %rev3A_350 = vector.broadcast %rev3A_349 : i32 to vector<16xi32>
      %rev3A_351 = tpu.iota {dimensions = array<i32: 0>} : vector<16xi32>
      %rev3A_352 = arith.subi %rev3A_350, %rev3A_351 : vector<16xi32>
      %rev3A_353 = tpu.dynamic_gather %sort3A_347[%rev3A_352] in [0] : vector<16xf32>, vector<16xi32> -> vector<16xf32>
      %max3A_354 = arith.maximumf %sort3A_343, %rev3A_353 : vector<16xf32>
      %neg3A_355 = arith.constant 0.000000e+00 : f32
      %neg3A_356 = vector.broadcast %neg3A_355 : f32 to vector<16xf32>
      %neg3A_357 = arith.subf %neg3A_356, %max3A_354 : vector<16xf32>
      %broadcast_in_dim3A_358 = arith.constant true
      %broadcast_in_dim3A_359 = vector.broadcast %broadcast_in_dim3A_358 : i1 to vector<16xi1>
      %masked_cummax3A_360 = tpu.scan <max>, %neg3A_357 masked %broadcast_in_dim3A_359 : vector<16xf32>, vector<16xi1> -> vector<16xf32>
      %broadcast_in_dim3A_361 = arith.constant 15 : i32
      %broadcast_in_dim3A_362 = vector.broadcast %broadcast_in_dim3A_361 : i32 to vector<16xi32>
      %lt3A_363 = arith.constant 0 : i32
      %lt3A_364 = vector.broadcast %lt3A_363 : i32 to vector<16xi32>
      %lt3A_365 = arith.cmpi slt, %broadcast_in_dim3A_362, %lt3A_364 : vector<16xi32>
      %add3A_366 = arith.constant 16 : i32
      %add3A_367 = vector.broadcast %add3A_366 : i32 to vector<16xi32>
      %add3A_368 = arith.addi %broadcast_in_dim3A_362, %add3A_367 : vector<16xi32>
      %select_n3A_369 = arith.select %lt3A_365, %add3A_368, %broadcast_in_dim3A_362 : vector<16xi1>, vector<16xi32>
      %reshape3A_370 = vector.shape_cast %select_n3A_369 : vector<16xi32> to vector<16x1xi32>
      %gather3A_371 = vector.shape_cast %reshape3A_370 : vector<16x1xi32> to vector<16xi32>
      %gather3A_372 = tpu.dynamic_gather %masked_cummax3A_360[%gather3A_371] in [0] : vector<16xf32>, vector<16xi32> -> vector<16xf32>
      %neg3A_373 = arith.constant 0.000000e+00 : f32
      %neg3A_374 = vector.broadcast %neg3A_373 : f32 to vector<16xf32>
      %neg3A_375 = arith.subf %neg3A_374, %gather3A_372 : vector<16xf32>
      %slice3A = vector.extract_strided_slice %parallel_loop3A_340#0 {offsets = [0], sizes = [1], strides = [1]} : vector<16xi32> to vector<1xi32>
      %squeeze3A = vector.extract %slice3A[0] : i32 from vector<1xi32>
      %add3A_376 = arith.constant 15 : i32
      %add3A_377 = arith.addi %squeeze3A, %add3A_376 : i32
      %jit3A_378 = arith.constant 16 : i32
      %div3A_379 = arith.divsi %add3A_377, %jit3A_378 : i32
      %sign3A_380 = arith.constant 0 : i32
      %sign3A_381 = arith.cmpi sgt, %add3A_377, %sign3A_380 : i32
      %sign3A_382 = arith.extui %sign3A_381 : i1 to i32
      %sign3A_383 = arith.constant 0 : i32
      %sign3A_384 = arith.cmpi slt, %add3A_377, %sign3A_383 : i32
      %sign3A_385 = arith.extui %sign3A_384 : i1 to i32
      %sign3A_386 = arith.subi %sign3A_382, %sign3A_385 : i32
      %sign3A_387 = arith.constant 0 : i32
      %sign3A_388 = arith.cmpi sgt, %jit3A_378, %sign3A_387 : i32
      %sign3A_389 = arith.extui %sign3A_388 : i1 to i32
      %sign3A_390 = arith.constant 0 : i32
      %sign3A_391 = arith.cmpi slt, %jit3A_378, %sign3A_390 : i32
      %sign3A_392 = arith.extui %sign3A_391 : i1 to i32
      %sign3A_393 = arith.subi %sign3A_389, %sign3A_392 : i32
      %ne3A_394 = arith.cmpi ne, %sign3A_386, %sign3A_393 : i32
      %rem3A_395 = arith.remsi %add3A_377, %jit3A_378 : i32
      %ne3A_396 = arith.constant 0 : i32
      %ne3A_397 = arith.cmpi ne, %rem3A_395, %ne3A_396 : i32
      %and3A_398 = arith.andi %ne3A_394, %ne3A_397 : i1
      %sub3A_399 = arith.constant 1 : i32
      %sub3A_400 = arith.subi %div3A_379, %sub3A_399 : i32
      %select_n3A_401 = arith.select %and3A_398, %sub3A_400, %div3A_379 : i32
      %broadcast_in_dim3A_402 = arith.constant 0 : i32
      %broadcast_in_dim3A_403 = vector.broadcast %broadcast_in_dim3A_402 : i32 to vector<16xi32>
      %parallel_loop3A_404 = arith.constant 0 : i32
      %parallel_loop3A_405 = arith.constant 1 : i32
      %parallel_loop3A_406 = scf.for %parallel_loop3A_501 = %parallel_loop3A_404 to %select_n3A_401 step %parallel_loop3A_405 iter_args(%parallel_loop3A_502 = %broadcast_in_dim3A_403) -> (vector<16xi32>)  : i32 {
        %parallel_loop3A_503 = arith.constant 16 : i32
        %parallel_loop3A_504 = arith.muli %parallel_loop3A_501, %parallel_loop3A_503 : i32
        %parallel_loop3A_505 = arith.index_cast %parallel_loop3A_504 : i32 to index
        %parallel_loop3A_506 = tpu.vector_load %arg29[%parallel_loop3A_505] {strides = array<i32>} : memref<4096xf32, #tpu.memory_space<vmem>>, vector<16xf32>,
        %parallel_loop3A_507 = arith.index_cast %parallel_loop3A_504 : i32 to index
        %parallel_loop3A_508 = tpu.vector_load %arg30[%parallel_loop3A_507] {strides = array<i32>} : memref<4096xi32, #tpu.memory_space<vmem>>, vector<16xi32>,
        %parallel_loop3A_509 = arith.constant 16 : i32
        %parallel_loop3A_510 = arith.muli %parallel_loop3A_501, %parallel_loop3A_509 : i32
        %parallel_loop3A_511 = vector.broadcast %parallel_loop3A_510 : i32 to vector<16xi32>
        %parallel_loop3A_512 = arith.addi %parallel_loop3A_511, %iota3A : vector<16xi32>
        %parallel_loop3A_513 = arith.cmpf ole, %parallel_loop3A_506, %neg3A_375 : vector<16xf32>
        %parallel_loop3A_514 = arith.cmpi slt, %parallel_loop3A_512, %parallel_loop3A_340#0 : vector<16xi32>
        %parallel_loop3A_515 = arith.andi %parallel_loop3A_513, %parallel_loop3A_514 : vector<16xi1>
        %parallel_loop3A_516 = arith.extui %parallel_loop3A_515 : vector<16xi1> to vector<16xi32>
        %parallel_loop3A_517 = arith.constant true
        %parallel_loop3A_518 = vector.broadcast %parallel_loop3A_517 : i1 to vector<16xi1>
        %parallel_loop3A_519 = tpu.scan <sum>, %parallel_loop3A_516 masked %parallel_loop3A_518 : vector<16xi32>, vector<16xi1> -> vector<16xi32>
        %parallel_loop3A_520 = arith.addi %parallel_loop3A_502, %parallel_loop3A_519 : vector<16xi32>
        %parallel_loop3A_521 = arith.constant 1 : i32
        %parallel_loop3A_522 = vector.broadcast %parallel_loop3A_521 : i32 to vector<16xi32>
        %parallel_loop3A_523 = arith.subi %parallel_loop3A_520, %parallel_loop3A_522 : vector<16xi32>
        tpu.vector_store_idx %arg33[%parallel_loop3A_523], %parallel_loop3A_506 masked %parallel_loop3A_515 : memref<4096xf32, #tpu.memory_space<vmem>>[vector<16xi32>], vector<16xf32>, vector<16xi1>
        tpu.vector_store_idx %arg34[%parallel_loop3A_523], %parallel_loop3A_508 masked %parallel_loop3A_515 : memref<4096xi32, #tpu.memory_space<vmem>>[vector<16xi32>], vector<16xi32>, vector<16xi1>
        %parallel_loop3A_524 = tpu.all_reduce %parallel_loop3A_515 {dim = 0 : i64, kind = #tpu.reduction_kind<sum>} : vector<16xi1> -> vector<16xi32>
        %parallel_loop3A_525 = arith.addi %parallel_loop3A_502, %parallel_loop3A_524 : vector<16xi32>
        scf.yield %parallel_loop3A_525 : vector<16xi32>
      } {sc.loop_unroll_factor = 2 : i64, sc.parallel_access}
      %slice3A_407 = vector.extract_strided_slice %parallel_loop3A_406 {offsets = [0], sizes = [1], strides = [1]} : vector<16xi32> to vector<1xi32>
      %squeeze3A_408 = vector.extract %slice3A_407[0] : i32 from vector<1xi32>
      %sort3A_409 = arith.constant dense<true> : vector<16xi1>
      %sort3A_410, %sort3A_411, %sort3A_412 = tpu.sort %parallel_loop3A_340#4, %parallel_loop3A_340#4 masked %sort3A_409 : (vector<16xf32>, vector<16xf32>, vector<16xi1>) -> (vector<16xi1>, vector<16xf32>, vector<16xf32>)
      %sort3A_413 = arith.constant dense<true> : vector<16xi1>
      %sort3A_414, %sort3A_415, %sort3A_416 = tpu.sort %parallel_loop3A_340#5, %parallel_loop3A_340#5 masked %sort3A_413 : (vector<16xf32>, vector<16xf32>, vector<16xi1>) -> (vector<16xi1>, vector<16xf32>, vector<16xf32>)
      %rev3A_417 = arith.constant 15 : i32
      %rev3A_418 = vector.broadcast %rev3A_417 : i32 to vector<16xi32>
      %rev3A_419 = tpu.iota {dimensions = array<i32: 0>} : vector<16xi32>
      %rev3A_420 = arith.subi %rev3A_418, %rev3A_419 : vector<16xi32>
      %rev3A_421 = tpu.dynamic_gather %sort3A_415[%rev3A_420] in [0] : vector<16xf32>, vector<16xi32> -> vector<16xf32>
      %max3A_422 = arith.maximumf %sort3A_411, %rev3A_421 : vector<16xf32>
      %neg3A_423 = arith.constant 0.000000e+00 : f32
      %neg3A_424 = vector.broadcast %neg3A_423 : f32 to vector<16xf32>
      %neg3A_425 = arith.subf %neg3A_424, %max3A_422 : vector<16xf32>
      %broadcast_in_dim3A_426 = arith.constant true
      %broadcast_in_dim3A_427 = vector.broadcast %broadcast_in_dim3A_426 : i1 to vector<16xi1>
      %masked_cummax3A_428 = tpu.scan <max>, %neg3A_425 masked %broadcast_in_dim3A_427 : vector<16xf32>, vector<16xi1> -> vector<16xf32>
      %broadcast_in_dim3A_429 = arith.constant 15 : i32
      %broadcast_in_dim3A_430 = vector.broadcast %broadcast_in_dim3A_429 : i32 to vector<16xi32>
      %lt3A_431 = arith.constant 0 : i32
      %lt3A_432 = vector.broadcast %lt3A_431 : i32 to vector<16xi32>
      %lt3A_433 = arith.cmpi slt, %broadcast_in_dim3A_430, %lt3A_432 : vector<16xi32>
      %add3A_434 = arith.constant 16 : i32
      %add3A_435 = vector.broadcast %add3A_434 : i32 to vector<16xi32>
      %add3A_436 = arith.addi %broadcast_in_dim3A_430, %add3A_435 : vector<16xi32>
      %select_n3A_437 = arith.select %lt3A_433, %add3A_436, %broadcast_in_dim3A_430 : vector<16xi1>, vector<16xi32>
      %reshape3A_438 = vector.shape_cast %select_n3A_437 : vector<16xi32> to vector<16x1xi32>
      %gather3A_439 = vector.shape_cast %reshape3A_438 : vector<16x1xi32> to vector<16xi32>
      %gather3A_440 = tpu.dynamic_gather %masked_cummax3A_428[%gather3A_439] in [0] : vector<16xf32>, vector<16xi32> -> vector<16xf32>
      %neg3A_441 = arith.constant 0.000000e+00 : f32
      %neg3A_442 = vector.broadcast %neg3A_441 : f32 to vector<16xf32>
      %neg3A_443 = arith.subf %neg3A_442, %gather3A_440 : vector<16xf32>
      %slice3A_444 = vector.extract_strided_slice %parallel_loop3A_340#3 {offsets = [0], sizes = [1], strides = [1]} : vector<16xi32> to vector<1xi32>
      %squeeze3A_445 = vector.extract %slice3A_444[0] : i32 from vector<1xi32>
      %add3A_446 = arith.constant 15 : i32
      %add3A_447 = arith.addi %squeeze3A_445, %add3A_446 : i32
      %jit3A_448 = arith.constant 16 : i32
      %div3A_449 = arith.divsi %add3A_447, %jit3A_448 : i32
      %sign3A_450 = arith.constant 0 : i32
      %sign3A_451 = arith.cmpi sgt, %add3A_447, %sign3A_450 : i32
      %sign3A_452 = arith.extui %sign3A_451 : i1 to i32
      %sign3A_453 = arith.constant 0 : i32
      %sign3A_454 = arith.cmpi slt, %add3A_447, %sign3A_453 : i32
      %sign3A_455 = arith.extui %sign3A_454 : i1 to i32
      %sign3A_456 = arith.subi %sign3A_452, %sign3A_455 : i32
      %sign3A_457 = arith.constant 0 : i32
      %sign3A_458 = arith.cmpi sgt, %jit3A_448, %sign3A_457 : i32
      %sign3A_459 = arith.extui %sign3A_458 : i1 to i32
      %sign3A_460 = arith.constant 0 : i32
      %sign3A_461 = arith.cmpi slt, %jit3A_448, %sign3A_460 : i32
      %sign3A_462 = arith.extui %sign3A_461 : i1 to i32
      %sign3A_463 = arith.subi %sign3A_459, %sign3A_462 : i32
      %ne3A_464 = arith.cmpi ne, %sign3A_456, %sign3A_463 : i32
      %rem3A_465 = arith.remsi %add3A_447, %jit3A_448 : i32
      %ne3A_466 = arith.constant 0 : i32
      %ne3A_467 = arith.cmpi ne, %rem3A_465, %ne3A_466 : i32
      %and3A_468 = arith.andi %ne3A_464, %ne3A_467 : i1
      %sub3A_469 = arith.constant 1 : i32
      %sub3A_470 = arith.subi %div3A_449, %sub3A_469 : i32
      %select_n3A_471 = arith.select %and3A_468, %sub3A_470, %div3A_449 : i32
      %broadcast_in_dim3A_472 = arith.constant 0 : i32
      %broadcast_in_dim3A_473 = vector.broadcast %broadcast_in_dim3A_472 : i32 to vector<16xi32>
      %parallel_loop3A_474 = arith.constant 0 : i32
      %parallel_loop3A_475 = arith.constant 1 : i32
      %parallel_loop3A_476 = scf.for %parallel_loop3A_501 = %parallel_loop3A_474 to %select_n3A_471 step %parallel_loop3A_475 iter_args(%parallel_loop3A_502 = %broadcast_in_dim3A_473) -> (vector<16xi32>)  : i32 {
        %parallel_loop3A_503 = arith.constant 16 : i32
        %parallel_loop3A_504 = arith.muli %parallel_loop3A_501, %parallel_loop3A_503 : i32
        %parallel_loop3A_505 = arith.index_cast %parallel_loop3A_504 : i32 to index
        %parallel_loop3A_506 = tpu.vector_load %arg31[%parallel_loop3A_505] {strides = array<i32>} : memref<4096xf32, #tpu.memory_space<vmem>>, vector<16xf32>,
        %parallel_loop3A_507 = arith.index_cast %parallel_loop3A_504 : i32 to index
        %parallel_loop3A_508 = tpu.vector_load %arg32[%parallel_loop3A_507] {strides = array<i32>} : memref<4096xi32, #tpu.memory_space<vmem>>, vector<16xi32>,
        %parallel_loop3A_509 = arith.constant 16 : i32
        %parallel_loop3A_510 = arith.muli %parallel_loop3A_501, %parallel_loop3A_509 : i32
        %parallel_loop3A_511 = vector.broadcast %parallel_loop3A_510 : i32 to vector<16xi32>
        %parallel_loop3A_512 = arith.addi %parallel_loop3A_511, %iota3A : vector<16xi32>
        %parallel_loop3A_513 = arith.cmpf ole, %parallel_loop3A_506, %neg3A_443 : vector<16xf32>
        %parallel_loop3A_514 = arith.cmpi slt, %parallel_loop3A_512, %parallel_loop3A_340#3 : vector<16xi32>
        %parallel_loop3A_515 = arith.andi %parallel_loop3A_513, %parallel_loop3A_514 : vector<16xi1>
        %parallel_loop3A_516 = arith.extui %parallel_loop3A_515 : vector<16xi1> to vector<16xi32>
        %parallel_loop3A_517 = arith.constant true
        %parallel_loop3A_518 = vector.broadcast %parallel_loop3A_517 : i1 to vector<16xi1>
        %parallel_loop3A_519 = tpu.scan <sum>, %parallel_loop3A_516 masked %parallel_loop3A_518 : vector<16xi32>, vector<16xi1> -> vector<16xi32>
        %parallel_loop3A_520 = arith.addi %parallel_loop3A_502, %parallel_loop3A_519 : vector<16xi32>
        %parallel_loop3A_521 = arith.constant 1 : i32
        %parallel_loop3A_522 = vector.broadcast %parallel_loop3A_521 : i32 to vector<16xi32>
        %parallel_loop3A_523 = arith.subi %parallel_loop3A_520, %parallel_loop3A_522 : vector<16xi32>
        tpu.vector_store_idx %arg35[%parallel_loop3A_523], %parallel_loop3A_506 masked %parallel_loop3A_515 : memref<4096xf32, #tpu.memory_space<vmem>>[vector<16xi32>], vector<16xf32>, vector<16xi1>
        tpu.vector_store_idx %arg36[%parallel_loop3A_523], %parallel_loop3A_508 masked %parallel_loop3A_515 : memref<4096xi32, #tpu.memory_space<vmem>>[vector<16xi32>], vector<16xi32>, vector<16xi1>
        %parallel_loop3A_524 = tpu.all_reduce %parallel_loop3A_515 {dim = 0 : i64, kind = #tpu.reduction_kind<sum>} : vector<16xi1> -> vector<16xi32>
        %parallel_loop3A_525 = arith.addi %parallel_loop3A_502, %parallel_loop3A_524 : vector<16xi32>
        scf.yield %parallel_loop3A_525 : vector<16xi32>
      } {sc.loop_unroll_factor = 2 : i64, sc.parallel_access}
      %slice3A_477 = vector.extract_strided_slice %parallel_loop3A_476 {offsets = [0], sizes = [1], strides = [1]} : vector<16xi32> to vector<1xi32>
      %squeeze3A_478 = vector.extract %slice3A_477[0] : i32 from vector<1xi32>
      %le3A = arith.constant 48 : i32
      %le3A_479 = arith.cmpi sle, %squeeze3A_408, %le3A : i32
      %le3A_480 = arith.constant 48 : i32
      %le3A_481 = arith.cmpi sle, %squeeze3A_478, %le3A_480 : i32
      %and3A_482 = arith.andi %le3A_479, %le3A_481 : i1
      %convert_element_type3A = arith.extui %and3A_482 : i1 to i32
      %cond3A = arith.constant 0 : i32
      %cond3A_483 = arith.constant 0 : i32
      %cond3A_484 = arith.cmpi ne, %convert_element_type3A, %cond3A_483 : i32
      %cond3A_485:2 = scf.if %cond3A_484 -> (vector<16xi32>, vector<16xi32>) {
        %get3A = arith.constant 0 : index
        %get3A_501 = tpu.vector_load %arg33[%get3A] {strides = array<i32>} : memref<4096xf32, #tpu.memory_space<vmem>>, vector<16xf32>,
        %add3A_502 = arith.constant 0 : i32
        %add3A_503 = vector.broadcast %add3A_502 : i32 to vector<16xi32>
        %add3A_504 = arith.addi %add3A_503, %iota3A : vector<16xi32>
        %lt3A_505 = arith.cmpi slt, %add3A_504, %parallel_loop3A_406 : vector<16xi32>
        %jit3A_506 = arith.constant 0x7F800000 : f32
        %broadcast_in_dim3A_507 = vector.broadcast %jit3A_506 : f32 to vector<16xf32>
        %select_n3A_508 = arith.select %lt3A_505, %get3A_501, %broadcast_in_dim3A_507 : vector<16xi1>, vector<16xf32>
        %get3A_509 = arith.constant 16 : index
        %get3A_510 = tpu.vector_load %arg33[%get3A_509] {strides = array<i32>} : memref<4096xf32, #tpu.memory_space<vmem>>, vector<16xf32>,
        %add3A_511 = arith.constant 16 : i32
        %add3A_512 = vector.broadcast %add3A_511 : i32 to vector<16xi32>
        %add3A_513 = arith.addi %add3A_512, %iota3A : vector<16xi32>
        %lt3A_514 = arith.cmpi slt, %add3A_513, %parallel_loop3A_406 : vector<16xi32>
        %jit3A_515 = arith.constant 0x7F800000 : f32
        %broadcast_in_dim3A_516 = vector.broadcast %jit3A_515 : f32 to vector<16xf32>
        %select_n3A_517 = arith.select %lt3A_514, %get3A_510, %broadcast_in_dim3A_516 : vector<16xi1>, vector<16xf32>
        %get3A_518 = arith.constant 32 : index
        %get3A_519 = tpu.vector_load %arg33[%get3A_518] {strides = array<i32>} : memref<4096xf32, #tpu.memory_space<vmem>>, vector<16xf32>,
        %add3A_520 = arith.constant 32 : i32
        %add3A_521 = vector.broadcast %add3A_520 : i32 to vector<16xi32>
        %add3A_522 = arith.addi %add3A_521, %iota3A : vector<16xi32>
        %lt3A_523 = arith.cmpi slt, %add3A_522, %parallel_loop3A_406 : vector<16xi32>
        %jit3A_524 = arith.constant 0x7F800000 : f32
        %broadcast_in_dim3A_525 = vector.broadcast %jit3A_524 : f32 to vector<16xf32>
        %select_n3A_526 = arith.select %lt3A_523, %get3A_519, %broadcast_in_dim3A_525 : vector<16xi1>, vector<16xf32>
        %get3A_527 = arith.constant 0 : index
        %get3A_528 = tpu.vector_load %arg34[%get3A_527] {strides = array<i32>} : memref<4096xi32, #tpu.memory_space<vmem>>, vector<16xi32>,
        %get3A_529 = arith.constant 16 : index
        %get3A_530 = tpu.vector_load %arg34[%get3A_529] {strides = array<i32>} : memref<4096xi32, #tpu.memory_space<vmem>>, vector<16xi32>,
        %get3A_531 = arith.constant 32 : index
        %get3A_532 = tpu.vector_load %arg34[%get3A_531] {strides = array<i32>} : memref<4096xi32, #tpu.memory_space<vmem>>, vector<16xi32>,
        %get3A_533 = arith.constant 0 : index
        %get3A_534 = tpu.vector_load %arg35[%get3A_533] {strides = array<i32>} : memref<4096xf32, #tpu.memory_space<vmem>>, vector<16xf32>,
        %add3A_535 = arith.constant 0 : i32
        %add3A_536 = vector.broadcast %add3A_535 : i32 to vector<16xi32>
        %add3A_537 = arith.addi %add3A_536, %iota3A : vector<16xi32>
        %lt3A_538 = arith.cmpi slt, %add3A_537, %parallel_loop3A_476 : vector<16xi32>
        %jit3A_539 = arith.constant 0x7F800000 : f32
        %broadcast_in_dim3A_540 = vector.broadcast %jit3A_539 : f32 to vector<16xf32>
        %select_n3A_541 = arith.select %lt3A_538, %get3A_534, %broadcast_in_dim3A_540 : vector<16xi1>, vector<16xf32>
        %get3A_542 = arith.constant 16 : index
        %get3A_543 = tpu.vector_load %arg35[%get3A_542] {strides = array<i32>} : memref<4096xf32, #tpu.memory_space<vmem>>, vector<16xf32>,
        %add3A_544 = arith.constant 16 : i32
        %add3A_545 = vector.broadcast %add3A_544 : i32 to vector<16xi32>
        %add3A_546 = arith.addi %add3A_545, %iota3A : vector<16xi32>
        %lt3A_547 = arith.cmpi slt, %add3A_546, %parallel_loop3A_476 : vector<16xi32>
        %jit3A_548 = arith.constant 0x7F800000 : f32
        %broadcast_in_dim3A_549 = vector.broadcast %jit3A_548 : f32 to vector<16xf32>
        %select_n3A_550 = arith.select %lt3A_547, %get3A_543, %broadcast_in_dim3A_549 : vector<16xi1>, vector<16xf32>
        %get3A_551 = arith.constant 32 : index
        %get3A_552 = tpu.vector_load %arg35[%get3A_551] {strides = array<i32>} : memref<4096xf32, #tpu.memory_space<vmem>>, vector<16xf32>,
        %add3A_553 = arith.constant 32 : i32
        %add3A_554 = vector.broadcast %add3A_553 : i32 to vector<16xi32>
        %add3A_555 = arith.addi %add3A_554, %iota3A : vector<16xi32>
        %lt3A_556 = arith.cmpi slt, %add3A_555, %parallel_loop3A_476 : vector<16xi32>
        %jit3A_557 = arith.constant 0x7F800000 : f32
        %broadcast_in_dim3A_558 = vector.broadcast %jit3A_557 : f32 to vector<16xf32>
        %select_n3A_559 = arith.select %lt3A_556, %get3A_552, %broadcast_in_dim3A_558 : vector<16xi1>, vector<16xf32>
        %get3A_560 = arith.constant 0 : index
        %get3A_561 = tpu.vector_load %arg36[%get3A_560] {strides = array<i32>} : memref<4096xi32, #tpu.memory_space<vmem>>, vector<16xi32>,
        %get3A_562 = arith.constant 16 : index
        %get3A_563 = tpu.vector_load %arg36[%get3A_562] {strides = array<i32>} : memref<4096xi32, #tpu.memory_space<vmem>>, vector<16xi32>,
        %get3A_564 = arith.constant 32 : index
        %get3A_565 = tpu.vector_load %arg36[%get3A_564] {strides = array<i32>} : memref<4096xi32, #tpu.memory_space<vmem>>, vector<16xi32>,
        %broadcast_in_dim3A_566 = arith.constant 0 : i32
        %broadcast_in_dim3A_567 = vector.broadcast %broadcast_in_dim3A_566 : i32 to vector<16xi32>
        %scan3A_568 = arith.constant 0 : i32
        %scan3A_569 = arith.constant 17 : i32
        %scan3A_570 = arith.addi %scan3A_568, %scan3A_569 : i32
        %scan3A_571 = arith.constant 1 : i32
        %scan3A_572:8 = scf.for %scan3A_574 = %scan3A_568 to %scan3A_570 step %scan3A_571 iter_args(%scan3A_575 = %broadcast_in_dim3A_567, %scan3A_576 = %select_n3A_508, %scan3A_577 = %select_n3A_517, %scan3A_578 = %select_n3A_526, %scan3A_579 = %broadcast_in_dim3A_567, %scan3A_580 = %select_n3A_541, %scan3A_581 = %select_n3A_550, %scan3A_582 = %select_n3A_559) -> (vector<16xi32>, vector<16xf32>, vector<16xf32>, vector<16xf32>, vector<16xi32>, vector<16xf32>, vector<16xf32>, vector<16xf32>)  : i32 {
          %min3A = arith.minimumf %scan3A_576, %scan3A_577 : vector<16xf32>
          %min3A_583 = arith.minimumf %min3A, %scan3A_578 : vector<16xf32>
          %neg3A_584 = arith.constant 0.000000e+00 : f32
          %neg3A_585 = vector.broadcast %neg3A_584 : f32 to vector<16xf32>
          %neg3A_586 = arith.subf %neg3A_585, %min3A_583 : vector<16xf32>
          %broadcast_in_dim3A_587 = arith.constant true
          %broadcast_in_dim3A_588 = vector.broadcast %broadcast_in_dim3A_587 : i1 to vector<16xi1>
          %masked_cummax3A_589 = tpu.scan <max>, %neg3A_586 masked %broadcast_in_dim3A_588 : vector<16xf32>, vector<16xi1> -> vector<16xf32>
          %broadcast_in_dim3A_590 = arith.constant 15 : i32
          %broadcast_in_dim3A_591 = vector.broadcast %broadcast_in_dim3A_590 : i32 to vector<16xi32>
          %lt3A_592 = arith.constant 0 : i32
          %lt3A_593 = vector.broadcast %lt3A_592 : i32 to vector<16xi32>
          %lt3A_594 = arith.cmpi slt, %broadcast_in_dim3A_591, %lt3A_593 : vector<16xi32>
          %add3A_595 = arith.constant 16 : i32
          %add3A_596 = vector.broadcast %add3A_595 : i32 to vector<16xi32>
          %add3A_597 = arith.addi %broadcast_in_dim3A_591, %add3A_596 : vector<16xi32>
          %select_n3A_598 = arith.select %lt3A_594, %add3A_597, %broadcast_in_dim3A_591 : vector<16xi1>, vector<16xi32>
          %reshape3A_599 = vector.shape_cast %select_n3A_598 : vector<16xi32> to vector<16x1xi32>
          %gather3A_600 = vector.shape_cast %reshape3A_599 : vector<16x1xi32> to vector<16xi32>
          %gather3A_601 = tpu.dynamic_gather %masked_cummax3A_589[%gather3A_600] in [0] : vector<16xf32>, vector<16xi32> -> vector<16xf32>
          %neg3A_602 = arith.constant 0.000000e+00 : f32
          %neg3A_603 = vector.broadcast %neg3A_602 : f32 to vector<16xf32>
          %neg3A_604 = arith.subf %neg3A_603, %gather3A_601 : vector<16xf32>
          %eq3A_605 = arith.cmpf oeq, %scan3A_576, %neg3A_604 : vector<16xf32>
          %all_reduce_ffs3A = tpu.all_reduce %eq3A_605 {dim = 0 : i64, kind = #tpu.reduction_kind<find_first_set>} : vector<16xi1> -> vector<16xi32>
          %eq3A_606 = arith.cmpf oeq, %scan3A_577, %neg3A_604 : vector<16xf32>
          %all_reduce_ffs3A_607 = tpu.all_reduce %eq3A_606 {dim = 0 : i64, kind = #tpu.reduction_kind<find_first_set>} : vector<16xi1> -> vector<16xi32>
          %eq3A_608 = arith.cmpf oeq, %scan3A_578, %neg3A_604 : vector<16xf32>
          %all_reduce_ffs3A_609 = tpu.all_reduce %eq3A_608 {dim = 0 : i64, kind = #tpu.reduction_kind<find_first_set>} : vector<16xi1> -> vector<16xi32>
          %lt3A_610 = arith.constant 16 : i32
          %lt3A_611 = vector.broadcast %lt3A_610 : i32 to vector<16xi32>
          %lt3A_612 = arith.cmpi slt, %all_reduce_ffs3A, %lt3A_611 : vector<16xi32>
          %not3A = arith.constant dense<true> : vector<16xi1>
          %not3A_613 = arith.xori %lt3A_612, %not3A : vector<16xi1>
          %lt3A_614 = arith.constant 16 : i32
          %lt3A_615 = vector.broadcast %lt3A_614 : i32 to vector<16xi32>
          %lt3A_616 = arith.cmpi slt, %all_reduce_ffs3A_607, %lt3A_615 : vector<16xi32>
          %and3A_617 = arith.andi %not3A_613, %lt3A_616 : vector<16xi1>
          %not3A_618 = arith.constant dense<true> : vector<16xi1>
          %not3A_619 = arith.xori %lt3A_612, %not3A_618 : vector<16xi1>
          %not3A_620 = arith.constant dense<true> : vector<16xi1>
          %not3A_621 = arith.xori %and3A_617, %not3A_620 : vector<16xi1>
          %and3A_622 = arith.andi %not3A_619, %not3A_621 : vector<16xi1>
          %min3A_623 = arith.constant 15 : i32
          %min3A_624 = vector.broadcast %min3A_623 : i32 to vector<16xi32>
          %min3A_625 = arith.minsi %all_reduce_ffs3A, %min3A_624 : vector<16xi32>
          %lt3A_626 = arith.constant 0 : i32
          %lt3A_627 = vector.broadcast %lt3A_626 : i32 to vector<16xi32>
          %lt3A_628 = arith.cmpi slt, %min3A_625, %lt3A_627 : vector<16xi32>
          %add3A_629 = arith.constant 16 : i32
          %add3A_630 = vector.broadcast %add3A_629 : i32 to vector<16xi32>
          %add3A_631 = arith.addi %min3A_625, %add3A_630 : vector<16xi32>
          %select_n3A_632 = arith.select %lt3A_628, %add3A_631, %min3A_625 : vector<16xi1>, vector<16xi32>
          %reshape3A_633 = vector.shape_cast %select_n3A_632 : vector<16xi32> to vector<16x1xi32>
          %gather3A_634 = vector.shape_cast %reshape3A_633 : vector<16x1xi32> to vector<16xi32>
          %gather3A_635 = tpu.dynamic_gather %get3A_528[%gather3A_634] in [0] : vector<16xi32>, vector<16xi32> -> vector<16xi32>
          %min3A_636 = arith.constant 15 : i32
          %min3A_637 = vector.broadcast %min3A_636 : i32 to vector<16xi32>
          %min3A_638 = arith.minsi %all_reduce_ffs3A_607, %min3A_637 : vector<16xi32>
          %lt3A_639 = arith.constant 0 : i32
          %lt3A_640 = vector.broadcast %lt3A_639 : i32 to vector<16xi32>
          %lt3A_641 = arith.cmpi slt, %min3A_638, %lt3A_640 : vector<16xi32>
          %add3A_642 = arith.constant 16 : i32
          %add3A_643 = vector.broadcast %add3A_642 : i32 to vector<16xi32>
          %add3A_644 = arith.addi %min3A_638, %add3A_643 : vector<16xi32>
          %select_n3A_645 = arith.select %lt3A_641, %add3A_644, %min3A_638 : vector<16xi1>, vector<16xi32>
          %reshape3A_646 = vector.shape_cast %select_n3A_645 : vector<16xi32> to vector<16x1xi32>
          %gather3A_647 = vector.shape_cast %reshape3A_646 : vector<16x1xi32> to vector<16xi32>
          %gather3A_648 = tpu.dynamic_gather %get3A_530[%gather3A_647] in [0] : vector<16xi32>, vector<16xi32> -> vector<16xi32>
          %min3A_649 = arith.constant 15 : i32
          %min3A_650 = vector.broadcast %min3A_649 : i32 to vector<16xi32>
          %min3A_651 = arith.minsi %all_reduce_ffs3A_609, %min3A_650 : vector<16xi32>
          %lt3A_652 = arith.constant 0 : i32
          %lt3A_653 = vector.broadcast %lt3A_652 : i32 to vector<16xi32>
          %lt3A_654 = arith.cmpi slt, %min3A_651, %lt3A_653 : vector<16xi32>
          %add3A_655 = arith.constant 16 : i32
          %add3A_656 = vector.broadcast %add3A_655 : i32 to vector<16xi32>
          %add3A_657 = arith.addi %min3A_651, %add3A_656 : vector<16xi32>
          %select_n3A_658 = arith.select %lt3A_654, %add3A_657, %min3A_651 : vector<16xi1>, vector<16xi32>
          %reshape3A_659 = vector.shape_cast %select_n3A_658 : vector<16xi32> to vector<16x1xi32>
          %gather3A_660 = vector.shape_cast %reshape3A_659 : vector<16x1xi32> to vector<16xi32>
          %gather3A_661 = tpu.dynamic_gather %get3A_532[%gather3A_660] in [0] : vector<16xi32>, vector<16xi32> -> vector<16xi32>
          %select_n3A_662 = arith.select %and3A_617, %gather3A_648, %gather3A_661 : vector<16xi1>, vector<16xi32>
          %select_n3A_663 = arith.select %lt3A_612, %gather3A_635, %select_n3A_662 : vector<16xi1>, vector<16xi32>
          %eq3A_664 = arith.cmpi eq, %iota3A, %all_reduce_ffs3A : vector<16xi32>
          %and3A_665 = arith.andi %lt3A_612, %eq3A_664 : vector<16xi1>
          %jit3A_666 = arith.constant 0x7F800000 : f32
          %broadcast_in_dim3A_667 = vector.broadcast %jit3A_666 : f32 to vector<16xf32>
          %select_n3A_668 = arith.select %and3A_665, %broadcast_in_dim3A_667, %scan3A_576 : vector<16xi1>, vector<16xf32>
          %eq3A_669 = arith.cmpi eq, %iota3A, %all_reduce_ffs3A_607 : vector<16xi32>
          %and3A_670 = arith.andi %and3A_617, %eq3A_669 : vector<16xi1>
          %jit3A_671 = arith.constant 0x7F800000 : f32
          %broadcast_in_dim3A_672 = vector.broadcast %jit3A_671 : f32 to vector<16xf32>
          %select_n3A_673 = arith.select %and3A_670, %broadcast_in_dim3A_672, %scan3A_577 : vector<16xi1>, vector<16xf32>
          %eq3A_674 = arith.cmpi eq, %iota3A, %all_reduce_ffs3A_609 : vector<16xi32>
          %and3A_675 = arith.andi %and3A_622, %eq3A_674 : vector<16xi1>
          %jit3A_676 = arith.constant 0x7F800000 : f32
          %broadcast_in_dim3A_677 = vector.broadcast %jit3A_676 : f32 to vector<16xf32>
          %select_n3A_678 = arith.select %and3A_675, %broadcast_in_dim3A_677, %scan3A_578 : vector<16xi1>, vector<16xf32>
          %sub3A_679 = arith.constant 1 : i32
          %sub3A_680 = arith.subi %scan3A_574, %sub3A_679 : i32
          %eq3A_681 = vector.broadcast %sub3A_680 : i32 to vector<16xi32>
          %eq3A_682 = arith.cmpi eq, %iota3A, %eq3A_681 : vector<16xi32>
          %select_n3A_683 = arith.select %eq3A_682, %select_n3A_663, %scan3A_575 : vector<16xi1>, vector<16xi32>
          %min3A_684 = arith.minimumf %scan3A_580, %scan3A_581 : vector<16xf32>
          %min3A_685 = arith.minimumf %min3A_684, %scan3A_582 : vector<16xf32>
          %neg3A_686 = arith.constant 0.000000e+00 : f32
          %neg3A_687 = vector.broadcast %neg3A_686 : f32 to vector<16xf32>
          %neg3A_688 = arith.subf %neg3A_687, %min3A_685 : vector<16xf32>
          %broadcast_in_dim3A_689 = arith.constant true
          %broadcast_in_dim3A_690 = vector.broadcast %broadcast_in_dim3A_689 : i1 to vector<16xi1>
          %masked_cummax3A_691 = tpu.scan <max>, %neg3A_688 masked %broadcast_in_dim3A_690 : vector<16xf32>, vector<16xi1> -> vector<16xf32>
          %broadcast_in_dim3A_692 = arith.constant 15 : i32
          %broadcast_in_dim3A_693 = vector.broadcast %broadcast_in_dim3A_692 : i32 to vector<16xi32>
          %lt3A_694 = arith.constant 0 : i32
          %lt3A_695 = vector.broadcast %lt3A_694 : i32 to vector<16xi32>
          %lt3A_696 = arith.cmpi slt, %broadcast_in_dim3A_693, %lt3A_695 : vector<16xi32>
          %add3A_697 = arith.constant 16 : i32
          %add3A_698 = vector.broadcast %add3A_697 : i32 to vector<16xi32>
          %add3A_699 = arith.addi %broadcast_in_dim3A_693, %add3A_698 : vector<16xi32>
          %select_n3A_700 = arith.select %lt3A_696, %add3A_699, %broadcast_in_dim3A_693 : vector<16xi1>, vector<16xi32>
          %reshape3A_701 = vector.shape_cast %select_n3A_700 : vector<16xi32> to vector<16x1xi32>
          %gather3A_702 = vector.shape_cast %reshape3A_701 : vector<16x1xi32> to vector<16xi32>
          %gather3A_703 = tpu.dynamic_gather %masked_cummax3A_691[%gather3A_702] in [0] : vector<16xf32>, vector<16xi32> -> vector<16xf32>
          %neg3A_704 = arith.constant 0.000000e+00 : f32
          %neg3A_705 = vector.broadcast %neg3A_704 : f32 to vector<16xf32>
          %neg3A_706 = arith.subf %neg3A_705, %gather3A_703 : vector<16xf32>
          %eq3A_707 = arith.cmpf oeq, %scan3A_580, %neg3A_706 : vector<16xf32>
          %all_reduce_ffs3A_708 = tpu.all_reduce %eq3A_707 {dim = 0 : i64, kind = #tpu.reduction_kind<find_first_set>} : vector<16xi1> -> vector<16xi32>
          %eq3A_709 = arith.cmpf oeq, %scan3A_581, %neg3A_706 : vector<16xf32>
          %all_reduce_ffs3A_710 = tpu.all_reduce %eq3A_709 {dim = 0 : i64, kind = #tpu.reduction_kind<find_first_set>} : vector<16xi1> -> vector<16xi32>
          %eq3A_711 = arith.cmpf oeq, %scan3A_582, %neg3A_706 : vector<16xf32>
          %all_reduce_ffs3A_712 = tpu.all_reduce %eq3A_711 {dim = 0 : i64, kind = #tpu.reduction_kind<find_first_set>} : vector<16xi1> -> vector<16xi32>
          %lt3A_713 = arith.constant 16 : i32
          %lt3A_714 = vector.broadcast %lt3A_713 : i32 to vector<16xi32>
          %lt3A_715 = arith.cmpi slt, %all_reduce_ffs3A_708, %lt3A_714 : vector<16xi32>
          %not3A_716 = arith.constant dense<true> : vector<16xi1>
          %not3A_717 = arith.xori %lt3A_715, %not3A_716 : vector<16xi1>
          %lt3A_718 = arith.constant 16 : i32
          %lt3A_719 = vector.broadcast %lt3A_718 : i32 to vector<16xi32>
          %lt3A_720 = arith.cmpi slt, %all_reduce_ffs3A_710, %lt3A_719 : vector<16xi32>
          %and3A_721 = arith.andi %not3A_717, %lt3A_720 : vector<16xi1>
          %not3A_722 = arith.constant dense<true> : vector<16xi1>
          %not3A_723 = arith.xori %lt3A_715, %not3A_722 : vector<16xi1>
          %not3A_724 = arith.constant dense<true> : vector<16xi1>
          %not3A_725 = arith.xori %and3A_721, %not3A_724 : vector<16xi1>
          %and3A_726 = arith.andi %not3A_723, %not3A_725 : vector<16xi1>
          %min3A_727 = arith.constant 15 : i32
          %min3A_728 = vector.broadcast %min3A_727 : i32 to vector<16xi32>
          %min3A_729 = arith.minsi %all_reduce_ffs3A_708, %min3A_728 : vector<16xi32>
          %lt3A_730 = arith.constant 0 : i32
          %lt3A_731 = vector.broadcast %lt3A_730 : i32 to vector<16xi32>
          %lt3A_732 = arith.cmpi slt, %min3A_729, %lt3A_731 : vector<16xi32>
          %add3A_733 = arith.constant 16 : i32
          %add3A_734 = vector.broadcast %add3A_733 : i32 to vector<16xi32>
          %add3A_735 = arith.addi %min3A_729, %add3A_734 : vector<16xi32>
          %select_n3A_736 = arith.select %lt3A_732, %add3A_735, %min3A_729 : vector<16xi1>, vector<16xi32>
          %reshape3A_737 = vector.shape_cast %select_n3A_736 : vector<16xi32> to vector<16x1xi32>
          %gather3A_738 = vector.shape_cast %reshape3A_737 : vector<16x1xi32> to vector<16xi32>
          %gather3A_739 = tpu.dynamic_gather %get3A_561[%gather3A_738] in [0] : vector<16xi32>, vector<16xi32> -> vector<16xi32>
          %min3A_740 = arith.constant 15 : i32
          %min3A_741 = vector.broadcast %min3A_740 : i32 to vector<16xi32>
          %min3A_742 = arith.minsi %all_reduce_ffs3A_710, %min3A_741 : vector<16xi32>
          %lt3A_743 = arith.constant 0 : i32
          %lt3A_744 = vector.broadcast %lt3A_743 : i32 to vector<16xi32>
          %lt3A_745 = arith.cmpi slt, %min3A_742, %lt3A_744 : vector<16xi32>
          %add3A_746 = arith.constant 16 : i32
          %add3A_747 = vector.broadcast %add3A_746 : i32 to vector<16xi32>
          %add3A_748 = arith.addi %min3A_742, %add3A_747 : vector<16xi32>
          %select_n3A_749 = arith.select %lt3A_745, %add3A_748, %min3A_742 : vector<16xi1>, vector<16xi32>
          %reshape3A_750 = vector.shape_cast %select_n3A_749 : vector<16xi32> to vector<16x1xi32>
          %gather3A_751 = vector.shape_cast %reshape3A_750 : vector<16x1xi32> to vector<16xi32>
          %gather3A_752 = tpu.dynamic_gather %get3A_563[%gather3A_751] in [0] : vector<16xi32>, vector<16xi32> -> vector<16xi32>
          %min3A_753 = arith.constant 15 : i32
          %min3A_754 = vector.broadcast %min3A_753 : i32 to vector<16xi32>
          %min3A_755 = arith.minsi %all_reduce_ffs3A_712, %min3A_754 : vector<16xi32>
          %lt3A_756 = arith.constant 0 : i32
          %lt3A_757 = vector.broadcast %lt3A_756 : i32 to vector<16xi32>
          %lt3A_758 = arith.cmpi slt, %min3A_755, %lt3A_757 : vector<16xi32>
          %add3A_759 = arith.constant 16 : i32
          %add3A_760 = vector.broadcast %add3A_759 : i32 to vector<16xi32>
          %add3A_761 = arith.addi %min3A_755, %add3A_760 : vector<16xi32>
          %select_n3A_762 = arith.select %lt3A_758, %add3A_761, %min3A_755 : vector<16xi1>, vector<16xi32>
          %reshape3A_763 = vector.shape_cast %select_n3A_762 : vector<16xi32> to vector<16x1xi32>
          %gather3A_764 = vector.shape_cast %reshape3A_763 : vector<16x1xi32> to vector<16xi32>
          %gather3A_765 = tpu.dynamic_gather %get3A_565[%gather3A_764] in [0] : vector<16xi32>, vector<16xi32> -> vector<16xi32>
          %select_n3A_766 = arith.select %and3A_721, %gather3A_752, %gather3A_765 : vector<16xi1>, vector<16xi32>
          %select_n3A_767 = arith.select %lt3A_715, %gather3A_739, %select_n3A_766 : vector<16xi1>, vector<16xi32>
          %eq3A_768 = arith.cmpi eq, %iota3A, %all_reduce_ffs3A_708 : vector<16xi32>
          %and3A_769 = arith.andi %lt3A_715, %eq3A_768 : vector<16xi1>
          %jit3A_770 = arith.constant 0x7F800000 : f32
          %broadcast_in_dim3A_771 = vector.broadcast %jit3A_770 : f32 to vector<16xf32>
          %select_n3A_772 = arith.select %and3A_769, %broadcast_in_dim3A_771, %scan3A_580 : vector<16xi1>, vector<16xf32>
          %eq3A_773 = arith.cmpi eq, %iota3A, %all_reduce_ffs3A_710 : vector<16xi32>
          %and3A_774 = arith.andi %and3A_721, %eq3A_773 : vector<16xi1>
          %jit3A_775 = arith.constant 0x7F800000 : f32
          %broadcast_in_dim3A_776 = vector.broadcast %jit3A_775 : f32 to vector<16xf32>
          %select_n3A_777 = arith.select %and3A_774, %broadcast_in_dim3A_776, %scan3A_581 : vector<16xi1>, vector<16xf32>
          %eq3A_778 = arith.cmpi eq, %iota3A, %all_reduce_ffs3A_712 : vector<16xi32>
          %and3A_779 = arith.andi %and3A_726, %eq3A_778 : vector<16xi1>
          %jit3A_780 = arith.constant 0x7F800000 : f32
          %broadcast_in_dim3A_781 = vector.broadcast %jit3A_780 : f32 to vector<16xf32>
          %select_n3A_782 = arith.select %and3A_779, %broadcast_in_dim3A_781, %scan3A_582 : vector<16xi1>, vector<16xf32>
          %sub3A_783 = arith.constant 1 : i32
          %sub3A_784 = arith.subi %scan3A_574, %sub3A_783 : i32
          %eq3A_785 = vector.broadcast %sub3A_784 : i32 to vector<16xi32>
          %eq3A_786 = arith.cmpi eq, %iota3A, %eq3A_785 : vector<16xi32>
          %select_n3A_787 = arith.select %eq3A_786, %select_n3A_767, %scan3A_579 : vector<16xi1>, vector<16xi32>
          scf.yield %select_n3A_683, %select_n3A_668, %select_n3A_673, %select_n3A_678, %select_n3A_787, %select_n3A_772, %select_n3A_777, %select_n3A_782 : vector<16xi32>, vector<16xf32>, vector<16xf32>, vector<16xf32>, vector<16xi32>, vector<16xf32>, vector<16xf32>, vector<16xf32>
        }
        %scan3A_573 = arith.constant 17 : i32
        scf.yield %scan3A_572#0, %scan3A_572#4 : vector<16xi32>, vector<16xi32>
      } else {
        %add3A_501 = arith.constant 15 : i32
        %add3A_502 = arith.addi %squeeze3A_408, %add3A_501 : i32
        %jit3A_503 = arith.constant 16 : i32
        %div3A_504 = arith.divsi %add3A_502, %jit3A_503 : i32
        %sign3A_505 = arith.constant 0 : i32
        %sign3A_506 = arith.cmpi sgt, %add3A_502, %sign3A_505 : i32
        %sign3A_507 = arith.extui %sign3A_506 : i1 to i32
        %sign3A_508 = arith.constant 0 : i32
        %sign3A_509 = arith.cmpi slt, %add3A_502, %sign3A_508 : i32
        %sign3A_510 = arith.extui %sign3A_509 : i1 to i32
        %sign3A_511 = arith.subi %sign3A_507, %sign3A_510 : i32
        %sign3A_512 = arith.constant 0 : i32
        %sign3A_513 = arith.cmpi sgt, %jit3A_503, %sign3A_512 : i32
        %sign3A_514 = arith.extui %sign3A_513 : i1 to i32
        %sign3A_515 = arith.constant 0 : i32
        %sign3A_516 = arith.cmpi slt, %jit3A_503, %sign3A_515 : i32
        %sign3A_517 = arith.extui %sign3A_516 : i1 to i32
        %sign3A_518 = arith.subi %sign3A_514, %sign3A_517 : i32
        %ne3A_519 = arith.cmpi ne, %sign3A_511, %sign3A_518 : i32
        %rem3A_520 = arith.remsi %add3A_502, %jit3A_503 : i32
        %ne3A_521 = arith.constant 0 : i32
        %ne3A_522 = arith.cmpi ne, %rem3A_520, %ne3A_521 : i32
        %and3A_523 = arith.andi %ne3A_519, %ne3A_522 : i1
        %sub3A_524 = arith.constant 1 : i32
        %sub3A_525 = arith.subi %div3A_504, %sub3A_524 : i32
        %select_n3A_526 = arith.select %and3A_523, %sub3A_525, %div3A_504 : i32
        %broadcast_in_dim3A_527 = arith.constant 0 : i32
        %broadcast_in_dim3A_528 = vector.broadcast %broadcast_in_dim3A_527 : i32 to vector<16xi32>
        %scan3A_529 = arith.constant 0 : i32
        %scan3A_530 = arith.constant 0 : i32
        %scan3A_531 = arith.constant 17 : i32
        %scan3A_532 = arith.addi %scan3A_530, %scan3A_531 : i32
        %scan3A_533 = arith.constant 1 : i32
        %scan3A_534:2 = scf.for %scan3A_571 = %scan3A_530 to %scan3A_532 step %scan3A_533 iter_args(%scan3A_572 = %broadcast_in_dim3A_528, %scan3A_573 = %scan3A_529) -> (vector<16xi32>, i32)  : i32 {
          %broadcast_in_dim3A_574 = arith.constant 0x7F800000 : f32
          %broadcast_in_dim3A_575 = vector.broadcast %broadcast_in_dim3A_574 : f32 to vector<16xf32>
          %broadcast_in_dim3A_576 = arith.constant 0 : i32
          %broadcast_in_dim3A_577 = vector.broadcast %broadcast_in_dim3A_576 : i32 to vector<16xi32>
          %while3A = arith.constant 0 : i32
          %while3A_578 = arith.subi %select_n3A_526, %while3A : i32
          %while3A_579 = arith.addi %while3A, %while3A_578 : i32
          %while3A_580 = arith.constant 1 : i32
          %while3A_581 = arith.divsi %while3A_578, %while3A_580 : i32
          %while3A_582 = arith.muli %while3A_581, %while3A_580 : i32
          %while3A_583 = arith.addi %while3A, %while3A_582 : i32
          %while3A_584 = arith.constant 1 : i32
          %while3A_585:2 = scf.for %while3A_600 = %while3A to %while3A_583 step %while3A_584 iter_args(%while3A_601 = %broadcast_in_dim3A_575, %while3A_602 = %broadcast_in_dim3A_577) -> (vector<16xf32>, vector<16xi32>)  : i32 {
            %mul3A_603 = arith.constant 16 : i32
            %mul3A_604 = arith.muli %while3A_600, %mul3A_603 : i32
            %get3A = arith.index_cast %mul3A_604 : i32 to index
            %get3A_605 = tpu.vector_load %arg33[%get3A] {strides = array<i32>} : memref<4096xf32, #tpu.memory_space<vmem>>, vector<16xf32>,
            %mul3A_606 = arith.constant 16 : i32
            %mul3A_607 = arith.muli %while3A_600, %mul3A_606 : i32
            %add3A_608 = vector.broadcast %mul3A_607 : i32 to vector<16xi32>
            %add3A_609 = arith.addi %add3A_608, %iota3A : vector<16xi32>
            %lt3A_610 = arith.cmpi slt, %add3A_609, %parallel_loop3A_406 : vector<16xi32>
            %jit3A_611 = arith.constant 0x7F800000 : f32
            %broadcast_in_dim3A_612 = vector.broadcast %jit3A_611 : f32 to vector<16xf32>
            %select_n3A_613 = arith.select %lt3A_610, %get3A_605, %broadcast_in_dim3A_612 : vector<16xi1>, vector<16xf32>
            %neg3A_614 = arith.constant 0.000000e+00 : f32
            %neg3A_615 = vector.broadcast %neg3A_614 : f32 to vector<16xf32>
            %neg3A_616 = arith.subf %neg3A_615, %select_n3A_613 : vector<16xf32>
            %broadcast_in_dim3A_617 = arith.constant true
            %broadcast_in_dim3A_618 = vector.broadcast %broadcast_in_dim3A_617 : i1 to vector<16xi1>
            %masked_cummax3A_619 = tpu.scan <max>, %neg3A_616 masked %broadcast_in_dim3A_618 : vector<16xf32>, vector<16xi1> -> vector<16xf32>
            %broadcast_in_dim3A_620 = arith.constant 15 : i32
            %broadcast_in_dim3A_621 = vector.broadcast %broadcast_in_dim3A_620 : i32 to vector<16xi32>
            %lt3A_622 = arith.constant 0 : i32
            %lt3A_623 = vector.broadcast %lt3A_622 : i32 to vector<16xi32>
            %lt3A_624 = arith.cmpi slt, %broadcast_in_dim3A_621, %lt3A_623 : vector<16xi32>
            %add3A_625 = arith.constant 16 : i32
            %add3A_626 = vector.broadcast %add3A_625 : i32 to vector<16xi32>
            %add3A_627 = arith.addi %broadcast_in_dim3A_621, %add3A_626 : vector<16xi32>
            %select_n3A_628 = arith.select %lt3A_624, %add3A_627, %broadcast_in_dim3A_621 : vector<16xi1>, vector<16xi32>
            %reshape3A_629 = vector.shape_cast %select_n3A_628 : vector<16xi32> to vector<16x1xi32>
            %gather3A_630 = vector.shape_cast %reshape3A_629 : vector<16x1xi32> to vector<16xi32>
            %gather3A_631 = tpu.dynamic_gather %masked_cummax3A_619[%gather3A_630] in [0] : vector<16xf32>, vector<16xi32> -> vector<16xf32>
            %neg3A_632 = arith.constant 0.000000e+00 : f32
            %neg3A_633 = vector.broadcast %neg3A_632 : f32 to vector<16xf32>
            %neg3A_634 = arith.subf %neg3A_633, %gather3A_631 : vector<16xf32>
            %eq3A_635 = arith.cmpf oeq, %select_n3A_613, %neg3A_634 : vector<16xf32>
            %all_reduce_ffs3A = tpu.all_reduce %eq3A_635 {dim = 0 : i64, kind = #tpu.reduction_kind<find_first_set>} : vector<16xi1> -> vector<16xi32>
            %mul3A_636 = arith.constant 16 : i32
            %mul3A_637 = arith.muli %while3A_600, %mul3A_636 : i32
            %min3A = arith.constant 15 : i32
            %min3A_638 = vector.broadcast %min3A : i32 to vector<16xi32>
            %min3A_639 = arith.minsi %all_reduce_ffs3A, %min3A_638 : vector<16xi32>
            %add3A_640 = vector.broadcast %mul3A_637 : i32 to vector<16xi32>
            %add3A_641 = arith.addi %add3A_640, %min3A_639 : vector<16xi32>
            %min3A_642 = arith.constant 15 : i32
            %min3A_643 = vector.broadcast %min3A_642 : i32 to vector<16xi32>
            %min3A_644 = arith.minsi %all_reduce_ffs3A, %min3A_643 : vector<16xi32>
            %lt3A_645 = arith.constant 0 : i32
            %lt3A_646 = vector.broadcast %lt3A_645 : i32 to vector<16xi32>
            %lt3A_647 = arith.cmpi slt, %min3A_644, %lt3A_646 : vector<16xi32>
            %add3A_648 = arith.constant 16 : i32
            %add3A_649 = vector.broadcast %add3A_648 : i32 to vector<16xi32>
            %add3A_650 = arith.addi %min3A_644, %add3A_649 : vector<16xi32>
            %select_n3A_651 = arith.select %lt3A_647, %add3A_650, %min3A_644 : vector<16xi1>, vector<16xi32>
            %reshape3A_652 = vector.shape_cast %select_n3A_651 : vector<16xi32> to vector<16x1xi32>
            %gather3A_653 = vector.shape_cast %reshape3A_652 : vector<16x1xi32> to vector<16xi32>
            %gather3A_654 = tpu.dynamic_gather %select_n3A_613[%gather3A_653] in [0] : vector<16xf32>, vector<16xi32> -> vector<16xf32>
            %lt3A_655 = arith.cmpf olt, %gather3A_654, %while3A_601 : vector<16xf32>
            %select_n3A_656 = arith.select %lt3A_655, %gather3A_654, %while3A_601 : vector<16xi1>, vector<16xf32>
            %select_n3A_657 = arith.select %lt3A_655, %add3A_641, %while3A_602 : vector<16xi1>, vector<16xi32>
            scf.yield %select_n3A_656, %select_n3A_657 : vector<16xf32>, vector<16xi32>
          }
          %while3A_586 = arith.constant 1 : i32
          %while3A_587:2 = scf.for %while3A_600 = %while3A_583 to %while3A_579 step %while3A_586 iter_args(%while3A_601 = %while3A_585#0, %while3A_602 = %while3A_585#1) -> (vector<16xf32>, vector<16xi32>)  : i32 {
            %mul3A_603 = arith.constant 16 : i32
            %mul3A_604 = arith.muli %while3A_600, %mul3A_603 : i32
            %get3A = arith.index_cast %mul3A_604 : i32 to index
            %get3A_605 = tpu.vector_load %arg33[%get3A] {strides = array<i32>} : memref<4096xf32, #tpu.memory_space<vmem>>, vector<16xf32>,
            %mul3A_606 = arith.constant 16 : i32
            %mul3A_607 = arith.muli %while3A_600, %mul3A_606 : i32
            %add3A_608 = vector.broadcast %mul3A_607 : i32 to vector<16xi32>
            %add3A_609 = arith.addi %add3A_608, %iota3A : vector<16xi32>
            %lt3A_610 = arith.cmpi slt, %add3A_609, %parallel_loop3A_406 : vector<16xi32>
            %jit3A_611 = arith.constant 0x7F800000 : f32
            %broadcast_in_dim3A_612 = vector.broadcast %jit3A_611 : f32 to vector<16xf32>
            %select_n3A_613 = arith.select %lt3A_610, %get3A_605, %broadcast_in_dim3A_612 : vector<16xi1>, vector<16xf32>
            %neg3A_614 = arith.constant 0.000000e+00 : f32
            %neg3A_615 = vector.broadcast %neg3A_614 : f32 to vector<16xf32>
            %neg3A_616 = arith.subf %neg3A_615, %select_n3A_613 : vector<16xf32>
            %broadcast_in_dim3A_617 = arith.constant true
            %broadcast_in_dim3A_618 = vector.broadcast %broadcast_in_dim3A_617 : i1 to vector<16xi1>
            %masked_cummax3A_619 = tpu.scan <max>, %neg3A_616 masked %broadcast_in_dim3A_618 : vector<16xf32>, vector<16xi1> -> vector<16xf32>
            %broadcast_in_dim3A_620 = arith.constant 15 : i32
            %broadcast_in_dim3A_621 = vector.broadcast %broadcast_in_dim3A_620 : i32 to vector<16xi32>
            %lt3A_622 = arith.constant 0 : i32
            %lt3A_623 = vector.broadcast %lt3A_622 : i32 to vector<16xi32>
            %lt3A_624 = arith.cmpi slt, %broadcast_in_dim3A_621, %lt3A_623 : vector<16xi32>
            %add3A_625 = arith.constant 16 : i32
            %add3A_626 = vector.broadcast %add3A_625 : i32 to vector<16xi32>
            %add3A_627 = arith.addi %broadcast_in_dim3A_621, %add3A_626 : vector<16xi32>
            %select_n3A_628 = arith.select %lt3A_624, %add3A_627, %broadcast_in_dim3A_621 : vector<16xi1>, vector<16xi32>
            %reshape3A_629 = vector.shape_cast %select_n3A_628 : vector<16xi32> to vector<16x1xi32>
            %gather3A_630 = vector.shape_cast %reshape3A_629 : vector<16x1xi32> to vector<16xi32>
            %gather3A_631 = tpu.dynamic_gather %masked_cummax3A_619[%gather3A_630] in [0] : vector<16xf32>, vector<16xi32> -> vector<16xf32>
            %neg3A_632 = arith.constant 0.000000e+00 : f32
            %neg3A_633 = vector.broadcast %neg3A_632 : f32 to vector<16xf32>
            %neg3A_634 = arith.subf %neg3A_633, %gather3A_631 : vector<16xf32>
            %eq3A_635 = arith.cmpf oeq, %select_n3A_613, %neg3A_634 : vector<16xf32>
            %all_reduce_ffs3A = tpu.all_reduce %eq3A_635 {dim = 0 : i64, kind = #tpu.reduction_kind<find_first_set>} : vector<16xi1> -> vector<16xi32>
            %mul3A_636 = arith.constant 16 : i32
            %mul3A_637 = arith.muli %while3A_600, %mul3A_636 : i32
            %min3A = arith.constant 15 : i32
            %min3A_638 = vector.broadcast %min3A : i32 to vector<16xi32>
            %min3A_639 = arith.minsi %all_reduce_ffs3A, %min3A_638 : vector<16xi32>
            %add3A_640 = vector.broadcast %mul3A_637 : i32 to vector<16xi32>
            %add3A_641 = arith.addi %add3A_640, %min3A_639 : vector<16xi32>
            %min3A_642 = arith.constant 15 : i32
            %min3A_643 = vector.broadcast %min3A_642 : i32 to vector<16xi32>
            %min3A_644 = arith.minsi %all_reduce_ffs3A, %min3A_643 : vector<16xi32>
            %lt3A_645 = arith.constant 0 : i32
            %lt3A_646 = vector.broadcast %lt3A_645 : i32 to vector<16xi32>
            %lt3A_647 = arith.cmpi slt, %min3A_644, %lt3A_646 : vector<16xi32>
            %add3A_648 = arith.constant 16 : i32
            %add3A_649 = vector.broadcast %add3A_648 : i32 to vector<16xi32>
            %add3A_650 = arith.addi %min3A_644, %add3A_649 : vector<16xi32>
            %select_n3A_651 = arith.select %lt3A_647, %add3A_650, %min3A_644 : vector<16xi1>, vector<16xi32>
            %reshape3A_652 = vector.shape_cast %select_n3A_651 : vector<16xi32> to vector<16x1xi32>
            %gather3A_653 = vector.shape_cast %reshape3A_652 : vector<16x1xi32> to vector<16xi32>
            %gather3A_654 = tpu.dynamic_gather %select_n3A_613[%gather3A_653] in [0] : vector<16xf32>, vector<16xi32> -> vector<16xf32>
            %lt3A_655 = arith.cmpf olt, %gather3A_654, %while3A_601 : vector<16xf32>
            %select_n3A_656 = arith.select %lt3A_655, %gather3A_654, %while3A_601 : vector<16xi1>, vector<16xf32>
            %select_n3A_657 = arith.select %lt3A_655, %add3A_641, %while3A_602 : vector<16xi1>, vector<16xi32>
            scf.yield %select_n3A_656, %select_n3A_657 : vector<16xf32>, vector<16xi32>
          }
          %gather3A_588 = tpu.vector_load_idx %arg34[%while3A_587#1] : memref<4096xi32, #tpu.memory_space<vmem>>[vector<16xi32>], vector<16xi32>,
          %broadcast_in_dim3A_589 = arith.constant 0x7F800000 : f32
          %broadcast_in_dim3A_590 = vector.broadcast %broadcast_in_dim3A_589 : f32 to vector<16xf32>
          %eq3A_591 = arith.constant 0 : i32
          %eq3A_592 = vector.broadcast %eq3A_591 : i32 to vector<16xi32>
          %eq3A_593 = arith.cmpi eq, %iota3A, %eq3A_592 : vector<16xi32>
          tpu.vector_store_idx %arg33[%while3A_587#1], %broadcast_in_dim3A_590 masked %eq3A_593 : memref<4096xf32, #tpu.memory_space<vmem>>[vector<16xi32>], vector<16xf32>, vector<16xi1>
          %sub3A_594 = arith.constant 1 : i32
          %sub3A_595 = arith.subi %scan3A_571, %sub3A_594 : i32
          %eq3A_596 = vector.broadcast %sub3A_595 : i32 to vector<16xi32>
          %eq3A_597 = arith.cmpi eq, %iota3A, %eq3A_596 : vector<16xi32>
          %select_n3A_598 = arith.select %eq3A_597, %gather3A_588, %scan3A_572 : vector<16xi1>, vector<16xi32>
          %scan3A_599 = arith.constant 0 : i32
          scf.yield %select_n3A_598, %scan3A_599 : vector<16xi32>, i32
        }
        %scan3A_535 = arith.constant 17 : i32
        %add3A_536 = arith.constant 15 : i32
        %add3A_537 = arith.addi %squeeze3A_478, %add3A_536 : i32
        %jit3A_538 = arith.constant 16 : i32
        %div3A_539 = arith.divsi %add3A_537, %jit3A_538 : i32
        %sign3A_540 = arith.constant 0 : i32
        %sign3A_541 = arith.cmpi sgt, %add3A_537, %sign3A_540 : i32
        %sign3A_542 = arith.extui %sign3A_541 : i1 to i32
        %sign3A_543 = arith.constant 0 : i32
        %sign3A_544 = arith.cmpi slt, %add3A_537, %sign3A_543 : i32
        %sign3A_545 = arith.extui %sign3A_544 : i1 to i32
        %sign3A_546 = arith.subi %sign3A_542, %sign3A_545 : i32
        %sign3A_547 = arith.constant 0 : i32
        %sign3A_548 = arith.cmpi sgt, %jit3A_538, %sign3A_547 : i32
        %sign3A_549 = arith.extui %sign3A_548 : i1 to i32
        %sign3A_550 = arith.constant 0 : i32
        %sign3A_551 = arith.cmpi slt, %jit3A_538, %sign3A_550 : i32
        %sign3A_552 = arith.extui %sign3A_551 : i1 to i32
        %sign3A_553 = arith.subi %sign3A_549, %sign3A_552 : i32
        %ne3A_554 = arith.cmpi ne, %sign3A_546, %sign3A_553 : i32
        %rem3A_555 = arith.remsi %add3A_537, %jit3A_538 : i32
        %ne3A_556 = arith.constant 0 : i32
        %ne3A_557 = arith.cmpi ne, %rem3A_555, %ne3A_556 : i32
        %and3A_558 = arith.andi %ne3A_554, %ne3A_557 : i1
        %sub3A_559 = arith.constant 1 : i32
        %sub3A_560 = arith.subi %div3A_539, %sub3A_559 : i32
        %select_n3A_561 = arith.select %and3A_558, %sub3A_560, %div3A_539 : i32
        %broadcast_in_dim3A_562 = arith.constant 0 : i32
        %broadcast_in_dim3A_563 = vector.broadcast %broadcast_in_dim3A_562 : i32 to vector<16xi32>
        %scan3A_564 = arith.constant 0 : i32
        %scan3A_565 = arith.constant 0 : i32
        %scan3A_566 = arith.constant 17 : i32
        %scan3A_567 = arith.addi %scan3A_565, %scan3A_566 : i32
        %scan3A_568 = arith.constant 1 : i32
        %scan3A_569:2 = scf.for %scan3A_571 = %scan3A_565 to %scan3A_567 step %scan3A_568 iter_args(%scan3A_572 = %broadcast_in_dim3A_563, %scan3A_573 = %scan3A_564) -> (vector<16xi32>, i32)  : i32 {
          %broadcast_in_dim3A_574 = arith.constant 0x7F800000 : f32
          %broadcast_in_dim3A_575 = vector.broadcast %broadcast_in_dim3A_574 : f32 to vector<16xf32>
          %broadcast_in_dim3A_576 = arith.constant 0 : i32
          %broadcast_in_dim3A_577 = vector.broadcast %broadcast_in_dim3A_576 : i32 to vector<16xi32>
          %while3A = arith.constant 0 : i32
          %while3A_578 = arith.subi %select_n3A_561, %while3A : i32
          %while3A_579 = arith.addi %while3A, %while3A_578 : i32
          %while3A_580 = arith.constant 1 : i32
          %while3A_581 = arith.divsi %while3A_578, %while3A_580 : i32
          %while3A_582 = arith.muli %while3A_581, %while3A_580 : i32
          %while3A_583 = arith.addi %while3A, %while3A_582 : i32
          %while3A_584 = arith.constant 1 : i32
          %while3A_585:2 = scf.for %while3A_600 = %while3A to %while3A_583 step %while3A_584 iter_args(%while3A_601 = %broadcast_in_dim3A_575, %while3A_602 = %broadcast_in_dim3A_577) -> (vector<16xf32>, vector<16xi32>)  : i32 {
            %mul3A_603 = arith.constant 16 : i32
            %mul3A_604 = arith.muli %while3A_600, %mul3A_603 : i32
            %get3A = arith.index_cast %mul3A_604 : i32 to index
            %get3A_605 = tpu.vector_load %arg35[%get3A] {strides = array<i32>} : memref<4096xf32, #tpu.memory_space<vmem>>, vector<16xf32>,
            %mul3A_606 = arith.constant 16 : i32
            %mul3A_607 = arith.muli %while3A_600, %mul3A_606 : i32
            %add3A_608 = vector.broadcast %mul3A_607 : i32 to vector<16xi32>
            %add3A_609 = arith.addi %add3A_608, %iota3A : vector<16xi32>
            %lt3A_610 = arith.cmpi slt, %add3A_609, %parallel_loop3A_476 : vector<16xi32>
            %jit3A_611 = arith.constant 0x7F800000 : f32
            %broadcast_in_dim3A_612 = vector.broadcast %jit3A_611 : f32 to vector<16xf32>
            %select_n3A_613 = arith.select %lt3A_610, %get3A_605, %broadcast_in_dim3A_612 : vector<16xi1>, vector<16xf32>
            %neg3A_614 = arith.constant 0.000000e+00 : f32
            %neg3A_615 = vector.broadcast %neg3A_614 : f32 to vector<16xf32>
            %neg3A_616 = arith.subf %neg3A_615, %select_n3A_613 : vector<16xf32>
            %broadcast_in_dim3A_617 = arith.constant true
            %broadcast_in_dim3A_618 = vector.broadcast %broadcast_in_dim3A_617 : i1 to vector<16xi1>
            %masked_cummax3A_619 = tpu.scan <max>, %neg3A_616 masked %broadcast_in_dim3A_618 : vector<16xf32>, vector<16xi1> -> vector<16xf32>
            %broadcast_in_dim3A_620 = arith.constant 15 : i32
            %broadcast_in_dim3A_621 = vector.broadcast %broadcast_in_dim3A_620 : i32 to vector<16xi32>
            %lt3A_622 = arith.constant 0 : i32
            %lt3A_623 = vector.broadcast %lt3A_622 : i32 to vector<16xi32>
            %lt3A_624 = arith.cmpi slt, %broadcast_in_dim3A_621, %lt3A_623 : vector<16xi32>
            %add3A_625 = arith.constant 16 : i32
            %add3A_626 = vector.broadcast %add3A_625 : i32 to vector<16xi32>
            %add3A_627 = arith.addi %broadcast_in_dim3A_621, %add3A_626 : vector<16xi32>
            %select_n3A_628 = arith.select %lt3A_624, %add3A_627, %broadcast_in_dim3A_621 : vector<16xi1>, vector<16xi32>
            %reshape3A_629 = vector.shape_cast %select_n3A_628 : vector<16xi32> to vector<16x1xi32>
            %gather3A_630 = vector.shape_cast %reshape3A_629 : vector<16x1xi32> to vector<16xi32>
            %gather3A_631 = tpu.dynamic_gather %masked_cummax3A_619[%gather3A_630] in [0] : vector<16xf32>, vector<16xi32> -> vector<16xf32>
            %neg3A_632 = arith.constant 0.000000e+00 : f32
            %neg3A_633 = vector.broadcast %neg3A_632 : f32 to vector<16xf32>
            %neg3A_634 = arith.subf %neg3A_633, %gather3A_631 : vector<16xf32>
            %eq3A_635 = arith.cmpf oeq, %select_n3A_613, %neg3A_634 : vector<16xf32>
            %all_reduce_ffs3A = tpu.all_reduce %eq3A_635 {dim = 0 : i64, kind = #tpu.reduction_kind<find_first_set>} : vector<16xi1> -> vector<16xi32>
            %mul3A_636 = arith.constant 16 : i32
            %mul3A_637 = arith.muli %while3A_600, %mul3A_636 : i32
            %min3A = arith.constant 15 : i32
            %min3A_638 = vector.broadcast %min3A : i32 to vector<16xi32>
            %min3A_639 = arith.minsi %all_reduce_ffs3A, %min3A_638 : vector<16xi32>
            %add3A_640 = vector.broadcast %mul3A_637 : i32 to vector<16xi32>
            %add3A_641 = arith.addi %add3A_640, %min3A_639 : vector<16xi32>
            %min3A_642 = arith.constant 15 : i32
            %min3A_643 = vector.broadcast %min3A_642 : i32 to vector<16xi32>
            %min3A_644 = arith.minsi %all_reduce_ffs3A, %min3A_643 : vector<16xi32>
            %lt3A_645 = arith.constant 0 : i32
            %lt3A_646 = vector.broadcast %lt3A_645 : i32 to vector<16xi32>
            %lt3A_647 = arith.cmpi slt, %min3A_644, %lt3A_646 : vector<16xi32>
            %add3A_648 = arith.constant 16 : i32
            %add3A_649 = vector.broadcast %add3A_648 : i32 to vector<16xi32>
            %add3A_650 = arith.addi %min3A_644, %add3A_649 : vector<16xi32>
            %select_n3A_651 = arith.select %lt3A_647, %add3A_650, %min3A_644 : vector<16xi1>, vector<16xi32>
            %reshape3A_652 = vector.shape_cast %select_n3A_651 : vector<16xi32> to vector<16x1xi32>
            %gather3A_653 = vector.shape_cast %reshape3A_652 : vector<16x1xi32> to vector<16xi32>
            %gather3A_654 = tpu.dynamic_gather %select_n3A_613[%gather3A_653] in [0] : vector<16xf32>, vector<16xi32> -> vector<16xf32>
            %lt3A_655 = arith.cmpf olt, %gather3A_654, %while3A_601 : vector<16xf32>
            %select_n3A_656 = arith.select %lt3A_655, %gather3A_654, %while3A_601 : vector<16xi1>, vector<16xf32>
            %select_n3A_657 = arith.select %lt3A_655, %add3A_641, %while3A_602 : vector<16xi1>, vector<16xi32>
            scf.yield %select_n3A_656, %select_n3A_657 : vector<16xf32>, vector<16xi32>
          }
          %while3A_586 = arith.constant 1 : i32
          %while3A_587:2 = scf.for %while3A_600 = %while3A_583 to %while3A_579 step %while3A_586 iter_args(%while3A_601 = %while3A_585#0, %while3A_602 = %while3A_585#1) -> (vector<16xf32>, vector<16xi32>)  : i32 {
            %mul3A_603 = arith.constant 16 : i32
            %mul3A_604 = arith.muli %while3A_600, %mul3A_603 : i32
            %get3A = arith.index_cast %mul3A_604 : i32 to index
            %get3A_605 = tpu.vector_load %arg35[%get3A] {strides = array<i32>} : memref<4096xf32, #tpu.memory_space<vmem>>, vector<16xf32>,
            %mul3A_606 = arith.constant 16 : i32
            %mul3A_607 = arith.muli %while3A_600, %mul3A_606 : i32
            %add3A_608 = vector.broadcast %mul3A_607 : i32 to vector<16xi32>
            %add3A_609 = arith.addi %add3A_608, %iota3A : vector<16xi32>
            %lt3A_610 = arith.cmpi slt, %add3A_609, %parallel_loop3A_476 : vector<16xi32>
            %jit3A_611 = arith.constant 0x7F800000 : f32
            %broadcast_in_dim3A_612 = vector.broadcast %jit3A_611 : f32 to vector<16xf32>
            %select_n3A_613 = arith.select %lt3A_610, %get3A_605, %broadcast_in_dim3A_612 : vector<16xi1>, vector<16xf32>
            %neg3A_614 = arith.constant 0.000000e+00 : f32
            %neg3A_615 = vector.broadcast %neg3A_614 : f32 to vector<16xf32>
            %neg3A_616 = arith.subf %neg3A_615, %select_n3A_613 : vector<16xf32>
            %broadcast_in_dim3A_617 = arith.constant true
            %broadcast_in_dim3A_618 = vector.broadcast %broadcast_in_dim3A_617 : i1 to vector<16xi1>
            %masked_cummax3A_619 = tpu.scan <max>, %neg3A_616 masked %broadcast_in_dim3A_618 : vector<16xf32>, vector<16xi1> -> vector<16xf32>
            %broadcast_in_dim3A_620 = arith.constant 15 : i32
            %broadcast_in_dim3A_621 = vector.broadcast %broadcast_in_dim3A_620 : i32 to vector<16xi32>
            %lt3A_622 = arith.constant 0 : i32
            %lt3A_623 = vector.broadcast %lt3A_622 : i32 to vector<16xi32>
            %lt3A_624 = arith.cmpi slt, %broadcast_in_dim3A_621, %lt3A_623 : vector<16xi32>
            %add3A_625 = arith.constant 16 : i32
            %add3A_626 = vector.broadcast %add3A_625 : i32 to vector<16xi32>
            %add3A_627 = arith.addi %broadcast_in_dim3A_621, %add3A_626 : vector<16xi32>
            %select_n3A_628 = arith.select %lt3A_624, %add3A_627, %broadcast_in_dim3A_621 : vector<16xi1>, vector<16xi32>
            %reshape3A_629 = vector.shape_cast %select_n3A_628 : vector<16xi32> to vector<16x1xi32>
            %gather3A_630 = vector.shape_cast %reshape3A_629 : vector<16x1xi32> to vector<16xi32>
            %gather3A_631 = tpu.dynamic_gather %masked_cummax3A_619[%gather3A_630] in [0] : vector<16xf32>, vector<16xi32> -> vector<16xf32>
            %neg3A_632 = arith.constant 0.000000e+00 : f32
            %neg3A_633 = vector.broadcast %neg3A_632 : f32 to vector<16xf32>
            %neg3A_634 = arith.subf %neg3A_633, %gather3A_631 : vector<16xf32>
            %eq3A_635 = arith.cmpf oeq, %select_n3A_613, %neg3A_634 : vector<16xf32>
            %all_reduce_ffs3A = tpu.all_reduce %eq3A_635 {dim = 0 : i64, kind = #tpu.reduction_kind<find_first_set>} : vector<16xi1> -> vector<16xi32>
            %mul3A_636 = arith.constant 16 : i32
            %mul3A_637 = arith.muli %while3A_600, %mul3A_636 : i32
            %min3A = arith.constant 15 : i32
            %min3A_638 = vector.broadcast %min3A : i32 to vector<16xi32>
            %min3A_639 = arith.minsi %all_reduce_ffs3A, %min3A_638 : vector<16xi32>
            %add3A_640 = vector.broadcast %mul3A_637 : i32 to vector<16xi32>
            %add3A_641 = arith.addi %add3A_640, %min3A_639 : vector<16xi32>
            %min3A_642 = arith.constant 15 : i32
            %min3A_643 = vector.broadcast %min3A_642 : i32 to vector<16xi32>
            %min3A_644 = arith.minsi %all_reduce_ffs3A, %min3A_643 : vector<16xi32>
            %lt3A_645 = arith.constant 0 : i32
            %lt3A_646 = vector.broadcast %lt3A_645 : i32 to vector<16xi32>
            %lt3A_647 = arith.cmpi slt, %min3A_644, %lt3A_646 : vector<16xi32>
            %add3A_648 = arith.constant 16 : i32
            %add3A_649 = vector.broadcast %add3A_648 : i32 to vector<16xi32>
            %add3A_650 = arith.addi %min3A_644, %add3A_649 : vector<16xi32>
            %select_n3A_651 = arith.select %lt3A_647, %add3A_650, %min3A_644 : vector<16xi1>, vector<16xi32>
            %reshape3A_652 = vector.shape_cast %select_n3A_651 : vector<16xi32> to vector<16x1xi32>
            %gather3A_653 = vector.shape_cast %reshape3A_652 : vector<16x1xi32> to vector<16xi32>
            %gather3A_654 = tpu.dynamic_gather %select_n3A_613[%gather3A_653] in [0] : vector<16xf32>, vector<16xi32> -> vector<16xf32>
            %lt3A_655 = arith.cmpf olt, %gather3A_654, %while3A_601 : vector<16xf32>
            %select_n3A_656 = arith.select %lt3A_655, %gather3A_654, %while3A_601 : vector<16xi1>, vector<16xf32>
            %select_n3A_657 = arith.select %lt3A_655, %add3A_641, %while3A_602 : vector<16xi1>, vector<16xi32>
            scf.yield %select_n3A_656, %select_n3A_657 : vector<16xf32>, vector<16xi32>
          }
          %gather3A_588 = tpu.vector_load_idx %arg36[%while3A_587#1] : memref<4096xi32, #tpu.memory_space<vmem>>[vector<16xi32>], vector<16xi32>,
          %broadcast_in_dim3A_589 = arith.constant 0x7F800000 : f32
          %broadcast_in_dim3A_590 = vector.broadcast %broadcast_in_dim3A_589 : f32 to vector<16xf32>
          %eq3A_591 = arith.constant 0 : i32
          %eq3A_592 = vector.broadcast %eq3A_591 : i32 to vector<16xi32>
          %eq3A_593 = arith.cmpi eq, %iota3A, %eq3A_592 : vector<16xi32>
          tpu.vector_store_idx %arg35[%while3A_587#1], %broadcast_in_dim3A_590 masked %eq3A_593 : memref<4096xf32, #tpu.memory_space<vmem>>[vector<16xi32>], vector<16xf32>, vector<16xi1>
          %sub3A_594 = arith.constant 1 : i32
          %sub3A_595 = arith.subi %scan3A_571, %sub3A_594 : i32
          %eq3A_596 = vector.broadcast %sub3A_595 : i32 to vector<16xi32>
          %eq3A_597 = arith.cmpi eq, %iota3A, %eq3A_596 : vector<16xi32>
          %select_n3A_598 = arith.select %eq3A_597, %gather3A_588, %scan3A_572 : vector<16xi1>, vector<16xi32>
          %scan3A_599 = arith.constant 0 : i32
          scf.yield %select_n3A_598, %scan3A_599 : vector<16xi32>, i32
        }
        %scan3A_570 = arith.constant 17 : i32
        scf.yield %scan3A_534#0, %scan3A_569#0 : vector<16xi32>, vector<16xi32>
      }
      %mul3A_486 = arith.constant 2 : i32
      %mul3A_487 = arith.muli %scan3A_104, %mul3A_486 : i32
      %mul3A_488 = arith.constant 16 : i32
      %mul3A_489 = arith.muli %mul3A_487, %mul3A_488 : i32
      %swap3A_490 = arith.index_cast %mul3A_489 : i32 to index
      %swap3A_491 = tpu.vector_load %arg37[%swap3A_490] {strides = array<i32>} : memref<8192xi32, #tpu.memory_space<vmem>>, vector<16xi32>,
      tpu.vector_store %arg37[%swap3A_490], %cond3A_485#0 {strides = array<i32>} : memref<8192xi32, #tpu.memory_space<vmem>>, vector<16xi32>,
      %mul3A_492 = arith.constant 2 : i32
      %mul3A_493 = arith.muli %scan3A_104, %mul3A_492 : i32
      %add3A_494 = arith.constant 1 : i32
      %add3A_495 = arith.addi %mul3A_493, %add3A_494 : i32
      %mul3A_496 = arith.constant 16 : i32
      %mul3A_497 = arith.muli %add3A_495, %mul3A_496 : i32
      %swap3A_498 = arith.index_cast %mul3A_497 : i32 to index
      %swap3A_499 = tpu.vector_load %arg37[%swap3A_498] {strides = array<i32>} : memref<8192xi32, #tpu.memory_space<vmem>>, vector<16xi32>,
      tpu.vector_store %arg37[%swap3A_498], %cond3A_485#1 {strides = array<i32>} : memref<8192xi32, #tpu.memory_space<vmem>>, vector<16xi32>,
      %scan3A_500 = arith.constant 0 : i32
      scf.yield %scan3A_500 : i32
    }
    %scan3A_101 = arith.constant 256 : i32
    %mul3A_102 = arith.constant 16 : i32
    %mul3A_103 = arith.muli %mul3A_32, %mul3A_102 : i32
    "tpu.region"() ({
      %run_scoped3A = tpu.sem_alloc : memref<!tpu.dma_semaphore, #tpu.memory_space<semaphore_mem>>
      %dma_start3A = tpu.memref_slice %arg14[%select_n3A, %mul3A_103] : memref<4x65536xi32, #tpu.memory_space<hbm>> -> memref<1x8192xi32, #tpu.memory_space<hbm>>
      %dma_start3A_104 = tpu.memref_squeeze %dma_start3A : memref<1x8192xi32, #tpu.memory_space<hbm>> -> memref<8192xi32, #tpu.memory_space<hbm>>
      %dma_start3A_105 = tpu.memref_slice %arg14[%select_n3A, %mul3A_103] : memref<4x65536xi32, #tpu.memory_space<hbm>> -> memref<1x8192xi32, #tpu.memory_space<hbm>>
      %dma_start3A_106 = tpu.memref_squeeze %dma_start3A_105 : memref<1x8192xi32, #tpu.memory_space<hbm>> -> memref<8192xi32, #tpu.memory_space<hbm>>
      tpu.enqueue_dma source(%arg37 : memref<8192xi32, #tpu.memory_space<vmem>>) target(%dma_start3A_106 : memref<8192xi32, #tpu.memory_space<hbm>>) target_semaphore(%run_scoped3A : memref<!tpu.dma_semaphore, #tpu.memory_space<semaphore_mem>>)
      %dma_wait3A = tpu.memref_slice %arg14[%select_n3A, %mul3A_103] : memref<4x65536xi32, #tpu.memory_space<hbm>> -> memref<1x8192xi32, #tpu.memory_space<hbm>>
      %dma_wait3A_107 = tpu.memref_squeeze %dma_wait3A : memref<1x8192xi32, #tpu.memory_space<hbm>> -> memref<8192xi32, #tpu.memory_space<hbm>>
      %dma_wait3A_108 = tpu.memref_slice %arg14[%select_n3A, %mul3A_103] : memref<4x65536xi32, #tpu.memory_space<hbm>> -> memref<1x8192xi32, #tpu.memory_space<hbm>>
      %dma_wait3A_109 = tpu.memref_squeeze %dma_wait3A_108 : memref<1x8192xi32, #tpu.memory_space<hbm>> -> memref<8192xi32, #tpu.memory_space<hbm>>
      tpu.wait_dma2 semaphore(%run_scoped3A : memref<!tpu.dma_semaphore, #tpu.memory_space<semaphore_mem>>) src(%arg37 : memref<8192xi32, #tpu.memory_space<vmem>>) dst(%dma_wait3A_109 : memref<8192xi32, #tpu.memory_space<hbm>>)
      tpu.yield
    }) : () -> ()
    return
  }
}

</mosaic_0001>

<sc_bundles>
// kernel: _run.3.cloned.1.call-start
scs
__scs_entry_jumppad:
0x0: {  	(pc) =	sbr.rel $0x88, $3  }
0x1: {  	(tag) =	ssettag $0x0;
	lr =	simm.s32 $0x1  }
0x2: {  	[smem:$0x3F9F] =	sst lr;
	_ =	strace $0xD0000000  }
0x3: {  	_ = 	snop  }
0x4: {  	_ = 	snop  }
0x5: {  	_ = 	snop  }
0x6: {  	_ = 	snop  }
0x7: {  	_ = 	snop  }
__scs_overlays_trampoline_lowered:
0x8: {  	[smem:$0x3FAE] =	sst s0  }
0x9: {  	[smem:$0x3FAF] =	sst s1  }
0xa: {  	[smem:$0x3FB0] =	sst s2  }
0xb: {  	[smem:$0x3FB1] =	sst s3  }
0xc: {  	[smem:$0x3FB2] =	sst s4  }
0xd: {  	[smem:$0x3FB3] =	sst s5  }
0xe: {  	[smem:$0x3FB4] =	sst s6  }
0xf: {  	[smem:$0x3FB5] =	sst s7  }
0x10: {  	[smem:$0x3FB6] =	sst s8  }
0x11: {  	[smem:$0x3FB7] =	sst s9;
	s0 =	simm.s32 @!p0 $0x0  }
0x12: {  	s1 =	sld [smem:$0x3F9D];
	s0 =	simm.s32 @p0 $0x1  }
0x13: {  	[smem:$0x3FB8] =	sst s0;
	s0 =	simm.s32 @!p1 $0x0  }
0x14: {  	s2 =	sld [smem:$0x3F9C];
	s0 =	simm.s32 @p1 $0x1  }
0x15: {  	[smem:$0x3FB9] =	sst s0;
	s0 =	simm.s32 @!p2 $0x0  }
0x16: {  	s3 =	sld [smem:$0x3FDB];
	s0 =	simm.s32 @p2 $0x1  }
0x17: {  	s4 =	simm.s32 $0x1BF5;
	[smem:$0x3FBB] =	sst s0  }
0x18: {  	s0 =	sld [smem:$0x3F9E];
	_ =	swait.ge [sflag:s4], $0x0  }
0x19: {  	s7 =	sld [smem:$0x3F9F]  }
0x1a: {  	s8 =	sadd.s32 $0xFFFFE003, lr  }
0x1b: {  	s9 =	sadd.s32 $0xFFFFFEF7, lr;
	s5 =	simm.s32 $0xFFFFFFFF;
	p2 =	slt.u32 s8, $0xFFFFF086  }
0x1c: {  	p1 =	slt.u32 s9, $0xF7A;
	s5 =	simm.s32 @!p2 $0x0  }
0x1d: {  	s5 =	simm.s32 @p1 $0x1;
	p0 =	seq.s32 s7, s2  }
0x1e: {  	s7 =	smul.u32 @!p0 $0xF7A, s2;
	p2 =	seq.s32 @!p0 s5, $0x0  }
0x1f: {  	s9 =	smul.u32 $0xF7A, s1;
	s8 =	simm.s32 @!p0 $0x1BF5;
	p2 =	por !p2, p0  }
0x20: {  	[sflag:s8] =	ssyncset.s32 @!p0 $0xFFFFF086;
	s6 =	sadd.s32 @!p0 s3, s7;
	s7 =	simm.s32 @!p0 $0x108  }
0x21: {  	s3 =	sadd.s32 s3, s9;
	s6 =	sadd.s32 @!p0 $0x88, s6;
	s7 =	simm.s32 @p2 $0x1082  }
0x22: {  	[simem:s7], [sflag:s8] =	dma.local @!p0 [hbm:s6], $0xF7A  }
0x23: {  	s9 =	sor.u32 $0xD0000000, s2;
	s6 =	simm.s32 $0x108;
	_ =	swait.ge @!p0 [sflag:s8], $0x0  }
0x24: {  	s3 =	sadd.s32 $0x88, s3;
	s6 =	simm.s32 @!p1 $0x1082;
	[sflag:s4] =	ssyncset.s32 $0xFFFFF086  }
0x25: {  	[simem:s6], [sflag:s4] =	dma.local [hbm:s3], $0xF7A  }
0x26: {  	[smem:$0x3F9F] =	sst s1;
	(tag) =	ssettag s2;
	_ =	strace s9  }
0x27: {  	s1 =	sld [smem:$0x3FAF]  }
0x28: {  	s2 =	sld [smem:$0x3FB0]  }
0x29: {  	s4 =	sld [smem:$0x3FB2]  }
0x2a: {  	p0 =	seq.s32 s5, $0x0;
	s5 =	sld [smem:$0x3FB3]  }
0x2b: {  	s6 =	sld [smem:$0x3FB4]  }
0x2c: {  	s7 =	sld [smem:$0x3FB5]  }
0x2d: {  	s3 =	simm.s32 $0x108;
	s8 =	sld [smem:$0x3FB6]  }
0x2e: {  	s3 =	simm.s32 @!p0 $0x1082;
	s9 =	sld [smem:$0x3FB7]  }
0x2f: {  	lr =	sadd.s32 s0, s3;
	s0 =	sld [smem:$0x3FAE]  }
0x30: {  	s3 =	sld [smem:$0x3FB1]  }
0x31: {  	[smem:$0x3FBA] =	sst s10  }
0x32: {  	s10 =	sld [smem:$0x3FB8];
	_ =	sdelay $0x3  }
0x33: {  	p0 =	seq.s32 s10, $0x1;
	s10 =	sld [smem:$0x3FBA];
	_ =	sdelay $0x3  }
0x34: {  	[smem:$0x3FBA] =	sst s10  }
0x35: {  	s10 =	sld [smem:$0x3FB9];
	_ =	sdelay $0x3  }
0x36: {  	p1 =	seq.s32 s10, $0x1;
	s10 =	sld [smem:$0x3FBA];
	_ =	sdelay $0x3  }
0x37: {  	[smem:$0x3FBA] =	sst s10  }
0x38: {  	s10 =	sld [smem:$0x3FBB]  }
0x39: {  	_ = 	snop;
	(pc) =	sbr.ind lr, $3  }
0x3a: {  	_ = 	snop  }
0x3b: {  	_ = 	snop  }
0x3c: {  	p2 =	seq.s32 s10, $0x1;
	s10 =	sld [smem:$0x3FBA]  }
0x3d: {  	_ =	shalt  }
0x3e: {  	_ =	shalt  }
0x3f: {  	_ =	shalt  }
0x40: {  	_ =	shalt  }
0x41: {  	_ =	shalt  }
0x42: {  	_ =	shalt  }
0x43: {  	_ =	shalt  }
0x44: {  	_ =	shalt  }
0x45: {  	_ =	shalt  }
0x46: {  	_ =	shalt  }
0x47: {  	_ =	shalt  }
0x48: {  	_ =	shalt  }
0x49: {  	_ =	shalt  }
0x4a: {  	_ =	shalt  }
0x4b: {  	_ =	shalt  }
0x4c: {  	_ =	shalt  }
0x4d: {  	_ =	shalt  }
0x4e: {  	_ =	shalt  }
0x4f: {  	_ =	shalt  }
0x50: {  	_ =	shalt  }
0x51: {  	_ =	shalt  }
0x52: {  	_ =	shalt  }
0x53: {  	_ =	shalt  }
0x54: {  	_ =	shalt  }
0x55: {  	_ =	shalt  }
0x56: {  	_ =	shalt  }
0x57: {  	_ =	shalt  }
0x58: {  	_ =	shalt  }
0x59: {  	_ =	shalt  }
0x5a: {  	_ =	shalt  }
0x5b: {  	_ =	shalt  }
0x5c: {  	_ =	shalt  }
0x5d: {  	_ =	shalt  }
0x5e: {  	_ =	shalt  }
0x5f: {  	_ =	shalt  }
0x60: {  	_ =	shalt  }
0x61: {  	_ =	shalt  }
0x62: {  	_ =	shalt  }
0x63: {  	_ =	shalt  }
0x64: {  	_ =	shalt  }
0x65: {  	_ =	shalt  }
0x66: {  	_ =	shalt  }
0x67: {  	_ =	shalt  }
0x68: {  	_ =	shalt  }
0x69: {  	_ =	shalt  }
0x6a: {  	_ =	shalt  }
0x6b: {  	_ =	shalt  }
0x6c: {  	_ =	shalt  }
0x6d: {  	_ =	shalt  }
0x6e: {  	_ =	shalt  }
0x6f: {  	_ =	shalt  }
0x70: {  	_ =	shalt  }
0x71: {  	_ =	shalt  }
0x72: {  	_ =	shalt  }
0x73: {  	_ =	shalt  }
0x74: {  	_ =	shalt  }
0x75: {  	_ =	shalt  }
0x76: {  	_ =	shalt  }
0x77: {  	_ =	shalt  }
0x78: {  	_ =	shalt  }
0x79: {  	_ =	shalt  }
0x7a: {  	_ =	shalt  }
0x7b: {  	_ =	shalt  }
0x7c: {  	_ =	shalt  }
0x7d: {  	_ =	shalt  }
0x7e: {  	_ =	shalt  }
0x7f: {  	_ =	shalt  }
0x80: {  	_ =	shalt  }
0x81: {  	_ =	shalt  }
0x82: {  	_ =	shalt  }
0x83: {  	_ =	shalt  }
0x84: {  	_ =	shalt  }
0x85: {  	_ =	shalt  }
0x86: {  	_ =	shalt  }
0x87: {  	_ =	shalt  }
.Lfunc_end0:
.L_simem_size_0:
called_computation_lowered:
.L_overlay_start_0:
0x88: {  	s2 =	sld [smem:$0x3FD9]  }
0x89: {  	s3 =	sld [smem:$0x3FFE];
	_ =	sdelay $0x1  }
0x8a: {  	s1 =	srdreg.scid  }
0x8b: {  	s0 =	sand.u32 $0x1, s1  }
0x8c: {  	s17 =	sshll.u32 s0, $0xA;
	s2 =	sadd.s32 s3, s2  }
0x8d: {  	s2 =	sadd.s32 s2, s17  }
0x8e: {  	[smem:$0x3FC6] =	sst s2  }
0x8f: {  	_ = 	snop  }
0x90: {  	s2 =	sld [smem:$0x3FD0];
	(tm) =	ssettm $0x1  }
0x91: {  	s18 =	sld [smem:$0x3FFB];
	_ =	sdelay $0x3  }
0x92: {  	_ =	strace s18  }
0x93: {  	s3 =	sld [smem:$0x3FFC];
	_ =	sdelay $0x3  }
0x94: {  	_ =	strace s3  }
0x95: {  	s3 =	sld [smem:$0x3FFD];
	_ =	sdelay $0x3  }
0x96: {  	_ =	strace s3  }
0x97: {  	_ =	strace $0x8FFFFFFF  }
0x98: {  	s19 =	sld [smem:$0x3FDB];
	_ =	sdelay $0x1  }
0x99: {  	s4 =	simm.s32 $_scs_section_size  }
0x9a: {  	s5 =	simm.s32 $_size__tile_overlayer_lowered;
	s6 =	simm.s32 $_tile_overlayer_lowered  }
0x9b: {  	s22 =	simm.s32 $0x1BFF;
	s21 =	sshll.u32 s6, $0x1;
	s3 =	sadd.s32 s4, s19  }
0x9c: {  	s7 =	simm.s32 $0x0;
	s20 =	sshll.u32 s5, $0x1;
	s5 =	sadd.s32 s21, s3  }
0x9d: {  	[timem:s7], [sflag:s22] =	dma.local [hbm:s5], s20  }
0x9e: {  	_ =	swait.ge [sflag:s22], s20  }
0x9f: {  	s4 =	ssub.s32 $0x0, s20;
	[sflag:s22] =	ssyncset.done $0x0  }
0xa0: {  	[sflag:s22] =	ssyncadd.s32 s4;
	_ =	sdelay $0x1  }
0xa1: {  	s23 =	simm.s32 $0x1B8B  }
0xa2: {  	_ =	swait.ge [sflag:s23], $0x1  }
0xa3: {  	[sflag:s23] =	ssyncset.done $0x0  }
0xa4: {  	s25 =	simm.s32 $0x1B8E;
	s24 =	sld [smem:$0x3FFE];
	[sflag:s23] =	ssyncadd.s32 $0xFFFFFFFF  }
0xa5: {  	s26 =	simm.s32 $execute0_lowered;
	[smem:$0x3FD2] =	sst s25  }
0xa6: {  	s5 =	sshll.u32 s26, $0x1;
	_ =	strace $0x80000046;
	[dreg:$0x1] =	wrdreg $0xFFFFFFFF  }
0xa7: {  	s28 =	simm.s32 $_size_execute0_lowered;
	s3 =	sadd.s32 s3, s5;
	[dreg:$0x0] =	wrdreg $0x0  }
0xa8: {  	s5 =	sshll.u32 s28, $0x1;
	[dreg:$0x2] =	wrdreg s3  }
0xa9: {  	[dreg:$0x3] =	wrdreg s5  }
0xaa: {  	[dreg:$0x4] =	wrdreg $0xC0  }
0xab: {  	_ =	task [dreg:s7], $0x5FFFF  }
0xac: {  	[dreg:$0x1] =	wrdreg $0xFFFFFFFF  }
0xad: {  	[dreg:$0x0] =	wrdreg $0x60  }
0xae: {  	[dreg:$0x2] =	wrdreg s24  }
0xaf: {  	[dreg:$0x3] =	wrdreg s2  }
0xb0: {  	[dreg:$0x4] =	wrdreg $0x9  }
0xb1: {  	_ =	task.clear_ibuf [dreg:s7], $0x5FFFF;
	_ =	strace $0x90000046  }
0xb2: {  	s29 =	simm.s32 $0x9;
	_ =	strace $0x80000048  }
0xb3: {  	_ =	swait.ge [sflag:s29], $0x1  }
0xb4: {  	[sflag:s29] =	ssyncadd.s32 $0xFFFFFFFF  }
0xb5: {  	_ =	strace $0x90000048  }
0xb6: {  	_ =	sfence  }
0xb7: {  	s30 =	sld [smem:$0x0];
	_ =	sdelay $0x2  }
0xb8: {  	s31 =	sshll.u32 s1, $0xD;
	s1 =	sshrl.u32 s1, $0x2  }
0xb9: {  	s3 =	sand.u32 $0x4000, s31;
	s1 =	sadd.s32 s1, s30  }
0xba: {  	s0 =	sor.u32 s3, s0;
	s1 =	sshll.u32 s1, $0x11  }
0xbb: {  	s0 =	sor.u32 s1, s0  }
0xbc: {  	s0 =	sadd.s32 $0x8F2B, s0  }
0xbd: {  	[sflag:s0] =	ssyncadd.remote.s32 $0x1  }
0xbe: {  	_ =	sfence.sel $0xFFFF  }
0xbf: {  	[dreg:$0x0] =	wrdreg $0xFFFFFFFF;
	(pc) =	sbr.abs _section_cstart, $3  }
0xc0: {  	[dreg:$0x1] =	wrdreg $0xFFFFFFFF  }
0xc1: {  	_ =	task.clear_ibuf [dreg:s7], $0x2FFFF;
	_ =	strace $0x9FFFFFFF  }
0xc2: {  	(tm) =	ssettm $0x7FFFFFFF  }
0xc3: {  	_ =	shalt  }
tec
execute0_lowered:
.L_overlay_start_1:
0x0: {  	(tag) =	ssettag $0x1  }
0x1: {  	s0 =	rddreg [dreg:$0x0];
	s4 =	stileid.u32  }
0x2: {  	s1 =	rddreg [dreg:$0x1];
	s2 =	srdreg.scid  }
0x3: {  	s5 =	simm.s32 $0x0;
	s29 =	simm.s32 $0x7000;
	s30 =	simm.s32 $0x7200  }
0x4: {  	s31 =	simm.s32 $0x7400;
	s3 =	sshll.u32 s4, $0x1;
	s4 =	sshll.u32 s4, $0x5  }
0x5: {  	s28 =	simm.s32 $0x0;
	s2 =	sand.u32 $0x1, s2;
	s4 =	sand.u32 $0x180, s4  }
0x6: {  	[smem:$0x7FF] =	sst s5;
	s3 =	sand.u32 $0x6, s3;
	s6 =	sshrl.u32 s4, $0x3  }
0x7: {  	_ =	strace $0x80000047;
	s3 =	sor.u32 s2, s3;
	s6 =	sadd.s32 s6, s0  }
0x8: {  	s2 =	ssub.s32 $0x2, s2;
	s14 =	sshll.u32 s3, $0xB;
	s15 =	sadd.s32 $0x2000, s6  }
0x9: {  	s7 =	sshrl.u32 s2, $0x1;
	s16 =	sadd.s32 $0x2800, s6;
	[dreg:$0x3] =	wrdreg s15  }
0xa: {  	s3 =	sshll.u32 s3, $0xF;
	s17 =	sadd.s32 $0x3000, s6;
	[dreg:$0x4] =	wrdreg s16  }
0xb: {  	s5 =	sor.u32 s4, s14;
	s18 =	sadd.s32 $0x5000, s6;
	[dreg:$0x5] =	wrdreg s17  }
0xc: {  	s2 =	ssub.s32 s2, s7;
	s19 =	sadd.s32 $0x5800, s6;
	[dreg:$0x6] =	wrdreg s18  }
0xd: {  	s20 =	sadd.s32 $0x6000, s6;
	s3 =	sor.u32 s4, s3;
	[dreg:$0x7] =	wrdreg s19  }
0xe: {  	s5 =	sshrl.u32 s5, $0x3;
	[dreg:$0x8] =	wrdreg s20;
	s26 =	sshrl.u32 s3, $0x3  }
0xf: {  	s16 =	smax.u32 s2, $0x1;
	s17 =	simm.s32 $0x80;
	s18 =	simm.s32 $0x200  }
0x10: {  	s20 =	simm.s32 $0x1;
	s19 =	simm.s32 $0x8E00;
	s0 =	sadd.s32 s5, s0  }
0x11: {  	s15 =	sadd.s32 s1, s26;
	s1 =	simm.s32 $0x7600;
	s21 =	sadd.s32 $0x1800, s0  }
0x12: {  	s26 =	simm.s32 $0xEE00;
	s22 =	sadd.s32 $0x1000, s0;
	[dreg:$0x9] =	wrdreg s21  }
.Ltmp0:
0x13: {  	s23 =	sadd.s32 $0x800, s0;
	[dreg:$0xa] =	wrdreg s22;
	(pc) =	sbr.rel .LBB2_1-.Ltmp0, $4  }
0x14: {  	v0 =	vlaneseq.u32;
	s24 =	sadd.s32 $0x4800, s0;
	s25 =	sadd.s32 $0x4000, s0;
	[dreg:$0xb] =	wrdreg s23  }
0x15: {  	v5 =	vimm.s32 $0xF;
	v4 =	vmul.u32 $0xFFFFFFFF, v0;
	s14 =	sadd.s32 $0x3800, s0;
	s0 =	simm.s32 $0x7E00;
	[dreg:$0xc] =	wrdreg s24  }
0x16: {  	v6 =	vimm.s32 $0x0;
	v7 =	vimm.f32 $+Inf;
	v1 =	vor.u32 $0x10, v0;
	[dreg:$0xd] =	wrdreg s25;
	s21 =	simm.s32 $0x9E00;
	s22 =	simm.s32 $0xAE00  }
0x17: {  	v2 =	vor.u32 $0x20, v0;
	v3 =	vor.u32 $0x30, v0;
	v4 =	vadd.s32 $0xF, v4;
	s23 =	simm.s32 $0xBE00;
	s24 =	simm.s32 $0xCE00;
	s25 =	simm.s32 $0xDE00  }
.LBB2_65:
0x18: {  	s28 =	sadd.s32 $0x1, s28  }
0x19: {  	p0 =	sne.s32 s28, s16  }
.Ltmp1:
0x1a: {  	s2 =	simm.s32 $0xFE00;
	(pc) =	sbr.rel @!p0 .LBB2_66-.Ltmp1, $4  }
0x1b: {  	[hbm4b:s15+s17] =	stream.strided.scatter [tilespmem:s2], [sflag:$0x1], $0x2000, s18, s17, $0x38;
	[tilespmem:$0x11E00] =	vst v63  }
0x1c: {  	_ =	swait.ge [sflag:s20], $0x2000  }
0x1d: {  	[sflag:s20] =	ssyncset.done $0x0  }
0x1e: {  	[sflag:s20] =	ssyncadd.s32 $0xFFFFE000  }
.LBB2_1:
0x1f: {  	s2 =	rddreg [dreg:$0x3];
	s3 =	simm.s32 $0x4000  }
0x20: {  	[tilespmem:s3], [sflag:$0x1] =	stream.strided.gather [hbm4b:s2+s17], $0x1000, s18, s17, $0x38;
	[tilespmem:$0x11E00] =	vst v63  }
0x21: {  	_ =	swait.ge [sflag:s20], $0x1000  }
0x22: {  	[sflag:s20] =	ssyncset.done $0x0  }
0x23: {  	s5 =	simm.s32 $0x5000;
	s4 =	rddreg [dreg:$0x4];
	[sflag:s20] =	ssyncadd.s32 $0xFFFFF000  }
0x24: {  	[tilespmem:s5], [sflag:$0x1] =	stream.strided.gather [hbm4b:s4+s17], $0x1000, s18, s17, $0x38;
	[tilespmem:$0x11E00] =	vst v63  }
0x25: {  	_ =	swait.ge [sflag:s20], $0x1000  }
0x26: {  	[sflag:s20] =	ssyncset.done $0x0  }
0x27: {  	s7 =	simm.s32 $0x6000;
	s6 =	rddreg [dreg:$0x5];
	[sflag:s20] =	ssyncadd.s32 $0xFFFFF000  }
0x28: {  	[tilespmem:s7], [sflag:$0x1] =	stream.strided.gather [hbm4b:s6+s17], $0x1000, s18, s17, $0x38;
	[tilespmem:$0x11E00] =	vst v63  }
0x29: {  	_ =	swait.ge [sflag:s20], $0x1000  }
0x2a: {  	[sflag:s20] =	ssyncset.done $0x0  }
0x2b: {  	s8 =	simm.s32 $0x0;
	s9 =	rddreg [dreg:$0x6];
	[sflag:s20] =	ssyncadd.s32 $0xFFFFF000  }
0x2c: {  	[tilespmem:s8], [sflag:$0x1] =	stream.strided.gather [hbm4b:s9+s17], $0x1000, s18, s17, $0x38;
	[tilespmem:$0x11E00] =	vst v63  }
0x2d: {  	_ =	swait.ge [sflag:s20], $0x1000  }
0x2e: {  	[sflag:s20] =	ssyncset.done $0x0  }
0x2f: {  	s11 =	simm.s32 $0x1000;
	s10 =	rddreg [dreg:$0x7];
	[sflag:s20] =	ssyncadd.s32 $0xFFFFF000  }
0x30: {  	[tilespmem:s11], [sflag:$0x1] =	stream.strided.gather [hbm4b:s10+s17], $0x1000, s18, s17, $0x38;
	[tilespmem:$0x11E00] =	vst v63  }
0x31: {  	_ =	swait.ge [sflag:s20], $0x1000  }
0x32: {  	[sflag:s20] =	ssyncset.done $0x0  }
0x33: {  	s13 =	simm.s32 $0x2000;
	s12 =	rddreg [dreg:$0x8];
	[sflag:s20] =	ssyncadd.s32 $0xFFFFF000  }
0x34: {  	[tilespmem:s13], [sflag:$0x1] =	stream.strided.gather [hbm4b:s12+s17], $0x1000, s18, s17, $0x38;
	[tilespmem:$0x11E00] =	vst v63  }
0x35: {  	_ =	swait.ge [sflag:s20], $0x1000  }
0x36: {  	[sflag:s20] =	ssyncset.done $0x0  }
0x37: {  	s5 =	simm.s32 $0x7800;
	s4 =	rddreg [dreg:$0x9];
	[sflag:s20] =	ssyncadd.s32 $0xFFFFF000  }
0x38: {  	[tilespmem:s5], [sflag:$0x1] =	stream.strided.gather [hbm4b:s4+s17], $0x200, s18, s17, $0x38;
	[tilespmem:$0x11E00] =	vst v63  }
0x39: {  	_ =	swait.ge [sflag:s20], $0x200  }
0x3a: {  	[sflag:s20] =	ssyncset.done $0x0  }
0x3b: {  	s7 =	simm.s32 $0x7A00;
	s6 =	rddreg [dreg:$0xa];
	[sflag:s20] =	ssyncadd.s32 $0xFFFFFE00  }
0x3c: {  	[tilespmem:s7], [sflag:$0x1] =	stream.strided.gather [hbm4b:s6+s17], $0x200, s18, s17, $0x38;
	[tilespmem:$0x11E00] =	vst v63  }
0x3d: {  	_ =	swait.ge [sflag:s20], $0x200  }
0x3e: {  	[sflag:s20] =	ssyncset.done $0x0  }
0x3f: {  	s9 =	simm.s32 $0x7C00;
	s8 =	rddreg [dreg:$0xb];
	[sflag:s20] =	ssyncadd.s32 $0xFFFFFE00  }
0x40: {  	[tilespmem:s9], [sflag:$0x1] =	stream.strided.gather [hbm4b:s8+s17], $0x200, s18, s17, $0x38;
	[tilespmem:$0x11E00] =	vst v63  }
0x41: {  	_ =	swait.ge [sflag:s20], $0x200  }
0x42: {  	[sflag:s20] =	ssyncset.done $0x0  }
0x43: {  	s10 =	rddreg [dreg:$0xc];
	[sflag:s20] =	ssyncadd.s32 $0xFFFFFE00  }
0x44: {  	[tilespmem:s29], [sflag:$0x1] =	stream.strided.gather [hbm4b:s10+s17], $0x200, s18, s17, $0x38;
	[tilespmem:$0x11E00] =	vst v63  }
0x45: {  	_ =	swait.ge [sflag:s20], $0x200  }
0x46: {  	[sflag:s20] =	ssyncset.done $0x0  }
0x47: {  	s11 =	rddreg [dreg:$0xd];
	[sflag:s20] =	ssyncadd.s32 $0xFFFFFE00  }
0x48: {  	[tilespmem:s30], [sflag:$0x1] =	stream.strided.gather [hbm4b:s11+s17], $0x200, s18, s17, $0x38;
	[tilespmem:$0x11E00] =	vst v63  }
0x49: {  	_ =	swait.ge [sflag:s20], $0x200  }
0x4a: {  	[sflag:s20] =	ssyncset.done $0x0  }
0x4b: {  	[sflag:s20] =	ssyncadd.s32 $0xFFFFFE00  }
0x4c: {  	[tilespmem:s31], [sflag:$0x1] =	stream.strided.gather [hbm4b:s14+s17], $0x200, s18, s17, $0x38;
	[tilespmem:$0x11E00] =	vst v63  }
0x4d: {  	_ =	swait.ge [sflag:s20], $0x200  }
0x4e: {  	[sflag:s20] =	ssyncset.done $0x0  }
0x4f: {  	s12 =	simm.s32 $0x5020;
	[sflag:s20] =	ssyncadd.s32 $0xFFFFFE00  }
0x50: {  	s13 =	simm.s32 $0x4020;
	v8 =	vld [tilespmem:s12+$0xFFFFFFE0]  }
0x51: {  	v9 =	vld [tilespmem:s13+$0xFFFFFFE0]  }
0x52: {  	s4 =	simm.s32 $0x6020  }
0x53: {  	v10 =	vld [tilespmem:s4+$0xFFFFFFE0];
	_ =	sdelay $0x2  }
0x54: {  	v9 =	vmul.f32 v9, v9;
	v8 =	vmul.f32 v8, v8;
	_ =	sdelay $0x1  }
0x55: {  	v8 =	vadd.f32 v8, v9;
	v9 =	vmul.f32 v10, v10;
	_ =	sdelay $0x1  }
0x56: {  	v8 =	vadd.f32 v9, v8  }
0x57: {  	s7 =	simm.s32 $0x3020  }
0x58: {  	[tilespmem:s7+$0xFFFFFFE0] =	vst v8  }
0x59: {  	v8 =	vld [tilespmem:s12+$0xFFFFFFF0]  }
0x5a: {  	v9 =	vld [tilespmem:s13+$0xFFFFFFF0];
	_ =	sdelay $0x1  }
0x5b: {  	v10 =	vld [tilespmem:s4+$0xFFFFFFF0];
	_ =	sdelay $0x2  }
0x5c: {  	v9 =	vmul.f32 v9, v9;
	v8 =	vmul.f32 v8, v8;
	_ =	sdelay $0x1  }
0x5d: {  	v8 =	vadd.f32 v8, v9;
	v9 =	vmul.f32 v10, v10;
	_ =	sdelay $0x1  }
0x5e: {  	v8 =	vadd.f32 v9, v8;
	_ =	sdelay $0x1  }
0x5f: {  	[tilespmem:s7+$0xFFFFFFF0] =	vst v8  }
0x60: {  	v8 =	vld [tilespmem:s13+$0x0]  }
0x61: {  	v9 =	vld [tilespmem:s12+$0x0];
	_ =	sdelay $0x1  }
0x62: {  	v10 =	vld [tilespmem:s4+$0x0];
	_ =	sdelay $0x2  }
0x63: {  	v8 =	vmul.f32 v8, v8;
	v9 =	vmul.f32 v9, v9;
	_ =	sdelay $0x1  }
0x64: {  	v8 =	vadd.f32 v9, v8;
	v9 =	vmul.f32 v10, v10;
	_ =	sdelay $0x1  }
0x65: {  	v8 =	vadd.f32 v9, v8;
	_ =	sdelay $0x1  }
0x66: {  	[tilespmem:s7+$0x0] =	vst v8  }
0x67: {  	v8 =	vld [tilespmem:s13+$0x10]  }
0x68: {  	v9 =	vld [tilespmem:s12+$0x10]  }
0x69: {  	v11 =	vld [tilespmem:s4+$0x10];
	_ =	sdelay $0x2  }
0x6a: {  	s2 =	simm.s32 $0x7C20;
	s3 =	simm.s32 $0x7620  }
0x6b: {  	s5 =	simm.s32 $0x7A20;
	s6 =	simm.s32 $0x7820;
	s8 =	simm.s32 $0x0;
	v8 =	vmul.f32 v8, v8;
	v10 =	vmul.f32 v9, v9  }
0x6c: {  	s9 =	simm.s32 $0x5060;
	s10 =	simm.s32 $0x3020;
	s11 =	simm.s32 $0x4060;
	v9 =	vmul.f32 v11, v11  }
.LBB2_2:
0x6d: {  	s8 =	sadd.s32 $0x4, s8;
	v8 =	vadd.f32 v10, v8;
	s7 =	sadd.s32 $0x40, s7;
	s4 =	sadd.s32 $0x40, s4  }
0x6e: {  	p0 =	slt.u32 s8, $0xFC  }
0x6f: {  	v8 =	vadd.f32 v9, v8;
	_ =	sdelay $0x1  }
0x70: {  	[tilespmem:s10+$0x10] =	vst v8;
	s10 =	smov.u32 s7  }
0x71: {  	v8 =	vld [tilespmem:s9+$0xFFFFFFE0]  }
0x72: {  	v9 =	vld [tilespmem:s11+$0xFFFFFFE0];
	_ =	sdelay $0x1  }
0x73: {  	v10 =	vld [tilespmem:s4+$0xFFFFFFE0];
	_ =	sdelay $0x2  }
0x74: {  	v8 =	vmul.f32 v8, v8;
	v9 =	vmul.f32 v9, v9;
	_ =	sdelay $0x1  }
0x75: {  	v8 =	vadd.f32 v8, v9;
	v9 =	vmul.f32 v10, v10;
	_ =	sdelay $0x1  }
0x76: {  	v8 =	vadd.f32 v9, v8;
	_ =	sdelay $0x1  }
0x77: {  	[tilespmem:s7+$0xFFFFFFE0] =	vst v8  }
0x78: {  	v8 =	vld [tilespmem:s9+$0xFFFFFFF0]  }
0x79: {  	v9 =	vld [tilespmem:s11+$0xFFFFFFF0];
	_ =	sdelay $0x1  }
0x7a: {  	v10 =	vld [tilespmem:s4+$0xFFFFFFF0];
	_ =	sdelay $0x2  }
0x7b: {  	v8 =	vmul.f32 v8, v8;
	v9 =	vmul.f32 v9, v9;
	_ =	sdelay $0x1  }
0x7c: {  	v8 =	vadd.f32 v8, v9;
	v9 =	vmul.f32 v10, v10;
	_ =	sdelay $0x1  }
0x7d: {  	v8 =	vadd.f32 v9, v8;
	_ =	sdelay $0x1  }
0x7e: {  	[tilespmem:s7+$0xFFFFFFF0] =	vst v8  }
0x7f: {  	v8 =	vld [tilespmem:s11+$0x0]  }
0x80: {  	v9 =	vld [tilespmem:s9+$0x0];
	_ =	sdelay $0x1  }
0x81: {  	v10 =	vld [tilespmem:s4+$0x0];
	_ =	sdelay $0x1  }
0x82: {  	v8 =	vmul.f32 v8, v8  }
0x83: {  	v9 =	vmul.f32 v9, v9;
	_ =	sdelay $0x1  }
0x84: {  	v8 =	vadd.f32 v9, v8;
	v9 =	vmul.f32 v10, v10;
	_ =	sdelay $0x1  }
0x85: {  	v8 =	vadd.f32 v9, v8;
	_ =	sdelay $0x1  }
0x86: {  	[tilespmem:s7+$0x0] =	vst v8  }
0x87: {  	v8 =	vld [tilespmem:s11+$0x10]  }
0x88: {  	v9 =	vld [tilespmem:s9+$0x10]  }
0x89: {  	v11 =	vld [tilespmem:s4+$0x10]  }
.Ltmp2:
0x8a: {  	(pc) =	sbr.rel @p0 .LBB2_2-.Ltmp2, $3  }
0x8b: {  	_ =	sdelay $0x1  }
0x8c: {  	v8 =	vmul.f32 v8, v8;
	v10 =	vmul.f32 v9, v9  }
0x8d: {  	s11 =	sadd.s32 $0x40, s11;
	s9 =	sadd.s32 $0x40, s9;
	v9 =	vmul.f32 v11, v11  }
0x8e: {  	v8 =	vadd.f32 v10, v8;
	_ =	sdelay $0x1  }
0x8f: {  	v8 =	vadd.f32 v9, v8;
	_ =	sdelay $0x1  }
0x90: {  	[tilespmem:s10+$0x10] =	vst v8  }
0x91: {  	v8 =	vld [tilespmem:s5+$0xFFFFFFE0]  }
0x92: {  	v9 =	vld [tilespmem:s6+$0xFFFFFFE0];
	_ =	sdelay $0x1  }
0x93: {  	v10 =	vld [tilespmem:s2+$0xFFFFFFE0];
	_ =	sdelay $0x2  }
0x94: {  	v9 =	vmul.f32 v9, v9;
	v8 =	vmul.f32 v8, v8;
	_ =	sdelay $0x1  }
0x95: {  	v8 =	vadd.f32 v8, v9;
	v9 =	vmul.f32 v10, v10;
	_ =	sdelay $0x1  }
0x96: {  	v8 =	vadd.f32 v9, v8;
	_ =	sdelay $0x1  }
0x97: {  	[tilespmem:s3+$0xFFFFFFE0] =	vst v8  }
0x98: {  	v8 =	vld [tilespmem:s5+$0xFFFFFFF0]  }
0x99: {  	v9 =	vld [tilespmem:s6+$0xFFFFFFF0];
	_ =	sdelay $0x1  }
0x9a: {  	v10 =	vld [tilespmem:s2+$0xFFFFFFF0];
	_ =	sdelay $0x2  }
0x9b: {  	v9 =	vmul.f32 v9, v9;
	v8 =	vmul.f32 v8, v8;
	_ =	sdelay $0x1  }
0x9c: {  	v8 =	vadd.f32 v8, v9;
	v9 =	vmul.f32 v10, v10;
	_ =	sdelay $0x1  }
0x9d: {  	v8 =	vadd.f32 v9, v8;
	_ =	sdelay $0x1  }
0x9e: {  	[tilespmem:s3+$0xFFFFFFF0] =	vst v8  }
0x9f: {  	v8 =	vld [tilespmem:s6+$0x0]  }
0xa0: {  	v9 =	vld [tilespmem:s5+$0x0];
	_ =	sdelay $0x1  }
0xa1: {  	v10 =	vld [tilespmem:s2+$0x0];
	_ =	sdelay $0x2  }
0xa2: {  	v8 =	vmul.f32 v8, v8;
	v9 =	vmul.f32 v9, v9;
	_ =	sdelay $0x1  }
0xa3: {  	v8 =	vadd.f32 v9, v8;
	v9 =	vmul.f32 v10, v10;
	_ =	sdelay $0x1  }
0xa4: {  	v8 =	vadd.f32 v9, v8;
	_ =	sdelay $0x1  }
0xa5: {  	[tilespmem:s3+$0x0] =	vst v8  }
0xa6: {  	v8 =	vld [tilespmem:s6+$0x10]  }
0xa7: {  	v10 =	vld [tilespmem:s5+$0x10]  }
0xa8: {  	v11 =	vld [tilespmem:s2+$0x10];
	_ =	sdelay $0x3  }
0xa9: {  	s4 =	simm.s32 $0x0;
	v9 =	vmul.f32 v8, v8;
	v10 =	vmul.f32 v10, v10  }
0xaa: {  	s7 =	simm.s32 $0x7860;
	s6 =	simm.s32 $0x7A60;
	s5 =	simm.s32 $0x7620;
	v8 =	vmul.f32 v11, v11  }
.LBB2_4:
0xab: {  	s4 =	sadd.s32 $0x4, s4;
	v9 =	vadd.f32 v10, v9;
	s3 =	sadd.s32 $0x40, s3;
	s2 =	sadd.s32 $0x40, s2  }
0xac: {  	p0 =	slt.u32 s4, $0x1C  }
0xad: {  	v8 =	vadd.f32 v8, v9;
	_ =	sdelay $0x1  }
0xae: {  	[tilespmem:s5+$0x10] =	vst v8;
	s5 =	smov.u32 s3  }
0xaf: {  	v8 =	vld [tilespmem:s6+$0xFFFFFFE0]  }
0xb0: {  	v9 =	vld [tilespmem:s7+$0xFFFFFFE0];
	_ =	sdelay $0x1  }
0xb1: {  	v10 =	vld [tilespmem:s2+$0xFFFFFFE0];
	_ =	sdelay $0x2  }
0xb2: {  	v8 =	vmul.f32 v8, v8;
	v9 =	vmul.f32 v9, v9;
	_ =	sdelay $0x1  }
0xb3: {  	v8 =	vadd.f32 v8, v9;
	v9 =	vmul.f32 v10, v10;
	_ =	sdelay $0x1  }
0xb4: {  	v8 =	vadd.f32 v9, v8;
	_ =	sdelay $0x1  }
0xb5: {  	[tilespmem:s3+$0xFFFFFFE0] =	vst v8  }
0xb6: {  	v8 =	vld [tilespmem:s6+$0xFFFFFFF0]  }
0xb7: {  	v9 =	vld [tilespmem:s7+$0xFFFFFFF0];
	_ =	sdelay $0x1  }
0xb8: {  	v10 =	vld [tilespmem:s2+$0xFFFFFFF0];
	_ =	sdelay $0x2  }
0xb9: {  	v8 =	vmul.f32 v8, v8;
	v9 =	vmul.f32 v9, v9;
	_ =	sdelay $0x1  }
0xba: {  	v8 =	vadd.f32 v8, v9;
	v9 =	vmul.f32 v10, v10;
	_ =	sdelay $0x1  }
0xbb: {  	v8 =	vadd.f32 v9, v8;
	_ =	sdelay $0x1  }
0xbc: {  	[tilespmem:s3+$0xFFFFFFF0] =	vst v8  }
0xbd: {  	v8 =	vld [tilespmem:s7+$0x0]  }
0xbe: {  	v9 =	vld [tilespmem:s6+$0x0];
	_ =	sdelay $0x1  }
0xbf: {  	v10 =	vld [tilespmem:s2+$0x0];
	_ =	sdelay $0x1  }
0xc0: {  	v8 =	vmul.f32 v8, v8  }
0xc1: {  	v9 =	vmul.f32 v9, v9;
	_ =	sdelay $0x1  }
0xc2: {  	v8 =	vadd.f32 v9, v8;
	v9 =	vmul.f32 v10, v10;
	_ =	sdelay $0x1  }
0xc3: {  	v8 =	vadd.f32 v9, v8;
	_ =	sdelay $0x1  }
0xc4: {  	[tilespmem:s3+$0x0] =	vst v8  }
0xc5: {  	v8 =	vld [tilespmem:s7+$0x10]  }
0xc6: {  	v10 =	vld [tilespmem:s6+$0x10]  }
0xc7: {  	v11 =	vld [tilespmem:s2+$0x10]  }
.Ltmp3:
0xc8: {  	(pc) =	sbr.rel @p0 .LBB2_4-.Ltmp3, $3  }
0xc9: {  	_ =	sdelay $0x1  }
0xca: {  	v9 =	vmul.f32 v8, v8;
	v10 =	vmul.f32 v10, v10  }
0xcb: {  	s7 =	sadd.s32 $0x40, s7;
	s6 =	sadd.s32 $0x40, s6;
	v8 =	vmul.f32 v11, v11  }
0xcc: {  	v9 =	vadd.f32 v10, v9;
	_ =	sdelay $0x1  }
0xcd: {  	v8 =	vadd.f32 v8, v9;
	_ =	sdelay $0x1  }
0xce: {  	[tilespmem:s5+$0x10] =	vst v8  }
0xcf: {  	[tilespmem:$0x8E00] =	vst v0  }
0xd0: {  	[tilespmem:$0xAE00] =	vst v0  }
0xd1: {  	[tilespmem:$0x8E10] =	vst v1  }
.Ltmp4:
0xd2: {  	[tilespmem:$0xAE10] =	vst v1;
	(pc) =	sbr.rel .LBB2_6-.Ltmp4, $4  }
0xd3: {  	[tilespmem:$0x8E20] =	vst v2  }
0xd4: {  	[tilespmem:$0xAE20] =	vst v2  }
0xd5: {  	[tilespmem:$0x8E30] =	vst v3  }
0xd6: {  	s2 =	simm.s32 $0x0;
	[tilespmem:$0xAE30] =	vst v3  }
.LBB2_64:
0xd7: {  	s3 =	sshll.u32 s2, $0x5;
	s2 =	sadd.s32 $0x1, s2  }
0xd8: {  	p0 =	sne.s32 s2, $0x100  }
.Ltmp5:
0xd9: {  	_ = 	snop;
	(pc) =	sbr.rel @!p0 .LBB2_65-.Ltmp5, $4  }
0xda: {  	_ = 	snop  }
0xdb: {  	s3 =	sand.u32 $0x3FFFFFE0, s3  }
0xdc: {  	[tilespmem:s3+$0xFE00] =	vst v10  }
0xdd: {  	[tilespmem:s3+$0xFE10] =	vst v9  }
.LBB2_6:
0xde: {  	s3 =	sshll.u32 s2, $0x1  }
0xdf: {  	v11 =	vmov s3  }
0xe0: {  	v16 =	vld [tilespmem:$0x0]  }
0xe1: {  	v17 =	vld [tilespmem:$0x1000]  }
0xe2: {  	v18 =	vld [tilespmem:$0x2000];
	v15 =	vor.u32 $0x1, v11  }
0xe3: {  	v22 =	vld [tilespmem:$0x10]  }
0xe4: {  	v8 =	vld.idx.msk [tilespmem:v11+s29+$0x0], $0xffff  }
0xe5: {  	v9 =	vld.idx.msk [tilespmem:v11+s30+$0x0], $0xffff  }
0xe6: {  	v10 =	vld.idx.msk [tilespmem:v11+s31+$0x0], $0xffff  }
0xe7: {  	v12 =	vld.idx.msk [tilespmem:v15+s29+$0x0], $0xffff  }
0xe8: {  	v13 =	vld.idx.msk [tilespmem:v15+s30+$0x0], $0xffff  }
0xe9: {  	v23 =	vld [tilespmem:$0x1010]  }
0xea: {  	v14 =	vld.idx.msk [tilespmem:v15+s31+$0x0], $0xffff;
	v20 =	vmul.f32 v16, v8;
	v21 =	vmul.f32 v17, v9  }
0xeb: {  	v19 =	vld [tilespmem:$0x3000]  }
0xec: {  	v11 =	vld.idx.msk [tilespmem:v11+s1+$0x0], $0xffff;
	v20 =	vadd.f32 v21, v20;
	v21 =	vmul.f32 v18, v10  }
0xed: {  	v15 =	vld.idx.msk [tilespmem:v15+s1+$0x0], $0xffff;
	v16 =	vmul.f32 v16, v12;
	v17 =	vmul.f32 v17, v13  }
0xee: {  	v24 =	vmul.f32 v22, v8;
	v20 =	vadd.f32 v21, v20;
	v21 =	vld [tilespmem:$0x2010]  }
0xef: {  	v25 =	vmul.f32 v23, v9;
	v16 =	vadd.f32 v17, v16;
	v17 =	vmul.f32 v18, v14;
	_ =	sdelay $0x1  }
0xf0: {  	v22 =	vmul.f32 v22, v12;
	v24 =	vadd.f32 v25, v24;
	v16 =	vadd.f32 v17, v16;
	v17 =	vld [tilespmem:$0x3010]  }
0xf1: {  	v26 =	vld [tilespmem:$0x20];
	v23 =	vmul.f32 v23, v13;
	v18 =	vadd.f32 v19, v11;
	v20 =	vadd.f32 v20, v20  }
0xf2: {  	v27 =	vld [tilespmem:$0x1020];
	v19 =	vadd.f32 v19, v15;
	v16 =	vadd.f32 v16, v16;
	v25 =	vmul.f32 v21, v10  }
0xf3: {  	v28 =	vld [tilespmem:$0x30];
	v18 =	vsub.f32 v18, v20;
	v20 =	vadd.f32 v23, v22;
	v21 =	vmul.f32 v21, v14  }
0xf4: {  	v22 =	vld [tilespmem:$0x2020];
	v16 =	vsub.f32 v19, v16;
	v19 =	vadd.f32 v25, v24  }
0xf5: {  	v23 =	vadd.f32 v17, v11;
	v20 =	vadd.f32 v21, v20  }
0xf6: {  	v17 =	vadd.f32 v17, v15;
	v19 =	vadd.f32 v19, v19  }
0xf7: {  	v21 =	vld [tilespmem:$0x3020];
	v24 =	vmul.f32 v26, v8;
	v25 =	vmul.f32 v27, v9;
	v20 =	vadd.f32 v20, v20  }
0xf8: {  	v32 =	vmul.f32 v28, v8;
	v19 =	vsub.f32 v23, v19;
	v23 =	vld [tilespmem:$0x1030]  }
0xf9: {  	v17 =	vsub.f32 v17, v20;
	v20 =	vadd.f32 v25, v24;
	v24 =	vmul.f32 v22, v10  }
0xfa: {  	v26 =	vmul.f32 v26, v12;
	v27 =	vmul.f32 v27, v13;
	v25 =	vld [tilespmem:$0x2030]  }
0xfb: {  	v29 =	vmax.f32 v18, $0.0e+00;
	v18 =	vmax.f32 v18, $+Inf;
	v20 =	vadd.f32 v24, v20  }
0xfc: {  	v30 =	vmax.f32 v16, $0.0e+00;
	v16 =	vmax.f32 v16, $+Inf;
	v26 =	vadd.f32 v27, v26  }
0xfd: {  	v27 =	vld [tilespmem:$0x3030];
	v24 =	vadd.f32 v21, v11;
	v20 =	vadd.f32 v20, v20;
	v33 =	vmul.f32 v23, v9  }
0xfe: {  	v22 =	vmul.f32 v22, v14;
	v19 =	vmax.f32 v19, $0.0e+00;
	v17 =	vmax.f32 v17, $0.0e+00  }
0xff: {  	v47 =	vmul.f32 v25, v10;
	v20 =	vsub.f32 v24, v20;
	v24 =	vadd.f32 v33, v32  }
0x100: {  	v22 =	vadd.f32 v22, v26;
	v26 =	vmul.f32 v28, v12;
	v21 =	vadd.f32 v21, v15  }
0x101: {  	v31 =	vmax.f32 v29, v19;
	v23 =	vmul.f32 v23, v13;
	v24 =	vadd.f32 v47, v24  }
0x102: {  	v34 =	vmin.f32 v29, v19;
	v28 =	vadd.f32 v27, v11;
	v22 =	vadd.f32 v22, v22  }
0x103: {  	v25 =	vmul.f32 v25, v14;
	v23 =	vadd.f32 v23, v26;
	v24 =	vadd.f32 v24, v24  }
0x104: {  	v18 =	vmin.f32 v18, v31;
	v21 =	vsub.f32 v21, v22;
	v26 =	vmax.f32 v30, v17  }
0x105: {  	v20 =	vmax.f32 v20, $0.0e+00;
	v23 =	vadd.f32 v25, v23;
	v22 =	vsub.f32 v28, v24  }
0x106: {  	v16 =	vmin.f32 v16, v26;
	v25 =	vadd.f32 v27, v15;
	v26 =	vmin.f32 v34, v20  }
0x107: {  	v23 =	vadd.f32 v23, v23;
	v24 =	vmax.f32 v34, v20;
	v22 =	vmax.f32 v22, $0.0e+00  }
0x108: {  	v18 =	vmin.f32 v18, v24;
	v27 =	vmax.f32 v26, v22;
	v26 =	vmin.f32 v26, v22  }
0x109: {  	v27 =	vmin.f32 v18, v27;
	(xrf1) =	vsort.ascd.msk.f32 $0xffff, v26, v26  }
0x10a: {  	v31 =	vmin.f32 v30, v17;
	v21 =	vmax.f32 v21, $0.0e+00;
	v23 =	vsub.f32 v25, v23;
	(xrf1) =	vsort.ascd.msk.f32 $0xffff, v27, v27  }
0x10b: {  	v24 =	vmax.f32 v31, v21  }
0x10c: {  	v25 =	vmin.f32 v31, v21;
	v16 =	vmin.f32 v16, v24;
	v24 =	vmax.f32 v23, $0.0e+00  }
0x10d: {  	v23 =	vmin.f32 v25, v24;
	v18 =	vmax.f32 v25, v24  }
0x10e: {  	v18 =	vmin.f32 v16, v18;
	(xrf1) =	vsort.ascd.msk.f32 $0xffff, v23, v23  }
0x10f: {  	[tilespmem:$0x7E00] =	vst v29;
	(xrf1) =	vsort.ascd.msk.f32 $0xffff, v18, v18  }
0x110: {  	[tilespmem:$0x9E00] =	vst v30  }
0x111: {  	[tilespmem:$0x7E10] =	vst v19  }
0x112: {  	[tilespmem:$0x9E10] =	vst v17  }
0x113: {  	[tilespmem:$0x7E20] =	vst v20  }
0x114: {  	[tilespmem:$0x9E20] =	vst v21  }
0x115: {  	[tilespmem:$0x7E30] =	vst v22  }
0x116: {  	s4 =	simm.s32 $0x2050;
	[tilespmem:$0x9E30] =	vst v24  }
0x117: {  	s5 =	simm.s32 $0x50;
	v20 =	vld [tilespmem:s4+$0x0];
	v16, _, _ =	vpop (xrf1)  }
0x118: {  	v21 =	vld [tilespmem:s5+$0xFFFFFFF0];
	v25, _, _ =	vpop (xrf1)  }
0x119: {  	s10 =	simm.s32 $0x1050;
	v22 =	vld [tilespmem:s5+$0x0];
	v19 =	vperm.xlane v25, v4  }
0x11a: {  	v24 =	vld [tilespmem:s10+$0xFFFFFFF0]  }
0x11b: {  	v16 =	vmax.f32 v16, v19;
	v19 =	vld [tilespmem:s10+$0x0]  }
0x11c: {  	s11 =	simm.s32 $0x3050;
	v28, _, _ =	vpop (xrf1)  }
0x11d: {  	v29 =	vld [tilespmem:s11+$0x0];
	v25, _, _ =	vpop (xrf1);
	v16 =	vsub.f32 $0.0e+00, v16  }
0x11e: {  	v31 =	vmul.f32 v22, v8;
	v17 =	vperm.xlane v25, v4;
	v25 =	vld [tilespmem:s4+$0xFFFFFFF0]  }
0x11f: {  	v48 =	vmul.f32 v21, v8;
	v49 =	vmul.f32 v24, v9;
	(xrf0) =	vmax.scan.msk.f32 $0xffff, v16  }
0x120: {  	v35 =	vmul.f32 v20, v10;
	v17 =	vmax.f32 v28, v17;
	v28 =	vld [tilespmem:s11+$0xFFFFFFF0];
	v30 =	vmul.f32 v19, v9  }
0x121: {  	v21 =	vmul.f32 v21, v12;
	v24 =	vmul.f32 v24, v13  }
0x122: {  	v51 =	vadd.f32 v29, v11;
	v22 =	vmul.f32 v22, v12;
	v30 =	vadd.f32 v30, v31  }
0x123: {  	v32 =	vadd.f32 v49, v48;
	v17 =	vsub.f32 $0.0e+00, v17;
	v50 =	vmul.f32 v25, v10  }
0x124: {  	v21 =	vadd.f32 v24, v21;
	v19 =	vmul.f32 v19, v13;
	v30 =	vadd.f32 v35, v30  }
0x125: {  	(xrf0) =	vmax.scan.msk.f32 $0xffff, v17;
	v25 =	vmul.f32 v25, v14;
	v31 =	vadd.f32 v28, v11;
	v32 =	vadd.f32 v50, v32;
	v16, _, _ =	vpop (xrf0)  }
0x126: {  	v19 =	vadd.f32 v19, v22;
	v16 =	vperm.xlane v16, v5;
	v24 =	vadd.f32 v30, v30  }
0x127: {  	s13 =	simm.s32 $0x70;
	v20 =	vmul.f32 v20, v14;
	v21 =	vadd.f32 v25, v21;
	v30 =	vadd.f32 v32, v32  }
0x128: {  	v39 =	vld [tilespmem:s13+$0xFFFFFFF0];
	v16 =	vsub.f32 $0.0e+00, v16;
	v22 =	vsub.f32 v51, v24  }
0x129: {  	s12 =	simm.s32 $0x1070;
	v56 =	vld [tilespmem:s13+$0x0];
	v19 =	vadd.f32 v20, v19;
	v25 =	vsub.f32 v31, v30  }
0x12a: {  	v53 =	vld [tilespmem:s12+$0x0];
	s4 =	simm.s32 $0x2070;
	v20 =	vadd.f32 v21, v21;
	v24 =	vadd.f32 v28, v15;
	vm2 =	vle.f32 v22, v16  }
0x12b: {  	v55 =	vld [tilespmem:s4+$0xFFFFFFF0];
	v17, _, _ =	vpop (xrf0);
	vm1 =	vle.f32 v25, v16;
	v28 =	vsel vm2, $0x1, v6  }
0x12c: {  	s3 =	simm.s32 $0x40;
	v17 =	vperm.xlane v17, v5;
	v20 =	vsub.f32 v24, v20;
	v24 =	vsel vm1, $0x1, v6;
	(xrf0) =	vadd.scan.msk.s32 $0xffff, v28  }
0x12d: {  	v46 =	vor.u32 s3, v0;
	(xrf0) =	vadd.scan.msk.s32 $0xffff, v24  }
0x12e: {  	v57 =	vmul.f32 v39, v12;
	v45 =	vmul.f32 v56, v8;
	v17 =	vsub.f32 $0.0e+00, v17  }
0x12f: {  	s5 =	simm.s32 $0x3070;
	v33 =	vmul.f32 v53, v13;
	v21 =	vadd.f32 v29, v15;
	v19 =	vadd.f32 v19, v19  }
0x130: {  	v43 =	vld [tilespmem:s5+$0x0];
	v42 =	vmul.f32 v55, v10;
	vm4 =	vle.f32 v20, v17;
	v28 =	vmpcnt.ones.xlane vm1  }
0x131: {  	v54 =	vld [tilespmem:s4+$0x0];
	v24 =	vsub.f32 v21, v19;
	v21 =	vimm.s32 $0x40;
	v19 =	vsel vm4, $0x1, v6  }
0x132: {  	v25 =	vmax.f32 v25, $0.0e+00;
	v31 =	vmax.f32 v20, $0.0e+00;
	(xrf0) =	vadd.scan.msk.s32 $0xffff, v19;
	v19 =	vadd.s32 v21, v28;
	v20, _, _ =	vpop (xrf0)  }
0x133: {  	v37 =	vmax.f32 v22, $0.0e+00;
	v28 =	vmax.f32 v26, v25;
	v20 =	vadd.s32 v20, v19;
	v36, _, _ =	vpop (xrf0)  }
0x134: {  	v26 =	vmin.f32 v26, v25;
	v22 =	vadd.s32 v36, v21;
	v40 =	vadd.s32 $0xFFFFFFFF, v20  }
0x135: {  	v20 =	vmax.f32 v26, v37;
	v41 =	vadd.s32 $0xFFFFFFFF, v22;
	v22 =	vmin.f32 v26, v37;
	v26 =	vld [tilespmem:s12+$0xFFFFFFF0]  }
0x136: {  	v60 =	vadd.f32 v43, v11;
	v44 =	vmul.f32 v54, v10;
	v62 =	vmul.f32 v54, v14  }
0x137: {  	v35 =	vmul.f32 v55, v14;
	v29 =	vmpcnt.ones.xlane vm2;
	v27 =	vmin.f32 v27, v28;
	v28 =	vld [tilespmem:s5+$0xFFFFFFF0]  }
0x138: {  	v30 =	vmpcnt.ones.xlane vm4;
	v61 =	vmax.f32 v23, v31;
	v32 =	vmin.f32 v23, v31  }
0x139: {  	vm0 =	vle.f32 v24, v17;
	v19 =	vadd.s32 v19, v29;
	v29 =	vmul.f32 v53, v9  }
0x13a: {  	vm5 =	vmmov vm2;
	[tilespmem:v41+s0+$0x0] =	vst.idx.msk vm1, v25;
	v25 =	vmul.f32 v39, v8;
	v58 =	vmul.f32 v26, v9  }
0x13b: {  	v30 =	vadd.s32 v21, v30;
	v52 =	vsel vm0, $0x1, v6;
	v29 =	vadd.f32 v29, v45  }
0x13c: {  	v59 =	vadd.f32 v28, v11;
	v26 =	vmul.f32 v26, v13;
	v25 =	vadd.f32 v58, v25  }
0x13d: {  	v36 =	vmul.f32 v56, v12;
	v20 =	vmin.f32 v27, v20;
	v27, _, _ =	vpop (xrf0);
	v29 =	vadd.f32 v44, v29  }
0x13e: {  	v27 =	vadd.s32 v27, v21;
	v26 =	vadd.f32 v26, v57;
	v25 =	vadd.f32 v42, v25  }
0x13f: {  	v28 =	vadd.f32 v28, v15;
	(xrf0) =	vadd.scan.msk.s32 $0xffff, v52;
	v27 =	vadd.s32 $0xFFFFFFFF, v27;
	v29 =	vadd.f32 v29, v29  }
0x140: {  	v24 =	vmax.f32 v24, $0.0e+00;
	v23 =	vadd.f32 v35, v26;
	v63 =	vadd.f32 v25, v25  }
0x141: {  	v38 =	vmpcnt.ones.xlane vm0;
	v33 =	vadd.f32 v33, v36;
	[tilespmem:v40+s0+$0x0] =	vst.idx.msk vm2, v37;
	v25 =	vsub.f32 v60, v29  }
0x142: {  	v35 =	vmin.f32 v18, v61;
	v18 =	vadd.f32 v23, v23;
	v36 =	vsub.f32 v59, v63  }
0x143: {  	vm0 =	vmmov vm0;
	[tilespmem:v41+s19+$0x0] =	vst.idx.msk vm1, v46;
	v26 =	vadd.f32 v62, v33;
	vm3 =	vle.f32 v25, v16  }
0x144: {  	[tilespmem:v27+s21+$0x0] =	vst.idx.msk vm4, v31;
	v18 =	vsub.f32 v28, v18;
	v29 =	vsel vm3, $0x1, v6;
	vm2 =	vle.f32 v36, v16  }
0x145: {  	s6 =	simm.s32 $0x50;
	v31, _, _ =	vpop (xrf0);
	v23 =	vadd.f32 v43, v15;
	v26 =	vadd.f32 v26, v26;
	(xrf0) =	vadd.scan.msk.s32 $0xffff, v29;
	v28 =	vsel vm2, $0x1, v6  }
0x146: {  	v21 =	vor.u32 s6, v0;
	vm1 =	vle.f32 v18, v17;
	(xrf0) =	vadd.scan.msk.s32 $0xffff, v28;
	v28 =	vadd.s32 v31, v30  }
0x147: {  	v23 =	vsub.f32 v23, v26;
	v33 =	vadd.s32 $0xFFFFFFFF, v28;
	v28 =	vsel vm1, $0x1, v6  }
0x148: {  	v34 =	vmax.f32 v32, v24;
	[tilespmem:v40+s19+$0x0] =	vst.idx.msk vm5, v21;
	v26 =	vmpcnt.ones.xlane vm3;
	v29 =	vadd.s32 v30, v38  }
0x149: {  	[tilespmem:v27+s22+$0x0] =	vst.idx.msk vm4, v46;
	vm4 =	vle.f32 v23, v17;
	v27 =	vmax.f32 v18, $0.0e+00;
	v37 =	vmpcnt.ones.xlane vm2  }
0x14a: {  	s7 =	simm.s32 $0x1090;
	s8 =	simm.s32 $0x90;
	s6 =	simm.s32 $0x6;
	v18 =	vmpcnt.ones.xlane vm4;
	v30 =	vmpcnt.ones.xlane vm1;
	v31 =	vsel vm4, $0x1, v6;
	(xrf0) =	vadd.scan.msk.s32 $0xffff, v28;
	v28 =	vmovc v19  }
.LBB2_7:
0x14b: {  	v38 =	vld [tilespmem:s7+$0x0];
	s6 =	sadd.s32 $0x2, s6;
	v36 =	vmax.f32 v36, $0.0e+00;
	s4 =	sadd.s32 $0x20, s4;
	v32 =	vmin.f32 v32, v24;
	v35 =	vmin.f32 v35, v34;
	s3 =	sadd.s32 $0x20, s3  }
0x14c: {  	v19 =	vadd.s32 v19, v37;
	v34 =	vld [tilespmem:s4+$0x0];
	p0 =	slt.u32 s6, $0xE;
	v37 =	vmax.f32 v22, v36;
	v22 =	vmin.f32 v22, v36;
	v39, _, _ =	vpop (xrf0)  }
0x14d: {  	v25 =	vmax.f32 v25, $0.0e+00;
	v40 =	vld [tilespmem:s4+$0xFFFFFFF0];
	v39 =	vadd.s32 v39, v19;
	v19 =	vadd.s32 v19, v26;
	v26, _, _ =	vpop (xrf0);
	[tilespmem:v33+s21+$0x0] =	vst.idx.msk vm0, v24  }
0x14e: {  	v41 =	vmax.f32 v22, v25;
	v24 =	vld [tilespmem:s8+$0xFFFFFFF0];
	v26 =	vadd.s32 v26, v28;
	v39 =	vadd.s32 $0xFFFFFFFF, v39;
	[tilespmem:v33+s22+$0x0] =	vst.idx.msk vm0, v21  }
0x14f: {  	v20 =	vmin.f32 v20, v37;
	v22 =	vmin.f32 v22, v25;
	v28 =	vmovc v19;
	v33 =	vld [tilespmem:s8+$0x0];
	v26 =	vadd.s32 $0xFFFFFFFF, v26  }
0x150: {  	s5 =	sadd.s32 $0x20, s5;
	vm5 =	vmmov vm3;
	v20 =	vmin.f32 v20, v41;
	vm0 =	vmmov vm4;
	v37 =	vld [tilespmem:s7+$0xFFFFFFF0];
	v21, _, _ =	vpop (xrf0)  }
0x151: {  	v42 =	vmul.f32 v38, v9;
	v41 =	vld [tilespmem:s5+$0xFFFFFFF0];
	v21 =	vadd.s32 v21, v29  }
0x152: {  	s9 =	sadd.s32 $0x10, s3;
	v43 =	vmul.f32 v40, v10;
	v44 =	vld [tilespmem:s5+$0x0];
	v45 =	vadd.s32 $0xFFFFFFFF, v21  }
0x153: {  	v46 =	vmul.f32 v34, v10;
	v29 =	vadd.s32 v29, v30;
	v21 =	vor.u32 s9, v0;
	[tilespmem:v39+s0+$0x0] =	vst.idx.msk vm3, v25  }
0x154: {  	v47 =	vor.u32 s3, v0;
	v25 =	vmul.f32 v24, v12;
	v30 =	vmul.f32 v33, v8;
	[tilespmem:v26+s0+$0x0] =	vst.idx.msk vm2, v36  }
0x155: {  	v36 =	vmul.f32 v24, v8;
	v24 =	vmax.f32 v23, $0.0e+00;
	v48 =	vmul.f32 v37, v9;
	[tilespmem:v26+s19+$0x0] =	vst.idx.msk vm2, v47  }
0x156: {  	v26 =	vmul.f32 v40, v14;
	v23 =	vadd.f32 v41, v11;
	v30 =	vadd.f32 v42, v30  }
0x157: {  	v37 =	vmul.f32 v37, v13;
	v36 =	vadd.f32 v48, v36;
	v40 =	vadd.f32 v44, v11;
	(xrf0) =	vadd.scan.msk.s32 $0xffff, v31  }
0x158: {  	v31 =	vmul.f32 v33, v12;
	v33 =	vmul.f32 v38, v13;
	v30 =	vadd.f32 v46, v30  }
0x159: {  	v38 =	vadd.f32 v41, v15;
	v41 =	vmax.f32 v32, v27;
	v36 =	vadd.f32 v43, v36  }
0x15a: {  	v25 =	vadd.f32 v37, v25;
	v37 =	vmul.f32 v34, v14;
	v42 =	vadd.f32 v30, v30  }
0x15b: {  	v32 =	vmin.f32 v32, v27;
	v31 =	vadd.f32 v33, v31;
	v36 =	vadd.f32 v36, v36  }
0x15c: {  	v34 =	vmax.f32 v32, v24;
	v26 =	vadd.f32 v26, v25;
	v25 =	vsub.f32 v40, v42  }
0x15d: {  	v35 =	vmin.f32 v35, v41;
	v36 =	vsub.f32 v23, v36;
	v23 =	vadd.f32 v37, v31;
	v30, _, _ =	vpop (xrf0)  }
0x15e: {  	v26 =	vadd.f32 v26, v26;
	v31 =	vadd.f32 v44, v15;
	vm3 =	vle.f32 v25, v16  }
0x15f: {  	vm2 =	vle.f32 v36, v16;
	v23 =	vadd.f32 v23, v23;
	v33 =	vsel vm3, $0x1, v6;
	[tilespmem:v45+s21+$0x0] =	vst.idx.msk vm1, v27  }
.Ltmp6:
0x160: {  	v27 =	vsub.f32 v38, v26;
	v38 =	vsel vm2, $0x1, v6;
	v37 =	vmpcnt.ones.xlane vm2;
	(xrf0) =	vadd.scan.msk.s32 $0xffff, v33;
	(pc) =	sbr.rel @p0 .LBB2_7-.Ltmp6, $4  }
0x161: {  	v30 =	vadd.s32 v30, v29;
	v26 =	vmpcnt.ones.xlane vm3;
	v23 =	vsub.f32 v31, v23;
	(xrf0) =	vadd.scan.msk.s32 $0xffff, v38  }
0x162: {  	v29 =	vadd.s32 v29, v18;
	v33 =	vadd.s32 $0xFFFFFFFF, v30;
	[tilespmem:v45+s22+$0x0] =	vst.idx.msk vm1, v47;
	vm1 =	vle.f32 v27, v17  }
0x163: {  	v38 =	vsel vm1, $0x1, v6;
	v30 =	vmpcnt.ones.xlane vm1;
	vm4 =	vle.f32 v23, v17;
	[tilespmem:v39+s19+$0x0] =	vst.idx.msk vm5, v21  }
0x164: {  	s8 =	sadd.s32 $0x20, s8;
	s7 =	sadd.s32 $0x20, s7;
	v27 =	vmax.f32 v27, $0.0e+00;
	v31 =	vsel vm4, $0x1, v6;
	v18 =	vmpcnt.ones.xlane vm4;
	(xrf0) =	vadd.scan.msk.s32 $0xffff, v38  }
0x165: {  	v16 =	vmax.f32 v36, $0.0e+00;
	v17 =	vmin.f32 v32, v24;
	v46 =	vmin.f32 v35, v34  }
0x166: {  	v48 =	vmax.f32 v25, $0.0e+00;
	v50 =	vmax.f32 v23, $0.0e+00;
	v47 =	vmin.f32 v22, v16  }
0x167: {  	v25 =	vmax.f32 v22, v16;
	v23 =	vmin.f32 v17, v27;
	v17 =	vmax.f32 v17, v27  }
0x168: {  	v49 =	vmax.f32 v47, v48;
	v22 =	vmin.f32 v47, v48;
	v20 =	vmin.f32 v20, v25  }
0x169: {  	v51 =	vmax.f32 v23, v50;
	(xrf1) =	vsort.ascd.msk.f32 $0xffff, v22, v22;
	v20 =	vmin.f32 v20, v49  }
0x16a: {  	v17 =	vmin.f32 v46, v17;
	v25 =	vmin.f32 v23, v50;
	(xrf1) =	vsort.ascd.msk.f32 $0xffff, v20, v20  }
0x16b: {  	v23 =	vmin.f32 v17, v51;
	(xrf1) =	vsort.ascd.msk.f32 $0xffff, v25, v25  }
0x16c: {  	(xrf1) =	vsort.ascd.msk.f32 $0xffff, v23, v23;
	_ =	sdelay $0x3  }
0x16d: {  	v19 =	vadd.s32 v19, v37;
	v17, _, _ =	vpop (xrf0);
	(xrf0) =	vadd.scan.msk.s32 $0xffff, v31  }
0x16e: {  	v17 =	vadd.s32 v17, v19;
	v31, _, _ =	vpop (xrf0)  }
0x16f: {  	v28 =	vadd.s32 v31, v28;
	v17 =	vadd.s32 $0xFFFFFFFF, v17  }
0x170: {  	v31, _, _ =	vpop (xrf0);
	v28 =	vadd.s32 $0xFFFFFFFF, v28  }
0x171: {  	v31 =	vadd.s32 v31, v29  }
0x172: {  	[tilespmem:v33+s21+$0x0] =	vst.idx.msk vm0, v24;
	v24 =	vadd.s32 $0xFFFFFFFF, v31  }
0x173: {  	[tilespmem:v33+s22+$0x0] =	vst.idx.msk vm0, v21;
	v21 =	vadd.s32 v29, v30;
	v29, _, _ =	vpop (xrf0)  }
0x174: {  	s3 =	sadd.s32 $0x20, s3;
	vm4 =	vmmov vm4;
	[tilespmem:v17+s0+$0x0] =	vst.idx.msk vm3, v48;
	v29 =	vadd.s32 v29, v21;
	v52, _, _ =	vpop (xrf1)  }
0x175: {  	v53 =	vor.u32 s3, v0;
	[tilespmem:v28+s0+$0x0] =	vst.idx.msk vm2, v16;
	v16 =	vadd.s32 $0xFFFFFFFF, v29;
	v30, _, _ =	vpop (xrf1)  }
0x176: {  	[tilespmem:v28+s19+$0x0] =	vst.idx.msk vm2, v53;
	v31, _, _ =	vpop (xrf1)  }
0x177: {  	s3 =	sadd.s32 $0x10, s3;
	[tilespmem:v24+s21+$0x0] =	vst.idx.msk vm1, v27;
	v29, _, _ =	vpop (xrf1)  }
0x178: {  	[tilespmem:v24+s22+$0x0] =	vst.idx.msk vm1, v53;
	v27 =	vperm.xlane v29, v4;
	v29 =	vor.u32 s3, v0  }
0x179: {  	v28 =	vperm.xlane v30, v4;
	[tilespmem:v17+s19+$0x0] =	vst.idx.msk vm3, v29  }
0x17a: {  	[tilespmem:v16+s21+$0x0] =	vst.idx.msk vm4, v50  }
0x17b: {  	s4 =	simm.s32 $0x2110;
	v24 =	vmax.f32 v52, v28;
	[tilespmem:v16+s22+$0x0] =	vst.idx.msk vm4, v29  }
0x17c: {  	s5 =	simm.s32 $0x110;
	v17 =	vsub.f32 $0.0e+00, v24;
	v24 =	vmax.f32 v31, v27;
	v27 =	vld [tilespmem:s4+$0x0]  }
0x17d: {  	v28 =	vld [tilespmem:s5+$0xFFFFFFF0]  }
0x17e: {  	s10 =	simm.s32 $0x1110;
	v24 =	vsub.f32 $0.0e+00, v24;
	v29 =	vld [tilespmem:s5+$0x0]  }
0x17f: {  	(xrf0) =	vmax.scan.msk.f32 $0xffff, v17;
	v30 =	vld [tilespmem:s10+$0xFFFFFFF0]  }
0x180: {  	(xrf0) =	vmax.scan.msk.f32 $0xffff, v24;
	v24 =	vld [tilespmem:s10+$0x0]  }
0x181: {  	s11 =	simm.s32 $0x3110;
	v31 =	vld [tilespmem:s4+$0xFFFFFFF0]  }
0x182: {  	v54 =	vld [tilespmem:s11+$0xFFFFFFF0]  }
0x183: {  	v33 =	vld [tilespmem:s11+$0x0]  }
0x184: {  	v56 =	vmul.f32 v29, v8;
	v57 =	vmul.f32 v28, v8  }
0x185: {  	v58 =	vmul.f32 v30, v9;
	v55 =	vmul.f32 v24, v9  }
0x186: {  	v38 =	vmul.f32 v31, v10;
	v39 =	vmul.f32 v27, v10  }
0x187: {  	v28 =	vmul.f32 v28, v12;
	v59 =	vadd.f32 v54, v11;
	v34 =	vadd.f32 v55, v56  }
0x188: {  	v16, _, _ =	vpop (xrf0);
	v30 =	vmul.f32 v30, v13;
	v60 =	vadd.f32 v33, v11;
	v36 =	vadd.f32 v58, v57  }
0x189: {  	v29 =	vmul.f32 v29, v12;
	v16 =	vperm.xlane v16, v5;
	v34 =	vadd.f32 v39, v34  }
0x18a: {  	v24 =	vmul.f32 v24, v13;
	v28 =	vadd.f32 v30, v28;
	v36 =	vadd.f32 v38, v36  }
0x18b: {  	v31 =	vmul.f32 v31, v14;
	v16 =	vsub.f32 $0.0e+00, v16;
	v30 =	vadd.f32 v34, v34  }
0x18c: {  	v27 =	vmul.f32 v27, v14;
	v24 =	vadd.f32 v24, v29;
	v61 =	vadd.f32 v36, v36  }
0x18d: {  	s12 =	simm.s32 $0x1130;
	v28 =	vadd.f32 v31, v28;
	v29 =	vsub.f32 v60, v30  }
0x18e: {  	v63 =	vld [tilespmem:s12+$0x0];
	s4 =	simm.s32 $0x2130;
	v24 =	vadd.f32 v27, v24;
	v31 =	vsub.f32 v59, v61  }
0x18f: {  	v51 =	vld [tilespmem:s4+$0xFFFFFFF0];
	v27 =	vadd.f32 v28, v28;
	v30 =	vadd.f32 v54, v15;
	vm2 =	vle.f32 v29, v16  }
0x190: {  	s13 =	simm.s32 $0x130;
	vm1 =	vle.f32 v31, v16;
	v62 =	vsel vm2, $0x1, v6  }
0x191: {  	s5 =	simm.s32 $0x3130;
	v55 =	vld [tilespmem:s13+$0x0];
	v27 =	vsub.f32 v30, v27;
	v30 =	vsel vm1, $0x1, v6;
	(xrf0) =	vadd.scan.msk.s32 $0xffff, v62  }
0x192: {  	vm0 =	vmmov vm3;
	v17, _, _ =	vpop (xrf0);
	v56 =	vld [tilespmem:s5+$0xFFFFFFF0];
	(xrf0) =	vadd.scan.msk.s32 $0xffff, v30  }
0x193: {  	v18 =	vadd.s32 v21, v18;
	v19 =	vadd.s32 v19, v26;
	s3 =	simm.s32 $0x100;
	v17 =	vperm.xlane v17, v5  }
0x194: {  	v46 =	vor.u32 s3, v0;
	v32 =	vmul.f32 v63, v13;
	v42 =	vmul.f32 v51, v10  }
0x195: {  	v57 =	vmul.f32 v63, v9;
	v17 =	vsub.f32 $0.0e+00, v17;
	v28 =	vadd.f32 v33, v15  }
0x196: {  	v43 =	vld [tilespmem:s5+$0x0];
	v36 =	vmul.f32 v51, v14;
	v24 =	vadd.f32 v24, v24;
	v45 =	vmul.f32 v55, v8  }
0x197: {  	v59 =	vadd.f32 v56, v11;
	v26 =	vmpcnt.ones.xlane vm1;
	vm4 =	vle.f32 v27, v17;
	v49, _, _ =	vpop (xrf0)  }
0x198: {  	v24 =	vsub.f32 v28, v24;
	v28 =	vmpcnt.ones.xlane vm2;
	v21 =	vsel vm4, $0x1, v6;
	v52, _, _ =	vpop (xrf0)  }
0x199: {  	v53 =	vld [tilespmem:s13+$0xFFFFFFF0];
	v61 =	vmul.f32 v55, v12;
	v26 =	vadd.s32 v19, v26;
	(xrf0) =	vadd.scan.msk.s32 $0xffff, v21;
	v19 =	vadd.s32 v52, v19  }
0x19a: {  	v34 =	vadd.s32 v49, v26;
	v41 =	vadd.s32 $0xFFFFFFFF, v19;
	v19 =	vadd.s32 v26, v28;
	v26 =	vld [tilespmem:s12+$0xFFFFFFF0]  }
0x19b: {  	v60 =	vadd.f32 v43, v11;
	v31 =	vmax.f32 v31, $0.0e+00;
	v35 =	vadd.f32 v57, v45  }
0x19c: {  	v48 =	vld [tilespmem:s4+$0x0];
	vm0 =	vle.f32 v24, v17;
	v50 =	vmax.f32 v22, v31;
	v22 =	vmin.f32 v22, v31  }
0x19d: {  	v29 =	vmax.f32 v29, $0.0e+00;
	v38 =	vmpcnt.ones.xlane vm0;
	v40 =	vadd.s32 $0xFFFFFFFF, v34  }
0x19e: {  	v54 =	vmax.f32 v22, v29;
	v20 =	vmin.f32 v20, v50;
	v22 =	vmin.f32 v22, v29  }
0x19f: {  	v24 =	vmax.f32 v24, $0.0e+00;
	v28, _, _ =	vpop (xrf0);
	[tilespmem:v41+s0+$0x0] =	vst.idx.msk vm1, v31;
	v31 =	vmul.f32 v53, v8;
	v58 =	vmul.f32 v26, v9  }
0x1a0: {  	vm5 =	vmmov vm2;
	v62 =	vadd.f32 v56, v15;
	v28 =	vadd.s32 v28, v18  }
0x1a1: {  	v44 =	vadd.s32 $0xFFFFFFFF, v28;
	v28 =	vmul.f32 v48, v10;
	v31 =	vadd.f32 v58, v31  }
0x1a2: {  	v27 =	vmax.f32 v27, $0.0e+00;
	[tilespmem:v40+s0+$0x0] =	vst.idx.msk vm2, v29;
	v29 =	vmul.f32 v53, v12;
	v26 =	vmul.f32 v26, v13  }
0x1a3: {  	v20 =	vmin.f32 v20, v54;
	v28 =	vadd.f32 v28, v35;
	v31 =	vadd.f32 v42, v31  }
0x1a4: {  	v30 =	vsel vm0, $0x1, v6;
	v63 =	vmax.f32 v25, v27;
	v26 =	vadd.f32 v26, v29  }
0x1a5: {  	v21 =	vmpcnt.ones.xlane vm4;
	(xrf0) =	vadd.scan.msk.s32 $0xffff, v30;
	v28 =	vadd.f32 v28, v28;
	v30 =	vadd.f32 v31, v31  }
0x1a6: {  	v31 =	vadd.f32 v32, v61;
	v32 =	vmin.f32 v25, v27;
	v25 =	vadd.f32 v36, v26  }
0x1a7: {  	vm0 =	vmmov vm0;
	v18 =	vadd.s32 v18, v21;
	v29 =	vmul.f32 v48, v14  }
0x1a8: {  	s6 =	simm.s32 $0x110;
	v35 =	vmin.f32 v23, v63;
	v28 =	vsub.f32 v60, v28;
	v23 =	vadd.f32 v25, v25  }
0x1a9: {  	v21 =	vor.u32 s6, v0;
	[tilespmem:v41+s19+$0x0] =	vst.idx.msk vm1, v46;
	v36 =	vsub.f32 v59, v30;
	v26 =	vadd.f32 v29, v31  }
0x1aa: {  	vm3 =	vle.f32 v28, v16;
	v25 =	vadd.f32 v43, v15;
	v31 =	vsub.f32 v62, v23  }
0x1ab: {  	[tilespmem:v44+s21+$0x0] =	vst.idx.msk vm4, v27;
	v29 =	vsel vm3, $0x1, v6;
	vm2 =	vle.f32 v36, v16;
	v26 =	vadd.f32 v26, v26  }
0x1ac: {  	v27, _, _ =	vpop (xrf0);
	v34 =	vmax.f32 v32, v24;
	(xrf0) =	vadd.scan.msk.s32 $0xffff, v29;
	v30 =	vsel vm2, $0x1, v6;
	vm1 =	vle.f32 v31, v17  }
0x1ad: {  	v25 =	vsub.f32 v25, v26;
	(xrf0) =	vadd.scan.msk.s32 $0xffff, v30;
	v26 =	vadd.s32 v27, v18;
	v27 =	vsel vm1, $0x1, v6  }
0x1ae: {  	[tilespmem:v40+s19+$0x0] =	vst.idx.msk vm5, v21;
	v29 =	vadd.s32 v18, v38;
	v23 =	vmpcnt.ones.xlane vm3;
	v33 =	vadd.s32 $0xFFFFFFFF, v26  }
0x1af: {  	[tilespmem:v44+s22+$0x0] =	vst.idx.msk vm4, v46;
	v37 =	vmpcnt.ones.xlane vm2;
	v30 =	vmpcnt.ones.xlane vm1;
	vm4 =	vle.f32 v25, v17  }
0x1b0: {  	s7 =	simm.s32 $0x1150;
	s8 =	simm.s32 $0x150;
	s6 =	simm.s32 $0x12;
	v26 =	vmax.f32 v31, $0.0e+00;
	(xrf0) =	vadd.scan.msk.s32 $0xffff, v27;
	v31 =	vsel vm4, $0x1, v6;
	v18 =	vmpcnt.ones.xlane vm4;
	v27 =	vmovc v19  }
.LBB2_9:
0x1b1: {  	v38 =	vld [tilespmem:s7+$0x0];
	s6 =	sadd.s32 $0x2, s6;
	v36 =	vmax.f32 v36, $0.0e+00;
	s4 =	sadd.s32 $0x20, s4;
	v32 =	vmin.f32 v32, v24;
	v35 =	vmin.f32 v35, v34;
	s3 =	sadd.s32 $0x20, s3  }
0x1b2: {  	v19 =	vadd.s32 v19, v37;
	v34 =	vld [tilespmem:s4+$0x0];
	p0 =	slt.u32 s6, $0x3E;
	v37 =	vmax.f32 v22, v36;
	v22 =	vmin.f32 v22, v36;
	v39, _, _ =	vpop (xrf0)  }
0x1b3: {  	v28 =	vmax.f32 v28, $0.0e+00;
	v40 =	vld [tilespmem:s4+$0xFFFFFFF0];
	v39 =	vadd.s32 v39, v19;
	v19 =	vadd.s32 v19, v23;
	v23, _, _ =	vpop (xrf0);
	[tilespmem:v33+s21+$0x0] =	vst.idx.msk vm0, v24  }
0x1b4: {  	v41 =	vmax.f32 v22, v28;
	v24 =	vld [tilespmem:s8+$0xFFFFFFF0];
	v23 =	vadd.s32 v23, v27;
	v39 =	vadd.s32 $0xFFFFFFFF, v39;
	[tilespmem:v33+s22+$0x0] =	vst.idx.msk vm0, v21  }
0x1b5: {  	v20 =	vmin.f32 v20, v37;
	v22 =	vmin.f32 v22, v28;
	v27 =	vmovc v19;
	v33 =	vld [tilespmem:s8+$0x0];
	v23 =	vadd.s32 $0xFFFFFFFF, v23  }
0x1b6: {  	s5 =	sadd.s32 $0x20, s5;
	vm5 =	vmmov vm3;
	v20 =	vmin.f32 v20, v41;
	vm0 =	vmmov vm4;
	v37 =	vld [tilespmem:s7+$0xFFFFFFF0];
	v21, _, _ =	vpop (xrf0)  }
0x1b7: {  	v42 =	vmul.f32 v38, v9;
	v41 =	vld [tilespmem:s5+$0xFFFFFFF0];
	v21 =	vadd.s32 v21, v29  }
0x1b8: {  	s9 =	sadd.s32 $0x10, s3;
	v43 =	vmul.f32 v40, v10;
	v44 =	vld [tilespmem:s5+$0x0];
	v45 =	vadd.s32 $0xFFFFFFFF, v21  }
0x1b9: {  	v46 =	vmul.f32 v34, v10;
	v29 =	vadd.s32 v29, v30;
	v21 =	vor.u32 s9, v0;
	[tilespmem:v39+s0+$0x0] =	vst.idx.msk vm3, v28  }
0x1ba: {  	v47 =	vor.u32 s3, v0;
	v28 =	vmul.f32 v24, v12;
	v30 =	vmul.f32 v33, v8;
	[tilespmem:v23+s0+$0x0] =	vst.idx.msk vm2, v36  }
0x1bb: {  	v36 =	vmul.f32 v24, v8;
	v24 =	vmax.f32 v25, $0.0e+00;
	v48 =	vmul.f32 v37, v9;
	[tilespmem:v23+s19+$0x0] =	vst.idx.msk vm2, v47  }
0x1bc: {  	v25 =	vmul.f32 v40, v14;
	v23 =	vadd.f32 v41, v11;
	v30 =	vadd.f32 v42, v30  }
0x1bd: {  	v37 =	vmul.f32 v37, v13;
	v36 =	vadd.f32 v48, v36;
	v40 =	vadd.f32 v44, v11;
	(xrf0) =	vadd.scan.msk.s32 $0xffff, v31  }
0x1be: {  	v31 =	vmul.f32 v33, v12;
	v33 =	vmul.f32 v38, v13;
	v30 =	vadd.f32 v46, v30  }
0x1bf: {  	v38 =	vadd.f32 v41, v15;
	v41 =	vmax.f32 v32, v26;
	v36 =	vadd.f32 v43, v36  }
0x1c0: {  	v28 =	vadd.f32 v37, v28;
	v37 =	vmul.f32 v34, v14;
	v42 =	vadd.f32 v30, v30  }
0x1c1: {  	v32 =	vmin.f32 v32, v26;
	v31 =	vadd.f32 v33, v31;
	v36 =	vadd.f32 v36, v36  }
0x1c2: {  	v34 =	vmax.f32 v32, v24;
	v25 =	vadd.f32 v25, v28;
	v28 =	vsub.f32 v40, v42  }
0x1c3: {  	v35 =	vmin.f32 v35, v41;
	v36 =	vsub.f32 v23, v36;
	v23 =	vadd.f32 v37, v31;
	v30, _, _ =	vpop (xrf0)  }
0x1c4: {  	v25 =	vadd.f32 v25, v25;
	v31 =	vadd.f32 v44, v15;
	vm3 =	vle.f32 v28, v16  }
0x1c5: {  	vm2 =	vle.f32 v36, v16;
	v23 =	vadd.f32 v23, v23;
	v33 =	vsel vm3, $0x1, v6;
	[tilespmem:v45+s21+$0x0] =	vst.idx.msk vm1, v26  }
.Ltmp7:
0x1c6: {  	v26 =	vsub.f32 v38, v25;
	v38 =	vsel vm2, $0x1, v6;
	v37 =	vmpcnt.ones.xlane vm2;
	(xrf0) =	vadd.scan.msk.s32 $0xffff, v33;
	(pc) =	sbr.rel @p0 .LBB2_9-.Ltmp7, $4  }
0x1c7: {  	v30 =	vadd.s32 v30, v29;
	v25 =	vsub.f32 v31, v23;
	v23 =	vmpcnt.ones.xlane vm3;
	(xrf0) =	vadd.scan.msk.s32 $0xffff, v38  }
0x1c8: {  	v29 =	vadd.s32 v29, v18;
	v33 =	vadd.s32 $0xFFFFFFFF, v30;
	[tilespmem:v45+s22+$0x0] =	vst.idx.msk vm1, v47;
	vm1 =	vle.f32 v26, v17  }
0x1c9: {  	v38 =	vsel vm1, $0x1, v6;
	v30 =	vmpcnt.ones.xlane vm1;
	vm4 =	vle.f32 v25, v17;
	[tilespmem:v39+s19+$0x0] =	vst.idx.msk vm5, v21  }
0x1ca: {  	s8 =	sadd.s32 $0x20, s8;
	s7 =	sadd.s32 $0x20, s7;
	v26 =	vmax.f32 v26, $0.0e+00;
	v31 =	vsel vm4, $0x1, v6;
	v18 =	vmpcnt.ones.xlane vm4;
	(xrf0) =	vadd.scan.msk.s32 $0xffff, v38  }
0x1cb: {  	v16 =	vmax.f32 v36, $0.0e+00;
	v17 =	vmin.f32 v32, v24;
	v53 =	vmin.f32 v35, v34  }
0x1cc: {  	v55 =	vmax.f32 v28, $0.0e+00;
	v57 =	vmax.f32 v25, $0.0e+00;
	v54 =	vmin.f32 v22, v16  }
0x1cd: {  	v22 =	vmax.f32 v22, v16;
	v56 =	vmax.f32 v54, v55;
	v28 =	vmin.f32 v54, v55  }
0x1ce: {  	v20 =	vmin.f32 v20, v22;
	v22 =	vmin.f32 v17, v26;
	v17 =	vmax.f32 v17, v26  }
0x1cf: {  	(xrf1) =	vsort.ascd.msk.f32 $0xffff, v28, v28;
	v20 =	vmin.f32 v20, v56;
	v58 =	vmax.f32 v22, v57  }
0x1d0: {  	v17 =	vmin.f32 v53, v17;
	v25 =	vmin.f32 v22, v57;
	(xrf1) =	vsort.ascd.msk.f32 $0xffff, v20, v20  }
0x1d1: {  	v22 =	vmin.f32 v17, v58;
	(xrf1) =	vsort.ascd.msk.f32 $0xffff, v25, v25  }
0x1d2: {  	(xrf1) =	vsort.ascd.msk.f32 $0xffff, v22, v22;
	_ =	sdelay $0x3  }
0x1d3: {  	v19 =	vadd.s32 v19, v37;
	v17, _, _ =	vpop (xrf0);
	(xrf0) =	vadd.scan.msk.s32 $0xffff, v31  }
0x1d4: {  	v17 =	vadd.s32 v17, v19;
	v31, _, _ =	vpop (xrf0)  }
0x1d5: {  	v27 =	vadd.s32 v31, v27;
	v17 =	vadd.s32 $0xFFFFFFFF, v17  }
0x1d6: {  	v31, _, _ =	vpop (xrf0);
	v27 =	vadd.s32 $0xFFFFFFFF, v27  }
0x1d7: {  	v31 =	vadd.s32 v31, v29  }
0x1d8: {  	[tilespmem:v33+s21+$0x0] =	vst.idx.msk vm0, v24;
	v24 =	vadd.s32 $0xFFFFFFFF, v31  }
0x1d9: {  	[tilespmem:v33+s22+$0x0] =	vst.idx.msk vm0, v21;
	v21 =	vadd.s32 v29, v30;
	v29, _, _ =	vpop (xrf0)  }
0x1da: {  	s3 =	sadd.s32 $0x20, s3;
	vm4 =	vmmov vm4;
	[tilespmem:v17+s0+$0x0] =	vst.idx.msk vm3, v55;
	v29 =	vadd.s32 v29, v21;
	v59, _, _ =	vpop (xrf1)  }
0x1db: {  	v60 =	vor.u32 s3, v0;
	[tilespmem:v27+s0+$0x0] =	vst.idx.msk vm2, v16;
	v16 =	vadd.s32 $0xFFFFFFFF, v29;
	v30, _, _ =	vpop (xrf1)  }
0x1dc: {  	[tilespmem:v27+s19+$0x0] =	vst.idx.msk vm2, v60;
	v31, _, _ =	vpop (xrf1)  }
0x1dd: {  	s3 =	sadd.s32 $0x10, s3;
	[tilespmem:v24+s21+$0x0] =	vst.idx.msk vm1, v26;
	v29, _, _ =	vpop (xrf1)  }
0x1de: {  	[tilespmem:v24+s22+$0x0] =	vst.idx.msk vm1, v60;
	v26 =	vperm.xlane v29, v4;
	v29 =	vor.u32 s3, v0  }
0x1df: {  	v27 =	vperm.xlane v30, v4;
	[tilespmem:v17+s19+$0x0] =	vst.idx.msk vm3, v29  }
0x1e0: {  	[tilespmem:v16+s21+$0x0] =	vst.idx.msk vm4, v57  }
0x1e1: {  	s4 =	simm.s32 $0x2410;
	v24 =	vmax.f32 v59, v27;
	[tilespmem:v16+s22+$0x0] =	vst.idx.msk vm4, v29  }
0x1e2: {  	s5 =	simm.s32 $0x410;
	v17 =	vsub.f32 $0.0e+00, v24;
	v24 =	vmax.f32 v31, v26;
	v26 =	vld [tilespmem:s4+$0x0]  }
0x1e3: {  	v27 =	vld [tilespmem:s5+$0xFFFFFFF0]  }
0x1e4: {  	s10 =	simm.s32 $0x1410;
	v24 =	vsub.f32 $0.0e+00, v24;
	v29 =	vld [tilespmem:s5+$0x0]  }
0x1e5: {  	(xrf0) =	vmax.scan.msk.f32 $0xffff, v17;
	v30 =	vld [tilespmem:s10+$0xFFFFFFF0]  }
0x1e6: {  	(xrf0) =	vmax.scan.msk.f32 $0xffff, v24;
	v24 =	vld [tilespmem:s10+$0x0]  }
0x1e7: {  	s11 =	simm.s32 $0x3410;
	v31 =	vld [tilespmem:s4+$0xFFFFFFF0]  }
0x1e8: {  	v61 =	vld [tilespmem:s11+$0xFFFFFFF0]  }
0x1e9: {  	v33 =	vld [tilespmem:s11+$0x0]  }
0x1ea: {  	v63 =	vmul.f32 v29, v8;
	v42 =	vmul.f32 v27, v8  }
0x1eb: {  	v43 =	vmul.f32 v30, v9;
	v62 =	vmul.f32 v24, v9  }
0x1ec: {  	v38 =	vmul.f32 v31, v10;
	v39 =	vmul.f32 v26, v10  }
0x1ed: {  	v27 =	vmul.f32 v27, v12;
	v44 =	vadd.f32 v61, v11;
	v34 =	vadd.f32 v62, v63  }
0x1ee: {  	v16, _, _ =	vpop (xrf0);
	v30 =	vmul.f32 v30, v13;
	v45 =	vadd.f32 v33, v11;
	v36 =	vadd.f32 v43, v42  }
0x1ef: {  	v29 =	vmul.f32 v29, v12;
	v16 =	vperm.xlane v16, v5;
	v34 =	vadd.f32 v39, v34  }
0x1f0: {  	v24 =	vmul.f32 v24, v13;
	v27 =	vadd.f32 v30, v27;
	v36 =	vadd.f32 v38, v36  }
0x1f1: {  	s12 =	simm.s32 $0x1430;
	v31 =	vmul.f32 v31, v14;
	v16 =	vsub.f32 $0.0e+00, v16;
	v30 =	vadd.f32 v34, v34  }
0x1f2: {  	v49 =	vld [tilespmem:s12+$0x0];
	s4 =	simm.s32 $0x2430;
	v26 =	vmul.f32 v26, v14;
	v24 =	vadd.f32 v24, v29;
	v46 =	vadd.f32 v36, v36  }
0x1f3: {  	s13 =	simm.s32 $0x430;
	vm0 =	vmmov vm3;
	v53 =	vld [tilespmem:s4+$0xFFFFFFF0];
	v27 =	vadd.f32 v31, v27;
	v29 =	vsub.f32 v45, v30  }
0x1f4: {  	v19 =	vadd.s32 v19, v23;
	v41 =	vld [tilespmem:s13+$0x0];
	s5 =	simm.s32 $0x3430;
	v24 =	vadd.f32 v26, v24;
	v31 =	vsub.f32 v44, v46  }
0x1f5: {  	v17, _, _ =	vpop (xrf0);
	v43 =	vld [tilespmem:s5+$0x0];
	v26 =	vadd.f32 v27, v27;
	v30 =	vadd.f32 v61, v15;
	vm2 =	vle.f32 v29, v16  }
0x1f6: {  	v51 =	vld [tilespmem:s4+$0x0];
	v17 =	vperm.xlane v17, v5;
	vm1 =	vle.f32 v31, v16;
	v47 =	vsel vm2, $0x1, v6  }
0x1f7: {  	v21 =	vadd.s32 v21, v18;
	v26 =	vsub.f32 v30, v26;
	v30 =	vsel vm1, $0x1, v6;
	(xrf0) =	vadd.scan.msk.s32 $0xffff, v47  }
0x1f8: {  	v57 =	vmul.f32 v49, v9;
	v58 =	vmul.f32 v53, v10;
	v17 =	vsub.f32 $0.0e+00, v17;
	(xrf0) =	vadd.scan.msk.s32 $0xffff, v30  }
0x1f9: {  	v27 =	vadd.f32 v33, v15;
	v36 =	vmul.f32 v53, v14;
	v23 =	vmpcnt.ones.xlane vm1  }
0x1fa: {  	v33 =	vmul.f32 v49, v13;
	v24 =	vadd.f32 v24, v24;
	v60 =	vadd.f32 v43, v11  }
0x1fb: {  	v34 =	vmul.f32 v51, v14;
	v46 =	vmul.f32 v41, v8;
	vm4 =	vle.f32 v26, v17  }
0x1fc: {  	v41 =	vmul.f32 v41, v12;
	v24 =	vsub.f32 v27, v24;
	v18 =	vsel vm4, $0x1, v6  }
0x1fd: {  	v45 =	vmul.f32 v51, v10;
	v31 =	vmax.f32 v31, $0.0e+00;
	(xrf0) =	vadd.scan.msk.s32 $0xffff, v18;
	v18 =	vadd.s32 v19, v23;
	v23, _, _ =	vpop (xrf0)  }
0x1fe: {  	v35 =	vadd.f32 v57, v46;
	v33 =	vadd.f32 v33, v41;
	v27 =	vmpcnt.ones.xlane vm2;
	v54, _, _ =	vpop (xrf0)  }
0x1ff: {  	v55 =	vld [tilespmem:s13+$0xFFFFFFF0];
	vm0 =	vle.f32 v24, v17;
	v52 =	vmax.f32 v28, v31;
	v19 =	vadd.s32 v54, v19  }
0x200: {  	v23 =	vadd.s32 v23, v18;
	v18 =	vadd.s32 v18, v27;
	v27 =	vld [tilespmem:s12+$0xFFFFFFF0];
	v42 =	vadd.s32 $0xFFFFFFFF, v19  }
0x201: {  	v28 =	vmin.f32 v28, v31;
	v29 =	vmax.f32 v29, $0.0e+00;
	v40 =	vadd.s32 $0xFFFFFFFF, v23  }
0x202: {  	v56 =	vmax.f32 v28, v29;
	v30 =	vmpcnt.ones.xlane vm4;
	v23 =	vmin.f32 v28, v29;
	v28 =	vld [tilespmem:s5+$0xFFFFFFF0]  }
0x203: {  	v48 =	vsel vm0, $0x1, v6;
	v50 =	vmpcnt.ones.xlane vm0;
	v19 =	vmin.f32 v20, v52;
	v20, _, _ =	vpop (xrf0)  }
0x204: {  	v35 =	vadd.f32 v45, v35;
	v30 =	vadd.s32 v21, v30;
	v20 =	vadd.s32 v20, v21  }
0x205: {  	vm5 =	vmmov vm2;
	v59 =	vmul.f32 v27, v9;
	[tilespmem:v42+s0+$0x0] =	vst.idx.msk vm1, v31;
	v31 =	vmul.f32 v55, v8  }
0x206: {  	vm0 =	vmmov vm0;
	v27 =	vmul.f32 v27, v13;
	[tilespmem:v40+s0+$0x0] =	vst.idx.msk vm2, v29;
	v29 =	vmul.f32 v55, v12  }
0x207: {  	v21 =	vmax.f32 v24, $0.0e+00;
	v24 =	vadd.f32 v28, v11;
	v31 =	vadd.f32 v59, v31  }
0x208: {  	v26 =	vmax.f32 v26, $0.0e+00;
	v61 =	vadd.f32 v28, v15;
	v28 =	vadd.f32 v27, v29  }
0x209: {  	v62 =	vmax.f32 v25, v26;
	v44 =	vadd.s32 $0xFFFFFFFF, v20;
	v31 =	vadd.f32 v58, v31  }
0x20a: {  	s3 =	simm.s32 $0x400;
	(xrf0) =	vadd.scan.msk.s32 $0xffff, v48;
	v29 =	vadd.f32 v35, v35;
	v27 =	vmin.f32 v25, v26;
	v25 =	vadd.f32 v36, v28  }
0x20b: {  	v47 =	vor.u32 s3, v0;
	v19 =	vmin.f32 v19, v56;
	v31 =	vadd.f32 v31, v31  }
0x20c: {  	s6 =	simm.s32 $0x410;
	v32 =	vsub.f32 v60, v29;
	v29 =	vmin.f32 v22, v62;
	v22 =	vadd.f32 v25, v25  }
0x20d: {  	v20 =	vor.u32 s6, v0;
	[tilespmem:v42+s19+$0x0] =	vst.idx.msk vm1, v47;
	v35 =	vsub.f32 v24, v31;
	v24 =	vadd.f32 v34, v33  }
0x20e: {  	v25 =	vadd.f32 v43, v15;
	vm3 =	vle.f32 v32, v16;
	v22 =	vsub.f32 v61, v22  }
0x20f: {  	[tilespmem:v44+s21+$0x0] =	vst.idx.msk vm4, v26;
	v31 =	vsel vm3, $0x1, v6;
	vm2 =	vle.f32 v35, v16;
	v24 =	vadd.f32 v24, v24  }
0x210: {  	v26, _, _ =	vpop (xrf0);
	v28 =	vmax.f32 v27, v21;
	(xrf0) =	vadd.scan.msk.s32 $0xffff, v31;
	vm1 =	vle.f32 v22, v17;
	v63 =	vsel vm2, $0x1, v6  }
0x211: {  	v25 =	vsub.f32 v25, v24;
	(xrf0) =	vadd.scan.msk.s32 $0xffff, v63;
	v24 =	vadd.s32 v26, v30;
	v26 =	vsel vm1, $0x1, v6  }
0x212: {  	[tilespmem:v40+s19+$0x0] =	vst.idx.msk vm5, v20;
	v36 =	vmpcnt.ones.xlane vm3;
	v31 =	vmpcnt.ones.xlane vm1;
	v34 =	vadd.s32 $0xFFFFFFFF, v24  }
0x213: {  	[tilespmem:v44+s22+$0x0] =	vst.idx.msk vm4, v47;
	v37 =	vmpcnt.ones.xlane vm2;
	v30 =	vadd.s32 v30, v50;
	vm4 =	vle.f32 v25, v17  }
0x214: {  	s7 =	simm.s32 $0x1450;
	s8 =	simm.s32 $0x450;
	s6 =	simm.s32 $0x42;
	v24 =	vmax.f32 v22, $0.0e+00;
	(xrf0) =	vadd.scan.msk.s32 $0xffff, v26;
	v33 =	vsel vm4, $0x1, v6;
	v22 =	vmpcnt.ones.xlane vm4;
	v26 =	vmovc v18  }
.LBB2_11:
0x215: {  	v38 =	vld [tilespmem:s7+$0x0];
	s6 =	sadd.s32 $0x2, s6;
	v35 =	vmax.f32 v35, $0.0e+00;
	s4 =	sadd.s32 $0x20, s4;
	v27 =	vmin.f32 v27, v21;
	v29 =	vmin.f32 v29, v28;
	s3 =	sadd.s32 $0x20, s3  }
0x216: {  	v18 =	vadd.s32 v18, v37;
	v28 =	vld [tilespmem:s4+$0x0];
	p0 =	slt.u32 s6, $0xFE;
	v37 =	vmax.f32 v23, v35;
	v23 =	vmin.f32 v23, v35;
	v39, _, _ =	vpop (xrf0)  }
0x217: {  	v32 =	vmax.f32 v32, $0.0e+00;
	v40 =	vld [tilespmem:s4+$0xFFFFFFF0];
	v39 =	vadd.s32 v39, v18;
	v18 =	vadd.s32 v18, v36;
	v36, _, _ =	vpop (xrf0);
	[tilespmem:v34+s21+$0x0] =	vst.idx.msk vm0, v21  }
0x218: {  	v21 =	vld [tilespmem:s8+$0xFFFFFFF0];
	v42 =	vadd.s32 v36, v26;
	v39 =	vadd.s32 $0xFFFFFFFF, v39;
	v36 =	vmax.f32 v23, v32;
	[tilespmem:v34+s22+$0x0] =	vst.idx.msk vm0, v20  }
0x219: {  	v19 =	vmin.f32 v19, v37;
	v23 =	vmin.f32 v23, v32;
	v26 =	vmovc v18;
	v34 =	vld [tilespmem:s8+$0x0];
	v41 =	vadd.s32 $0xFFFFFFFF, v42  }
0x21a: {  	s5 =	sadd.s32 $0x20, s5;
	vm5 =	vmmov vm3;
	vm0 =	vmmov vm4;
	v19 =	vmin.f32 v19, v36;
	v37 =	vld [tilespmem:s7+$0xFFFFFFF0];
	v20, _, _ =	vpop (xrf0)  }
0x21b: {  	v42 =	vmul.f32 v38, v9;
	v36 =	vld [tilespmem:s5+$0xFFFFFFF0];
	v20 =	vadd.s32 v20, v30  }
0x21c: {  	s9 =	sadd.s32 $0x10, s3;
	v43 =	vmul.f32 v40, v10;
	v44 =	vld [tilespmem:s5+$0x0];
	v45 =	vadd.s32 $0xFFFFFFFF, v20  }
0x21d: {  	v46 =	vmul.f32 v28, v10;
	v30 =	vadd.s32 v30, v31;
	v20 =	vor.u32 s9, v0;
	[tilespmem:v39+s0+$0x0] =	vst.idx.msk vm3, v32  }
0x21e: {  	v47 =	vor.u32 s3, v0;
	v31 =	vmul.f32 v21, v12;
	v32 =	vmul.f32 v34, v8;
	[tilespmem:v41+s0+$0x0] =	vst.idx.msk vm2, v35  }
0x21f: {  	v35 =	vmul.f32 v21, v8;
	v21 =	vmax.f32 v25, $0.0e+00;
	v48 =	vmul.f32 v37, v9;
	[tilespmem:v41+s19+$0x0] =	vst.idx.msk vm2, v47  }
0x220: {  	v40 =	vmul.f32 v40, v14;
	v25 =	vadd.f32 v36, v11;
	v32 =	vadd.f32 v42, v32  }
0x221: {  	v37 =	vmul.f32 v37, v13;
	v35 =	vadd.f32 v48, v35;
	v41 =	vadd.f32 v44, v11;
	(xrf0) =	vadd.scan.msk.s32 $0xffff, v33  }
0x222: {  	v33 =	vmul.f32 v34, v12;
	v34 =	vmul.f32 v38, v13;
	v32 =	vadd.f32 v46, v32  }
0x223: {  	v36 =	vadd.f32 v36, v15;
	v38 =	vmax.f32 v27, v24;
	v35 =	vadd.f32 v43, v35  }
0x224: {  	v31 =	vadd.f32 v37, v31;
	v37 =	vmul.f32 v28, v14;
	v32 =	vadd.f32 v32, v32  }
0x225: {  	v27 =	vmin.f32 v27, v24;
	v34 =	vadd.f32 v34, v33;
	v35 =	vadd.f32 v35, v35  }
0x226: {  	v28 =	vmax.f32 v27, v21;
	v31 =	vadd.f32 v40, v31;
	v32 =	vsub.f32 v41, v32  }
0x227: {  	v29 =	vmin.f32 v29, v38;
	v35 =	vsub.f32 v25, v35;
	v25 =	vadd.f32 v37, v34;
	v33, _, _ =	vpop (xrf0)  }
0x228: {  	v31 =	vadd.f32 v31, v31;
	v34 =	vadd.f32 v44, v15;
	vm3 =	vle.f32 v32, v16  }
0x229: {  	vm2 =	vle.f32 v35, v16;
	v25 =	vadd.f32 v25, v25;
	v38 =	vsel vm3, $0x1, v6;
	[tilespmem:v45+s21+$0x0] =	vst.idx.msk vm1, v24  }
.Ltmp8:
0x22a: {  	v24 =	vsub.f32 v36, v31;
	v31 =	vsel vm2, $0x1, v6;
	v37 =	vmpcnt.ones.xlane vm2;
	(xrf0) =	vadd.scan.msk.s32 $0xffff, v38;
	(pc) =	sbr.rel @p0 .LBB2_11-.Ltmp8, $4  }
0x22b: {  	v36 =	vmpcnt.ones.xlane vm3;
	v25 =	vsub.f32 v34, v25;
	(xrf0) =	vadd.scan.msk.s32 $0xffff, v31;
	v31 =	vadd.s32 v33, v30  }
0x22c: {  	v30 =	vadd.s32 v30, v22;
	[tilespmem:v45+s22+$0x0] =	vst.idx.msk vm1, v47;
	vm1 =	vle.f32 v24, v17;
	v34 =	vadd.s32 $0xFFFFFFFF, v31  }
0x22d: {  	v38 =	vsel vm1, $0x1, v6;
	v31 =	vmpcnt.ones.xlane vm1;
	vm4 =	vle.f32 v25, v17;
	[tilespmem:v39+s19+$0x0] =	vst.idx.msk vm5, v20  }
0x22e: {  	s8 =	sadd.s32 $0x20, s8;
	s7 =	sadd.s32 $0x20, s7;
	v24 =	vmax.f32 v24, $0.0e+00;
	v33 =	vsel vm4, $0x1, v6;
	v22 =	vmpcnt.ones.xlane vm4;
	(xrf0) =	vadd.scan.msk.s32 $0xffff, v38  }
0x22f: {  	v8 =	vmax.f32 v35, $0.0e+00  }
0x230: {  	v11 =	vmax.f32 v32, $0.0e+00;
	v9 =	vmax.f32 v23, v8;
	v10 =	vmin.f32 v23, v8  }
0x231: {  	v9 =	vmin.f32 v19, v9;
	v12 =	vmax.f32 v10, v11;
	v10 =	vmin.f32 v10, v11  }
0x232: {  	v9 =	vmin.f32 v9, v12;
	(xrf1) =	vsort.ascd.msk.f32 $0xffff, v10, v10;
	v10 =	vadd.s32 v18, v37  }
0x233: {  	(xrf1) =	vsort.ascd.msk.f32 $0xffff, v9, v9;
	v9 =	vadd.s32 v10, v36  }
0x234: {  	(v2sf) =	vpush v9, $0x0;
	_ =	sdelay $0xc  }
0x235: {  	v14, _, _ =	vpop (xrf0)  }
0x236: {  	v10 =	vadd.s32 v14, v10;
	v14, _, _ =	vpop (xrf0)  }
0x237: {  	v12, _, _ =	vpop (xrf1);
	s4 =	spop (v2sf)  }
0x238: {  	v13, _, _ =	vpop (xrf1);
	s4 =	sadd.s32 $0xF, s4  }
0x239: {  	(xrf0) =	vadd.scan.msk.s32 $0xffff, v33;
	v14 =	vadd.s32 v14, v26;
	v13 =	vperm.xlane v13, v4;
	s5 =	sand.u32 $0xF, s4  }
0x23a: {  	s10 =	sshra.s32 s4, $0x1F;
	p1 =	slt.s32 s4, $0x1;
	p0 =	sne.s32 s5, $0x0  }
0x23b: {  	s6 =	sadd.s32 $0x20, s3;
	v10 =	vadd.s32 $0xFFFFFFFF, v10;
	v12 =	vmax.f32 v12, v13;
	s11 =	sshrl.u32 s10, $0x1C;
	p0 =	por !p1, !p0  }
0x23c: {  	v13 =	vadd.s32 $0xFFFFFFFF, v14;
	v14, _, _ =	vpop (xrf0);
	v12 =	vsub.f32 $0.0e+00, v12;
	s3 =	sadd.s32 s11, s4;
	s4 =	simm.s32 $0x1;
	p0 =	por !p0, !p0  }
0x23d: {  	v14 =	vadd.s32 v14, v30;
	s3 =	sshra.s32 s3, $0x4;
	s4 =	simm.s32 @!p0 $0x0  }
0x23e: {  	[tilespmem:v34+s21+$0x0] =	vst.idx.msk vm0, v21;
	v14 =	vadd.s32 $0xFFFFFFFF, v14;
	(xrf0) =	vmax.scan.msk.f32 $0xffff, v12;
	s3 =	ssub.s32 s3, s4  }
0x23f: {  	[tilespmem:v34+s22+$0x0] =	vst.idx.msk vm0, v20;
	v15, _, _ =	vpop (xrf0);
	v12 =	vadd.s32 v30, v31;
	s13 =	sshrl.u32 s3, $0x1F  }
0x240: {  	[tilespmem:v10+s0+$0x0] =	vst.idx.msk vm3, v11;
	v11 =	vadd.s32 v15, v12;
	s4 =	sadd.s32 s13, s3  }
0x241: {  	v15 =	vor.u32 s6, v0;
	[tilespmem:v13+s0+$0x0] =	vst.idx.msk vm2, v8;
	v16 =	vadd.s32 $0xFFFFFFFF, v11;
	v8 =	vmin.f32 v27, v21;
	s4 =	sand.u32 $0xFFFFFFFE, s4  }
0x242: {  	s12 =	sadd.s32 $0x10, s6;
	[tilespmem:v13+s19+$0x0] =	vst.idx.msk vm2, v15;
	p0 =	slt.s32 s4, $0x1  }
.Ltmp9:
0x243: {  	v11 =	vmin.f32 v29, v28;
	v13 =	vor.u32 s12, v0;
	v62 =	vmax.f32 v8, v24;
	[tilespmem:v14+s21+$0x0] =	vst.idx.msk vm1, v24;
	(pc) =	sbr.rel @p0 .LBB2_13-.Ltmp9, $4  }
0x244: {  	v17 =	vmax.f32 v25, $0.0e+00;
	v63 =	vmin.f32 v8, v24;
	[tilespmem:v10+s19+$0x0] =	vst.idx.msk vm3, v13;
	v11 =	vmin.f32 v11, v62;
	v8, _, _ =	vpop (xrf0)  }
0x245: {  	vm5 =	vmmov vm3;
	[tilespmem:v14+s22+$0x0] =	vst.idx.msk vm1, v15;
	v14 =	vmax.f32 v63, v17;
	v15 =	vperm.xlane v8, v5  }
0x246: {  	vm15 =	vmmov vm4;
	v10 =	vmin.f32 v63, v17;
	v11 =	vmin.f32 v11, v14;
	[tilespmem:v16+s21+$0x0] =	vst.idx.msk vm4, v17  }
0x247: {  	v8 =	vadd.s32 v12, v22;
	[tilespmem:v16+s22+$0x0] =	vst.idx.msk vm4, v13;
	v13 =	vimm.s32 $0x0;
	v12 =	vsub.f32 $0.0e+00, v15  }
0x248: {  	p2 =	sgt.s32 s4, $0x2  }
.Ltmp10:
0x249: {  	_ = 	snop;
	(pc) =	sbr.rel @!p2 .LBB2_19-.Ltmp10, $3  }
0x24a: {  	_ =	sdelay $0x1  }
0x24b: {  	s7 =	simm.s32 $0x7E10;
	s5 =	simm.s32 $0x8E10  }
0x24c: {  	s6 =	simm.s32 $0x10;
	p0 =	por $0x0, $0x0;
	p1 =	por $0x0, $0x0  }
0x24d: {  	v14 =	vld [tilespmem:s7+$0xFFFFFFF0]  }
0x24e: {  	v15 =	vld [tilespmem:s7+$0x0];
	_ =	sdelay $0x1  }
0x24f: {  	s8 =	simm.s32 $0x0;
	p2 =	sgt.s32 s4, $0x4  }
.Ltmp11:
0x250: {  	v16 =	vor.u32 s8, v0;
	(pc) =	sbr.rel @!p2 .LBB2_21-.Ltmp11, $4  }
0x251: {  	vm1 =	vlt.s32 v16, v9;
	v16 =	vor.u32 s6, v0;
	vm0 =	vle.f32 v14, v12  }
0x252: {  	vm2 =	vlt.s32 v16, v9;
	vm0 =	vmand vm1, vm0;
	vm1 =	vle.f32 v15, v12  }
0x253: {  	v16 =	vsel vm0, $0x1, v6;
	vm4 =	vmand vm2, vm1  }
0x254: {  	p0 =	por $0x1, $0x1;
	v19 =	vmpcnt.ones.xlane vm0;
	v23 =	vsel vm4, $0x1, v6;
	v20 =	vmpcnt.ones.xlane vm4;
	(xrf0) =	vadd.scan.msk.s32 $0xffff, v16  }
0x255: {  	s8 =	simm.s32 $0x7E30  }
0x256: {  	v24 =	vld [tilespmem:s8+$0xFFFFFFF0]  }
0x257: {  	(xrf0) =	vadd.scan.msk.s32 $0xffff, v23;
	v16 =	vld [tilespmem:s8+$0x0];
	_ =	sdelay $0x1  }
0x258: {  	vm2 =	vmmov vm0;
	s9 =	simm.s32 $0x20;
	vm3 =	vmmov vm4;
	p2 =	sgt.s32 s4, $0x6;
	v17 =	vadd.s32 v13, v19  }
.Ltmp12:
0x259: {  	s10 =	simm.s32 $0x30;
	vm1 =	vmmov vm0;
	v19 =	vor.u32 s9, v0;
	v18 =	vadd.s32 v17, v20;
	(pc) =	sbr.rel @!p2 .LBB2_23-.Ltmp12, $4  }
0x25a: {  	vm4 =	vlt.s32 v19, v9;
	v19 =	vor.u32 s10, v0;
	vm0 =	vle.f32 v24, v12  }
0x25b: {  	vm5 =	vlt.s32 v19, v9;
	v21, _, _ =	vpop (xrf0);
	vm0 =	vmand vm4, vm0;
	vm4 =	vle.f32 v16, v12  }
0x25c: {  	v22, _, _ =	vpop (xrf0);
	v25 =	vsel vm0, $0x1, v6;
	v19 =	vmpcnt.ones.xlane vm0;
	vm4 =	vmand vm5, vm4  }
0x25d: {  	s11 =	simm.s32 $0x6;
	p1 =	por $0x1, $0x1;
	s9 =	simm.s32 $0x8E10;
	v23 =	vsel vm4, $0x1, v6;
	v20 =	vmpcnt.ones.xlane vm4;
	(xrf0) =	vadd.scan.msk.s32 $0xffff, v25;
	v25 =	vadd.s32 v21, v13;
	v21 =	vmovc v18  }
.LBB2_24:
0x25e: {  	v25 =	vadd.s32 $0xFFFFFFFF, v25;
	v22 =	vadd.s32 v22, v17  }
0x25f: {  	s11 =	sadd.s32 $0x2, s11;
	s8 =	sadd.s32 $0x20, s8;
	(xrf0) =	vadd.scan.msk.s32 $0xffff, v23;
	v23 =	vld [tilespmem:s9+$0xFFFFFFF0];
	v17 =	vadd.s32 v18, v19;
	v26 =	vmovc v16;
	vm5 =	vmmov vm2;
	vm2 =	vmmov vm0  }
0x260: {  	vm6 =	vmmov vm3;
	p2 =	slt.s32 s11, s4;
	v27 =	vld [tilespmem:s8+$0xFFFFFFF0];
	v18 =	vadd.s32 v17, v20;
	v20 =	vadd.s32 $0xFFFFFFFF, v22  }
0x261: {  	vm3 =	vmmov vm4;
	v16 =	vld [tilespmem:s8+$0x0]  }
0x262: {  	s10 =	sadd.s32 $0x20, s10;
	v28 =	vld [tilespmem:s9+$0x0]  }
0x263: {  	s12 =	sadd.s32 $0xFFFFFFF0, s10  }
.Ltmp13:
0x264: {  	v19 =	vor.u32 s12, v0;
	v29, _, _ =	vpop (xrf0);
	[tilespmem:v25+s23+$0x0] =	vst.idx.msk vm1, v14;
	v14 =	vmov v24;
	vm1 =	vmmov vm0;
	(pc) =	sbr.rel @p2 .LBB2_24-.Ltmp13, $4  }
0x265: {  	vm4 =	vlt.s32 v19, v9;
	v19 =	vor.u32 s10, v0;
	vm0 =	vle.f32 v27, v12;
	v22, _, _ =	vpop (xrf0);
	[tilespmem:v25+s24+$0x0] =	vst.idx.msk vm5, v23  }
0x266: {  	vm5 =	vlt.s32 v19, v9;
	vm0 =	vmand vm4, vm0;
	vm4 =	vle.f32 v16, v12;
	[tilespmem:v20+s23+$0x0] =	vst.idx.msk vm6, v15  }
0x267: {  	v24 =	vmovc v27;
	v15 =	vmovc v26;
	v25 =	vsel vm0, $0x1, v6;
	v19 =	vmpcnt.ones.xlane vm0;
	vm4 =	vmand vm5, vm4;
	[tilespmem:v20+s24+$0x0] =	vst.idx.msk vm6, v28  }
0x268: {  	s9 =	sadd.s32 $0x20, s9;
	v23 =	vsel vm4, $0x1, v6;
	v20 =	vmpcnt.ones.xlane vm4;
	(xrf0) =	vadd.scan.msk.s32 $0xffff, v25;
	v25 =	vadd.s32 v29, v21;
	v21 =	vmovc v18  }
0x269: {  	v26 =	vmov v14;
	v14 =	vmov v24  }
.LBB2_26:
0x26a: {  	s8 =	sadd.s32 @p0 $0x20, s8  }
0x26b: {  	s7 =	smov.u32 @p0 s8  }
0x26c: {  	v24 =	vld [tilespmem:s7+$0xFFFFFFF0]  }
0x26d: {  	v27 =	vld [tilespmem:s7+$0x0];
	s7 =	sadd.s32 @p0 $0x20, s10  }
0x26e: {  	s6 =	smov.u32 @p0 s7  }
0x26f: {  	s7 =	sadd.s32 $0xFFFFFFF0, s6  }
0x270: {  	(xrf0) =	vadd.scan.msk.s32 @p0 $0xffff, v23;
	v18 =	vadd.s32 @p0 v18, v19;
	v19 =	vadd.s32 @p1 $0xFFFFFFFF, v25;
	v56 =	vor.u32 s7, v0  }
0x271: {  	v17 =	vadd.s32 @p1 v22, v17;
	vm6 =	vlt.s32 v56, v9;
	vm5 =	vle.f32 v24, v12  }
0x272: {  	vm2 =	vmmov @p1 vm2;
	v28 =	vor.u32 s6, v0;
	vm6 =	vmand vm6, vm5  }
0x273: {  	v23, _, _ =	vpop @p0 (xrf0);
	vm8 =	vlt.s32 v28, v9;
	vm7 =	vle.f32 v27, v12;
	v57 =	vsel vm6, $0x1, v6  }
0x274: {  	v20 =	vadd.s32 @p0 v18, v20;
	v21 =	vadd.s32 @p0 v23, v21;
	vm13 =	vmand vm8, vm7;
	(xrf0) =	vadd.scan.msk.s32 $0xffff, v57  }
0x275: {  	v22 =	vld @p1 [tilespmem:s9+$0xFFFFFFF0];
	vm7 =	vmmov @p0 vm0;
	vm0 =	vmmov @p1 vm3;
	v58 =	vsel vm13, $0x1, v6  }
0x276: {  	v17 =	vadd.s32 @p1 $0xFFFFFFFF, v17;
	v18 =	vpsel p0, v18, v0;
	v23, _, _ =	vpop @p0 (xrf0);
	v21 =	vpsel p0, v21, v0;
	(xrf0) =	vadd.scan.msk.s32 $0xffff, v58  }
0x277: {  	v25 =	vld @p1 [tilespmem:s9+$0x0];
	s6 =	sadd.s32 @p1 $0x20, s9;
	s7 =	simm.s32 $0x8E10;
	v23 =	vpsel p0, v23, v0;
	vm3 =	vmmov @p0 vm4;
	vm4 =	vmmov @p0 vm7  }
0x278: {  	[tilespmem:v19+s23+$0x0] =	vst.idx.msk @p1 vm1, v26;
	s7 =	smov.u32 @p1 s6;
	v21 =	vadd.s32 @p0 $0xFFFFFFFF, v21;
	vm1 =	vmmov @p0 vm3;
	vm3 =	vmmov @p0 vm4  }
0x279: {  	v18 =	vadd.s32 @p0 v23, v18;
	v23 =	vld @p0 [tilespmem:s7+$0xFFFFFFF0];
	v59 =	vmpcnt.ones.xlane vm6;
	vm1 =	vmmov @p0 vm1  }
0x27a: {  	v14 =	vpsel p0, v14, v0;
	v13 =	vpsel p0, v20, v13;
	[tilespmem:v19+s24+$0x0] =	vst.idx.msk @p1 vm2, v22;
	v18 =	vadd.s32 @p0 $0xFFFFFFFF, v18;
	v60, _, _ =	vpop (xrf0)  }
0x27b: {  	v20 =	vld @p0 [tilespmem:s7+$0x0];
	s6 =	sadd.s32 @p0 $0x20, s7;
	vm14 =	vmmov vm6;
	[tilespmem:v17+s23+$0x0] =	vst.idx.msk @p1 vm0, v15;
	v15 =	vadd.s32 v13, v59;
	v13 =	vadd.s32 v60, v13  }
0x27c: {  	s5 =	smov.u32 @p0 s6;
	vm15 =	vmmov vm13;
	[tilespmem:v17+s24+$0x0] =	vst.idx.msk @p1 vm0, v25;
	v61, _, _ =	vpop (xrf0);
	v13 =	vadd.s32 $0xFFFFFFFF, v13  }
0x27d: {  	v62 =	vld [tilespmem:s5+$0xFFFFFFF0];
	[tilespmem:v21+s23+$0x0] =	vst.idx.msk @p0 vm4, v14;
	v14 =	vmov @p0 v16;
	vm0 =	vmmov vm15;
	v17 =	vadd.s32 v61, v15  }
0x27e: {  	v14 =	vpsel p0, v14, v0;
	[tilespmem:v21+s24+$0x0] =	vst.idx.msk @p0 vm3, v23;
	v17 =	vadd.s32 $0xFFFFFFFF, v17  }
0x27f: {  	[tilespmem:v18+s23+$0x0] =	vst.idx.msk @p0 vm1, v14;
	v14 =	vld [tilespmem:s5+$0x0]  }
0x280: {  	[tilespmem:v18+s24+$0x0] =	vst.idx.msk @p0 vm1, v20  }
0x281: {  	[tilespmem:v13+s23+$0x0] =	vst.idx.msk vm14, v24  }
0x282: {  	v63 =	vmpcnt.ones.xlane vm13;
	[tilespmem:v13+s24+$0x0] =	vst.idx.msk vm14, v62  }
0x283: {  	[tilespmem:v17+s23+$0x0] =	vst.idx.msk vm0, v27  }
0x284: {  	vm6 =	vmmov vm14;
	v13 =	vadd.s32 v15, v63;
	[tilespmem:v17+s24+$0x0] =	vst.idx.msk vm0, v14  }
.LBB2_13:
0x285: {  	s3 =	ssub.s32 s3, s4  }
0x286: {  	p0 =	slt.s32 s3, $0x1  }
0x287: {  	s3 =	sshll.u32 @!p0 s4, $0x4  }
0x288: {  	v14 =	vld @!p0 [tilespmem:s3+$0x7E00];
	_ =	sdelay $0x2  }
0x289: {  	v15 =	vlaneseq.u32 @!p0  }
0x28a: {  	v15 =	vor.u32 @!p0 s3, v15  }
0x28b: {  	vm1 =	vlt.s32 @!p0 v15, v9;
	vm0 =	vle.f32 @!p0 v14, v12  }
0x28c: {  	v9 =	vimm.s32 @!p0 $0x0;
	vm0 =	vmand @!p0 vm1, vm0  }
0x28d: {  	v9 =	vsel @!p0 vm0, $0x1, v9  }
0x28e: {  	(xrf0) =	vadd.scan.msk.s32 @!p0 $0xffff, v9;
	_ =	sdelay $0x5  }
0x28f: {  	v9, _, _ =	vpop @!p0 (xrf0)  }
0x290: {  	v9 =	vadd.s32 @!p0 v9, v13  }
0x291: {  	v9 =	vadd.s32 @!p0 $0xFFFFFFFF, v9  }
0x292: {  	v12 =	vld @!p0 [tilespmem:s3+$0x8E00];
	_ =	sdelay $0x1  }
0x293: {  	v15 =	vmpcnt.ones.xlane @!p0 vm0  }
0x294: {  	s3 =	simm.s32 @!p0 $0xBE00  }
0x295: {  	[tilespmem:v9+s3+$0x0] =	vst.idx.msk @!p0 vm0, v14;
	s3 =	simm.s32 @!p0 $0xCE00;
	v14 =	vadd.s32 @!p0 v13, v15  }
0x296: {  	[tilespmem:v9+s3+$0x0] =	vst.idx.msk @!p0 vm0, v12;
	v9 =	vpsel p0, v13, v14  }
0x297: {  	(v2sf) =	vpush v9, $0x0  }
0x298: {  	(v2sf) =	vpush v8, $0x0  }
0x299: {  	(xrf1) =	vsort.ascd.msk.f32 $0xffff, v10, v10  }
0x29a: {  	(xrf1) =	vsort.ascd.msk.f32 $0xffff, v11, v11;
	_ =	sdelay $0xb  }
0x29b: {  	s3 =	spop (v2sf)  }
0x29c: {  	v10, _, _ =	vpop (xrf1);
	s12 =	spop (v2sf)  }
0x29d: {  	v11, _, _ =	vpop (xrf1);
	s4 =	sadd.s32 $0xF, s12  }
0x29e: {  	v11 =	vperm.xlane v11, v4;
	s5 =	sand.u32 $0xF, s4  }
0x29f: {  	s13 =	sshra.s32 s4, $0x1F;
	p1 =	slt.s32 s4, $0x1;
	p6 =	sne.s32 s5, $0x0  }
0x2a0: {  	v10 =	vmax.f32 v10, v11;
	s5 =	sshrl.u32 s13, $0x1C;
	p0 =	por !p1, !p6  }
0x2a1: {  	v10 =	vsub.f32 $0.0e+00, v10;
	s4 =	sadd.s32 s5, s4;
	s5 =	simm.s32 $0x1;
	p0 =	por !p0, !p0  }
0x2a2: {  	s4 =	sshra.s32 s4, $0x4;
	s5 =	simm.s32 @!p0 $0x0  }
0x2a3: {  	(xrf0) =	vmax.scan.msk.f32 $0xffff, v10;
	s4 =	ssub.s32 s4, s5  }
0x2a4: {  	s5 =	sshrl.u32 s4, $0x1F  }
0x2a5: {  	s5 =	sadd.s32 s5, s4  }
0x2a6: {  	s5 =	sand.u32 $0xFFFFFFFE, s5  }
0x2a7: {  	p0 =	slt.s32 s5, $0x1  }
.Ltmp14:
0x2a8: {  	_ = 	snop;
	(pc) =	sbr.rel @p0 .LBB2_14-.Ltmp14, $3  }
0x2a9: {  	v10, _, _ =	vpop (xrf0)  }
0x2aa: {  	v10 =	vperm.xlane v10, v5;
	_ =	sdelay $0x1  }
0x2ab: {  	v11 =	vimm.s32 $0x0;
	v10 =	vsub.f32 $0.0e+00, v10  }
0x2ac: {  	p2 =	sgt.s32 s5, $0x2  }
.Ltmp15:
0x2ad: {  	_ = 	snop;
	(pc) =	sbr.rel @!p2 .LBB2_28-.Ltmp15, $3  }
0x2ae: {  	_ =	sdelay $0x1  }
0x2af: {  	s8 =	simm.s32 $0x9E10;
	s6 =	simm.s32 $0xAE10  }
0x2b0: {  	s7 =	simm.s32 $0x10;
	p0 =	por $0x0, $0x0;
	p1 =	por $0x0, $0x0  }
0x2b1: {  	v12 =	vld [tilespmem:s8+$0xFFFFFFF0]  }
0x2b2: {  	v13 =	vld [tilespmem:s8+$0x0];
	_ =	sdelay $0x1  }
0x2b3: {  	s9 =	simm.s32 $0x0;
	p2 =	sgt.s32 s5, $0x4  }
.Ltmp16:
0x2b4: {  	v14 =	vor.u32 s9, v0;
	(pc) =	sbr.rel @!p2 .LBB2_30-.Ltmp16, $4  }
0x2b5: {  	vm1 =	vlt.s32 v14, v8;
	v14 =	vor.u32 s7, v0;
	vm0 =	vle.f32 v12, v10  }
0x2b6: {  	vm2 =	vlt.s32 v14, v8;
	vm0 =	vmand vm1, vm0;
	vm1 =	vle.f32 v13, v10  }
0x2b7: {  	v14 =	vsel vm0, $0x1, v6;
	vm4 =	vmand vm2, vm1  }
0x2b8: {  	p0 =	por $0x1, $0x1;
	v17 =	vmpcnt.ones.xlane vm0;
	v21 =	vsel vm4, $0x1, v6;
	v18 =	vmpcnt.ones.xlane vm4;
	(xrf0) =	vadd.scan.msk.s32 $0xffff, v14  }
0x2b9: {  	s9 =	simm.s32 $0x9E30  }
0x2ba: {  	v22 =	vld [tilespmem:s9+$0xFFFFFFF0]  }
0x2bb: {  	(xrf0) =	vadd.scan.msk.s32 $0xffff, v21;
	v14 =	vld [tilespmem:s9+$0x0];
	_ =	sdelay $0x1  }
0x2bc: {  	vm2 =	vmmov vm0;
	s10 =	simm.s32 $0x20;
	vm3 =	vmmov vm4;
	p2 =	sgt.s32 s5, $0x6;
	v15 =	vadd.s32 v11, v17  }
.Ltmp17:
0x2bd: {  	s11 =	simm.s32 $0x30;
	vm1 =	vmmov vm0;
	v17 =	vor.u32 s10, v0;
	v16 =	vadd.s32 v15, v18;
	(pc) =	sbr.rel @!p2 .LBB2_32-.Ltmp17, $4  }
0x2be: {  	vm4 =	vlt.s32 v17, v8;
	v17 =	vor.u32 s11, v0;
	vm0 =	vle.f32 v22, v10  }
0x2bf: {  	vm5 =	vlt.s32 v17, v8;
	v19, _, _ =	vpop (xrf0);
	vm0 =	vmand vm4, vm0;
	vm4 =	vle.f32 v14, v10  }
0x2c0: {  	v20, _, _ =	vpop (xrf0);
	v23 =	vsel vm0, $0x1, v6;
	v17 =	vmpcnt.ones.xlane vm0;
	vm4 =	vmand vm5, vm4  }
0x2c1: {  	s12 =	simm.s32 $0x6;
	p1 =	por $0x1, $0x1;
	s10 =	simm.s32 $0xAE10;
	v21 =	vsel vm4, $0x1, v6;
	v18 =	vmpcnt.ones.xlane vm4;
	(xrf0) =	vadd.scan.msk.s32 $0xffff, v23;
	v23 =	vadd.s32 v19, v11;
	v19 =	vmovc v16  }
.LBB2_33:
0x2c2: {  	v23 =	vadd.s32 $0xFFFFFFFF, v23;
	v20 =	vadd.s32 v20, v15  }
0x2c3: {  	s12 =	sadd.s32 $0x2, s12;
	s9 =	sadd.s32 $0x20, s9;
	(xrf0) =	vadd.scan.msk.s32 $0xffff, v21;
	v21 =	vld [tilespmem:s10+$0xFFFFFFF0];
	v15 =	vadd.s32 v16, v17;
	v24 =	vmovc v14;
	vm5 =	vmmov vm2;
	vm2 =	vmmov vm0  }
0x2c4: {  	vm6 =	vmmov vm3;
	p2 =	slt.s32 s12, s5;
	v25 =	vld [tilespmem:s9+$0xFFFFFFF0];
	v16 =	vadd.s32 v15, v18;
	v18 =	vadd.s32 $0xFFFFFFFF, v20  }
0x2c5: {  	vm3 =	vmmov vm4;
	v14 =	vld [tilespmem:s9+$0x0]  }
0x2c6: {  	s11 =	sadd.s32 $0x20, s11;
	v26 =	vld [tilespmem:s10+$0x0]  }
0x2c7: {  	s13 =	sadd.s32 $0xFFFFFFF0, s11  }
.Ltmp18:
0x2c8: {  	v17 =	vor.u32 s13, v0;
	v27, _, _ =	vpop (xrf0);
	[tilespmem:v23+s25+$0x0] =	vst.idx.msk vm1, v12;
	v12 =	vmov v22;
	vm1 =	vmmov vm0;
	(pc) =	sbr.rel @p2 .LBB2_33-.Ltmp18, $4  }
0x2c9: {  	vm4 =	vlt.s32 v17, v8;
	v17 =	vor.u32 s11, v0;
	vm0 =	vle.f32 v25, v10;
	v20, _, _ =	vpop (xrf0);
	[tilespmem:v23+s26+$0x0] =	vst.idx.msk vm5, v21  }
0x2ca: {  	vm5 =	vlt.s32 v17, v8;
	vm0 =	vmand vm4, vm0;
	vm4 =	vle.f32 v14, v10;
	[tilespmem:v18+s25+$0x0] =	vst.idx.msk vm6, v13  }
0x2cb: {  	v22 =	vmovc v25;
	v13 =	vmovc v24;
	v23 =	vsel vm0, $0x1, v6;
	v17 =	vmpcnt.ones.xlane vm0;
	vm4 =	vmand vm5, vm4;
	[tilespmem:v18+s26+$0x0] =	vst.idx.msk vm6, v26  }
0x2cc: {  	s10 =	sadd.s32 $0x20, s10;
	v21 =	vsel vm4, $0x1, v6;
	v18 =	vmpcnt.ones.xlane vm4;
	(xrf0) =	vadd.scan.msk.s32 $0xffff, v23;
	v23 =	vadd.s32 v27, v19;
	v19 =	vmovc v16  }
0x2cd: {  	v24 =	vmov v12;
	v12 =	vmov v22  }
.LBB2_35:
0x2ce: {  	s9 =	sadd.s32 @p0 $0x20, s9  }
0x2cf: {  	s8 =	smov.u32 @p0 s9  }
0x2d0: {  	v22 =	vld [tilespmem:s8+$0xFFFFFFF0]  }
0x2d1: {  	v25 =	vld [tilespmem:s8+$0x0];
	s8 =	sadd.s32 @p0 $0x20, s11  }
0x2d2: {  	s7 =	smov.u32 @p0 s8  }
0x2d3: {  	s8 =	sadd.s32 $0xFFFFFFF0, s7  }
0x2d4: {  	(xrf0) =	vadd.scan.msk.s32 @p0 $0xffff, v21;
	v16 =	vadd.s32 @p0 v16, v17;
	v17 =	vadd.s32 @p1 $0xFFFFFFFF, v23;
	v54 =	vor.u32 s8, v0  }
0x2d5: {  	v15 =	vadd.s32 @p1 v20, v15;
	vm6 =	vlt.s32 v54, v8;
	vm5 =	vle.f32 v22, v10  }
0x2d6: {  	vm2 =	vmmov @p1 vm2;
	v26 =	vor.u32 s7, v0;
	vm6 =	vmand vm6, vm5  }
0x2d7: {  	v21, _, _ =	vpop @p0 (xrf0);
	vm8 =	vlt.s32 v26, v8;
	vm7 =	vle.f32 v25, v10;
	v55 =	vsel vm6, $0x1, v6  }
0x2d8: {  	v18 =	vadd.s32 @p0 v16, v18;
	v19 =	vadd.s32 @p0 v21, v19;
	vm13 =	vmand vm8, vm7;
	(xrf0) =	vadd.scan.msk.s32 $0xffff, v55  }
0x2d9: {  	v20 =	vld @p1 [tilespmem:s10+$0xFFFFFFF0];
	vm7 =	vmmov @p0 vm0;
	vm0 =	vmmov @p1 vm3;
	v56 =	vsel vm13, $0x1, v6  }
0x2da: {  	v15 =	vadd.s32 @p1 $0xFFFFFFFF, v15;
	v16 =	vpsel p0, v16, v0;
	v21, _, _ =	vpop @p0 (xrf0);
	v19 =	vpsel p0, v19, v0;
	(xrf0) =	vadd.scan.msk.s32 $0xffff, v56  }
0x2db: {  	v23 =	vld @p1 [tilespmem:s10+$0x0];
	s7 =	sadd.s32 @p1 $0x20, s10;
	s8 =	simm.s32 $0xAE10;
	v21 =	vpsel p0, v21, v0;
	vm3 =	vmmov @p0 vm4;
	vm4 =	vmmov @p0 vm7  }
0x2dc: {  	[tilespmem:v17+s25+$0x0] =	vst.idx.msk @p1 vm1, v24;
	s8 =	smov.u32 @p1 s7;
	v19 =	vadd.s32 @p0 $0xFFFFFFFF, v19;
	vm1 =	vmmov @p0 vm3;
	vm3 =	vmmov @p0 vm4  }
0x2dd: {  	v16 =	vadd.s32 @p0 v21, v16;
	v21 =	vld @p0 [tilespmem:s8+$0xFFFFFFF0];
	v57 =	vmpcnt.ones.xlane vm6;
	vm1 =	vmmov @p0 vm1  }
0x2de: {  	v12 =	vpsel p0, v12, v0;
	v11 =	vpsel p0, v18, v11;
	[tilespmem:v17+s26+$0x0] =	vst.idx.msk @p1 vm2, v20;
	v16 =	vadd.s32 @p0 $0xFFFFFFFF, v16;
	v58, _, _ =	vpop (xrf0)  }
0x2df: {  	v18 =	vld @p0 [tilespmem:s8+$0x0];
	s7 =	sadd.s32 @p0 $0x20, s8;
	vm14 =	vmmov vm6;
	v59 =	vadd.s32 v11, v57;
	[tilespmem:v15+s25+$0x0] =	vst.idx.msk @p1 vm0, v13;
	v11 =	vadd.s32 v58, v11  }
0x2e0: {  	s6 =	smov.u32 @p0 s7;
	vm15 =	vmmov vm13;
	[tilespmem:v15+s26+$0x0] =	vst.idx.msk @p1 vm0, v23;
	v60, _, _ =	vpop (xrf0);
	v11 =	vadd.s32 $0xFFFFFFFF, v11  }
0x2e1: {  	v61 =	vld [tilespmem:s6+$0xFFFFFFF0];
	[tilespmem:v19+s25+$0x0] =	vst.idx.msk @p0 vm4, v12;
	v12 =	vmov @p0 v14;
	vm0 =	vmmov vm15;
	v15 =	vadd.s32 v60, v59  }
0x2e2: {  	v12 =	vpsel p0, v12, v0;
	[tilespmem:v19+s26+$0x0] =	vst.idx.msk @p0 vm3, v21;
	v15 =	vadd.s32 $0xFFFFFFFF, v15  }
0x2e3: {  	v62 =	vld [tilespmem:s6+$0x0];
	[tilespmem:v16+s25+$0x0] =	vst.idx.msk @p0 vm1, v12  }
0x2e4: {  	[tilespmem:v16+s26+$0x0] =	vst.idx.msk @p0 vm1, v18  }
0x2e5: {  	[tilespmem:v11+s25+$0x0] =	vst.idx.msk vm14, v22  }
0x2e6: {  	v63 =	vmpcnt.ones.xlane vm13;
	[tilespmem:v11+s26+$0x0] =	vst.idx.msk vm14, v61  }
0x2e7: {  	[tilespmem:v15+s25+$0x0] =	vst.idx.msk vm0, v25  }
0x2e8: {  	vm6 =	vmmov vm14;
	v11 =	vadd.s32 v59, v63;
	[tilespmem:v15+s26+$0x0] =	vst.idx.msk vm0, v62  }
.LBB2_14:
0x2e9: {  	s4 =	ssub.s32 s4, s5  }
0x2ea: {  	p0 =	slt.s32 s4, $0x1  }
0x2eb: {  	s4 =	sshll.u32 @!p0 s5, $0x4  }
0x2ec: {  	v12 =	vld @!p0 [tilespmem:s4+$0x9E00];
	_ =	sdelay $0x2  }
0x2ed: {  	v13 =	vlaneseq.u32 @!p0  }
0x2ee: {  	v13 =	vor.u32 @!p0 s4, v13  }
0x2ef: {  	vm1 =	vlt.s32 @!p0 v13, v8;
	vm0 =	vle.f32 @!p0 v12, v10  }
0x2f0: {  	v8 =	vimm.s32 @!p0 $0x0;
	vm0 =	vmand @!p0 vm1, vm0  }
0x2f1: {  	v8 =	vsel @!p0 vm0, $0x1, v8  }
0x2f2: {  	(xrf0) =	vadd.scan.msk.s32 @!p0 $0xffff, v8;
	_ =	sdelay $0x5  }
0x2f3: {  	v8, _, _ =	vpop @!p0 (xrf0)  }
0x2f4: {  	v8 =	vadd.s32 @!p0 v8, v11  }
0x2f5: {  	v8 =	vadd.s32 @!p0 $0xFFFFFFFF, v8  }
0x2f6: {  	v10 =	vld @!p0 [tilespmem:s4+$0xAE00];
	_ =	sdelay $0x1  }
0x2f7: {  	v13 =	vmpcnt.ones.xlane @!p0 vm0  }
0x2f8: {  	s4 =	simm.s32 @!p0 $0xDE00  }
0x2f9: {  	[tilespmem:v8+s4+$0x0] =	vst.idx.msk @!p0 vm0, v12;
	s4 =	simm.s32 @!p0 $0xEE00;
	v12 =	vadd.s32 @!p0 v11, v13  }
0x2fa: {  	[tilespmem:v8+s4+$0x0] =	vst.idx.msk @!p0 vm0, v10;
	v8 =	vpsel p0, v11, v12  }
0x2fb: {  	(v2sf) =	vpush v8, $0x0;
	_ =	sdelay $0xe  }
0x2fc: {  	p0 =	sgt.s32 s3, $0x30;
	s4 =	spop (v2sf)  }
0x2fd: {  	p1 =	sgt.s32 @!p0 s4, $0x30  }
0x2fe: {  	p0 =	por p0, p1  }
.Ltmp19:
0x2ff: {  	_ = 	snop;
	(pc) =	sbr.rel @p0 .LBB2_36-.Ltmp19, $1  }
0x300: {  	_ =	sdelay $0x3  }
0x301: {  	v10 =	vld [tilespmem:$0xBE00]  }
0x302: {  	v11 =	vld [tilespmem:$0xBE10]  }
0x303: {  	v12 =	vld [tilespmem:$0xBE20];
	_ =	sdelay $0x2  }
0x304: {  	vm0 =	vgt.s32 v9, v0;
	vm1 =	vgt.s32 v9, v1  }
0x305: {  	v21 =	vnsel vm0, $0x7F800000, v10;
	v20 =	vnsel vm1, $0x7F800000, v11;
	vm0 =	vgt.s32 v9, v2  }
0x306: {  	v19 =	vnsel vm0, $0x7F800000, v12;
	v9 =	vmin.f32 v21, v20  }
0x307: {  	v9 =	vmin.f32 v9, v19  }
0x308: {  	v9 =	vsub.f32 $0.0e+00, v9;
	_ =	sdelay $0x1  }
0x309: {  	(xrf0) =	vmax.scan.msk.f32 $0xffff, v9;
	v9 =	vld [tilespmem:$0xDE00]  }
0x30a: {  	v10 =	vld [tilespmem:$0xDE10]  }
0x30b: {  	v11 =	vld [tilespmem:$0xDE20];
	_ =	sdelay $0x1  }
0x30c: {  	vm0 =	vgt.s32 v8, v0  }
0x30d: {  	v17 =	vnsel vm0, $0x7F800000, v9;
	vm0 =	vgt.s32 v8, v1  }
0x30e: {  	v12, _, _ =	vpop (xrf0);
	v16 =	vnsel vm0, $0x7F800000, v10;
	vm0 =	vgt.s32 v8, v2  }
0x30f: {  	v12 =	vperm.xlane v12, v5;
	v18 =	vnsel vm0, $0x7F800000, v11;
	v11 =	vmin.f32 v17, v16  }
0x310: {  	v11 =	vmin.f32 v11, v18  }
0x311: {  	v9 =	vsub.f32 $0.0e+00, v12;
	v15 =	vsub.f32 $0.0e+00, v11  }
0x312: {  	v13 =	vld [tilespmem:$0xCE20]  }
0x313: {  	v8 =	vld [tilespmem:$0xCE00];
	vm1 =	veq.f32 v20, v9;
	(xrf0) =	vmax.scan.msk.f32 $0xffff, v15  }
0x314: {  	v10 =	vld [tilespmem:$0xCE10];
	vm0 =	veq.f32 v21, v9;
	v23 =	vmctz.xlane vm1;
	vm1 =	veq.f32 v19, v9  }
0x315: {  	v14 =	vimm.s32 $0x0;
	v11 =	vld [tilespmem:$0xEE10];
	v22 =	vmctz.xlane vm0;
	v24 =	vmctz.xlane vm1  }
0x316: {  	v12 =	vld [tilespmem:$0xEE20];
	v15 =	vimm.s32 $0x0;
	vm3 =	vlt.s32 v23, $0x10;
	vm1 =	vlt.s32 v23, $0xF  }
0x317: {  	s4 =	simm.s32 $0xFFFFFFFF;
	s3 =	simm.s32 $0x0;
	s5 =	simm.s32 $0x1;
	v9 =	vld [tilespmem:$0xEE00];
	vm0 =	vgt.s32 v22, $0xF;
	vm4 =	veq.s32 v23, v0;
	vm2 =	veq.s32 v24, v0  }
.LBB2_16:
0x318: {  	p0 =	seq.s32 s5, $0xF;
	vm5 =	vlt.s32 v24, $0xF;
	vm6 =	veq.s32 v22, v0;
	vm4 =	vmand vm0, vm4;
	s6 =	smov.u32 s5;
	s5 =	sadd.s32 $0x1, s5  }
0x319: {  	vm3 =	vmand vm0, vm3;
	v23 =	vnsel vm1, $0xF, v23;
	v21 =	vsel vm6, $0x7F800000, v21;
	v25, _, _ =	vpop (xrf0)  }
0x31a: {  	vm1 =	vmxor vm0, vm3;
	v24 =	vnsel vm5, $0xF, v24;
	v25 =	vperm.xlane v25, v5  }
0x31b: {  	v20 =	vsel vm4, $0x7F800000, v20;
	v24 =	vperm.xlane v13, v24;
	vm1 =	vmand vm2, vm1  }
0x31c: {  	v26 =	vmin.f32 v21, v20;
	v19 =	vsel vm1, $0x7F800000, v19;
	v25 =	vsub.f32 $0.0e+00, v25  }
0x31d: {  	v27 =	vmov s4;
	s4 =	smov.u32 s3;
	v23 =	vperm.xlane v10, v23;
	s3 =	smov.u32 s6;
	v26 =	vmin.f32 v26, v19  }
0x31e: {  	v26 =	vsub.f32 $0.0e+00, v26;
	vm2 =	veq.f32 v16, v25;
	vm4 =	veq.f32 v18, v25  }
0x31f: {  	vm1 =	veq.s32 v27, v0;
	vm5 =	veq.f32 v17, v25;
	v25 =	vmctz.xlane vm2  }
0x320: {  	v22 =	vsel vm0, $0xF, v22;
	v23 =	vsel vm3, v23, v24;
	v24 =	vmctz.xlane vm4;
	(xrf0) =	vmax.scan.msk.f32 $0xffff, v26  }
0x321: {  	v22 =	vperm.xlane v8, v22;
	v26 =	vmctz.xlane vm5;
	vm2 =	vlt.s32 v25, $0xF  }
0x322: {  	vm3 =	vlt.s32 v24, $0xF;
	vm4 =	veq.s32 v24, v0;
	v27 =	vnsel vm2, $0xF, v25  }
0x323: {  	vm5 =	vlt.s32 v25, $0x10;
	vm2 =	vgt.s32 v26, $0xF;
	vm6 =	veq.s32 v26, v0  }
0x324: {  	v22 =	vsel vm0, v23, v22;
	vm0 =	vmand vm2, vm5;
	vm5 =	veq.s32 v25, v0  }
0x325: {  	v17 =	vsel vm6, $0x7F800000, v17;
	vm7 =	vmxor vm2, vm0;
	vm5 =	vmand vm2, vm5  }
0x326: {  	v25 =	vsel vm2, $0xF, v26;
	v16 =	vsel vm5, $0x7F800000, v16;
	vm4 =	vmand vm4, vm7;
	v23, _, _ =	vpop (xrf0)  }
0x327: {  	v26 =	vmin.f32 v17, v16;
	v18 =	vsel vm4, $0x7F800000, v18;
	v23 =	vperm.xlane v23, v5  }
0x328: {  	v24 =	vnsel vm3, $0xF, v24;
	v27 =	vperm.xlane v11, v27;
	v26 =	vmin.f32 v26, v18  }
0x329: {  	v24 =	vperm.xlane v12, v24;
	v28 =	vsub.f32 $0.0e+00, v23;
	v23 =	vsub.f32 $0.0e+00, v26  }
0x32a: {  	v14 =	vsel vm1, v22, v14;
	v22 =	vperm.xlane v9, v25  }
.Ltmp20:
0x32b: {  	v24 =	vsel vm0, v27, v24;
	vm3 =	veq.f32 v21, v28;
	vm4 =	veq.f32 v20, v28;
	(xrf0) =	vmax.scan.msk.f32 $0xffff, v23;
	(pc) =	sbr.rel @!p0 .LBB2_16-.Ltmp20, $4  }
0x32c: {  	v25 =	vsel vm2, v24, v22;
	vm0 =	veq.f32 v19, v28;
	v23 =	vmctz.xlane vm4  }
0x32d: {  	v15 =	vsel vm1, v25, v15;
	v22 =	vmctz.xlane vm3;
	v24 =	vmctz.xlane vm0  }
0x32e: {  	vm3 =	vlt.s32 v23, $0x10;
	vm1 =	vlt.s32 v23, $0xF  }
0x32f: {  	vm0 =	vgt.s32 v22, $0xF;
	vm4 =	veq.s32 v23, v0;
	vm2 =	veq.s32 v24, v0  }
0x330: {  	_ = 	snop  }
0x331: {  	v25, _, _ =	vpop (xrf0)  }
0x332: {  	vm5 =	veq.s32 v22, v0;
	v25 =	vperm.xlane v25, v5  }
0x333: {  	vm4 =	vmand vm0, vm4;
	vm3 =	vmand vm0, vm3;
	v21 =	vsel vm5, $0x7F800000, v21  }
0x334: {  	vm11 =	vmxor vm0, vm3;
	v20 =	vsel vm4, $0x7F800000, v20;
	v25 =	vsub.f32 $0.0e+00, v25  }
0x335: {  	vm2 =	vmand vm2, vm11;
	v26 =	vmin.f32 v21, v20  }
0x336: {  	v19 =	vsel vm2, $0x7F800000, v19;
	vm12 =	veq.f32 v16, v25;
	vm13 =	veq.f32 v17, v25  }
0x337: {  	vm14 =	veq.f32 v18, v25;
	v37 =	vmctz.xlane vm12;
	v27 =	vmctz.xlane vm13  }
0x338: {  	v26 =	vmin.f32 v26, v19;
	v28 =	vmctz.xlane vm14  }
0x339: {  	v26 =	vsub.f32 $0.0e+00, v26;
	vm2 =	vgt.s32 v27, $0xF;
	vm15 =	vlt.s32 v37, $0x10  }
0x33a: {  	vm5 =	veq.s32 v28, v0;
	vm6 =	veq.s32 v37, v0;
	vm4 =	vmand vm2, vm15  }
0x33b: {  	vm7 =	veq.s32 v27, v0;
	vm6 =	vmand vm2, vm6;
	vm8 =	vmxor vm2, vm4  }
0x33c: {  	(xrf0) =	vmax.scan.msk.f32 $0xffff, v26;
	v38 =	vsel vm7, $0x7F800000, v17;
	v39 =	vsel vm6, $0x7F800000, v16;
	vm5 =	vmand vm5, vm8  }
0x33d: {  	v40 =	vmin.f32 v38, v39;
	v41 =	vsel vm5, $0x7F800000, v18  }
0x33e: {  	v26 =	vmin.f32 v40, v41  }
0x33f: {  	v23 =	vnsel vm1, $0xF, v23;
	v26 =	vsub.f32 $0.0e+00, v26  }
0x340: {  	v29 =	vmov s4;
	v42 =	vsel vm0, $0xF, v22;
	vm8 =	vlt.s32 v24, $0xF  }
0x341: {  	v23 =	vperm.xlane v10, v23;
	vm9 =	veq.s32 v29, v0;
	v24 =	vnsel vm8, $0xF, v24;
	(xrf0) =	vmax.scan.msk.f32 $0xffff, v26  }
0x342: {  	v22 =	vperm.xlane v8, v42;
	vm10 =	vlt.s32 v37, $0xF;
	v43, _, _ =	vpop (xrf0);
	v24 =	vperm.xlane v13, v24  }
0x343: {  	vm11 =	vlt.s32 v28, $0xF;
	v44 =	vnsel vm10, $0xF, v37;
	v45 =	vperm.xlane v43, v5  }
0x344: {  	v46 =	vsel vm2, $0xF, v27;
	v47 =	vnsel vm11, $0xF, v28;
	v23 =	vsel vm3, v23, v24  }
0x345: {  	v48 =	vperm.xlane v9, v46;
	v25 =	vsub.f32 $0.0e+00, v45;
	v22 =	vsel vm0, v23, v22  }
0x346: {  	v24 =	vperm.xlane v11, v44;
	v26 =	vperm.xlane v12, v47;
	v14 =	vsel vm9, v22, v14  }
0x347: {  	vm12 =	veq.f32 v21, v25;
	vm13 =	veq.f32 v20, v25;
	vm14 =	veq.f32 v19, v25;
	v50, _, _ =	vpop (xrf0)  }
0x348: {  	v49 =	vsel vm4, v24, v26;
	v51 =	vmctz.xlane vm13;
	v52 =	vperm.xlane v50, v5  }
0x349: {  	v53 =	vmctz.xlane vm12;
	v54 =	vmctz.xlane vm14;
	v20 =	vsel vm2, v49, v48  }
0x34a: {  	v15 =	vsel vm9, v20, v15;
	vm15 =	vlt.s32 v51, $0x10;
	v19 =	vsub.f32 $0.0e+00, v52  }
0x34b: {  	vm6 =	vlt.s32 v51, $0xF;
	vm2 =	vgt.s32 v53, $0xF;
	vm3 =	vlt.s32 v54, $0xF  }
0x34c: {  	vm0 =	vmand vm2, vm15;
	v55 =	vnsel vm6, $0xF, v51;
	vm7 =	veq.f32 v39, v19  }
0x34d: {  	vm8 =	veq.f32 v41, v19;
	vm9 =	veq.f32 v38, v19;
	v57 =	vmctz.xlane vm7  }
0x34e: {  	v56 =	vnsel vm3, $0xF, v54;
	v59 =	vmctz.xlane vm8;
	v17 =	vmctz.xlane vm9  }
0x34f: {  	v60 =	vsel vm2, $0xF, v53;
	v58 =	vperm.xlane v13, v56;
	v10 =	vperm.xlane v10, v55  }
0x350: {  	vm10 =	vlt.s32 v57, $0xF;
	vm11 =	vlt.s32 v59, $0xF;
	vm12 =	vgt.s32 v17, $0xF  }
0x351: {  	vm13 =	vlt.s32 v57, $0x10;
	v61 =	vnsel vm10, $0xF, v57;
	v16 =	vnsel vm11, $0xF, v59  }
.Ltmp21:
0x352: {  	v17 =	vsel vm12, $0xF, v17;
	v11 =	vperm.xlane v11, v61;
	v62 =	vperm.xlane v12, v16;
	(pc) =	sbr.rel .LBB2_64-.Ltmp21, $4  }
0x353: {  	v8 =	vperm.xlane v8, v60;
	vm14 =	vmand vm12, vm13;
	v9 =	vperm.xlane v9, v17  }
0x354: {  	v63 =	vmov s3;
	v10 =	vsel vm0, v10, v58;
	v11 =	vsel vm14, v11, v62  }
0x355: {  	vm15 =	veq.s32 v63, v0;
	v8 =	vsel vm2, v10, v8;
	v9 =	vsel vm12, v11, v9  }
0x356: {  	v10 =	vsel vm15, v8, v14;
	v9 =	vsel vm15, v9, v15  }
.LBB2_36:
0x357: {  	s3 =	sadd.s32 $0xF, s3  }
0x358: {  	s5 =	sand.u32 $0xF, s3  }
0x359: {  	s6 =	sshra.s32 s3, $0x1F;
	p0 =	slt.s32 s3, $0x1;
	p1 =	sne.s32 s5, $0x0  }
.Ltmp22:
0x35a: {  	s13 =	sshrl.u32 s6, $0x1C;
	p0 =	por !p0, !p1;
	(pc) =	sbr.rel .LBB2_37-.Ltmp22, $4  }
0x35b: {  	s5 =	simm.s32 $0x1;
	s3 =	sadd.s32 s13, s3;
	p0 =	por !p0, !p0  }
0x35c: {  	s3 =	sshra.s32 s3, $0x4;
	s5 =	simm.s32 @!p0 $0x0  }
0x35d: {  	s3 =	ssub.s32 s3, s5  }
0x35e: {  	v11 =	vimm.s32 $0x0;
	v10 =	vimm.s32 $0x0;
	s6 =	simm.s32 $0x0;
	s5 =	simm.s32 $0x0;
	p0 =	slt.s32 s3, $0x1  }
.LBB2_39:
0x35f: {  	v13 =	vmov v14;
	v17 =	vimm.f32 $+Inf;
	s7 =	simm.s32 $0x0;
	v21 =	vimm.s32 $0x0  }
.LBB2_48:
0x360: {  	v20 =	vsub.f32 $0.0e+00, v13  }
0x361: {  	vm0 =	veq.f32 @p2 v23, v22;
	v22, _, _ =	vpop @p1 (xrf0)  }
0x362: {  	(xrf0) =	vmax.scan.msk.f32 $0xffff, v20;
	v22 =	vperm.xlane @p1 v22, v5;
	_ =	sdelay $0x1  }
0x363: {  	v20 =	vmctz.xlane @p2 vm0;
	v22 =	vxor.u32 @p1 $0x80000000, v22  }
0x364: {  	v14 =	vpsel p1, v15, v14;
	v15 =	vpsel p1, v22, v16  }
0x365: {  	vm0 =	vlt.s32 @p2 v20, $0xF  }
0x366: {  	v18 =	vadd.s32 @p3 s9, v18;
	v20 =	vnsel @p2 vm0, $0xF, v20;
	vm0 =	vlt.f32 @p3 v19, v17  }
0x367: {  	v16 =	vsel @p3 vm0, v19, v17;
	v17 =	vperm.xlane @p2 v23, v20;
	vm1 =	veq.f32 @p1 v14, v15;
	v15, _, _ =	vpop (xrf0)  }
0x368: {  	s9 =	smov.u32 @p2 s11;
	v18 =	vsel @p3 vm0, v18, v21;
	v19 =	vmctz.xlane @p1 vm1;
	v15 =	vperm.xlane v15, v5  }
0x369: {  	s9 =	smov.u32 @p2 s9;
	v20 =	vpsel p2, v20, v0;
	v16 =	vpsel p3, v16, v12;
	v18 =	vpsel p3, v18, v11  }
0x36a: {  	v20 =	vadd.s32 @p2 s9, v20;
	vm0 =	vlt.s32 @p1 v19, $0xF;
	v15 =	vxor.u32 $0x80000000, v15  }
0x36b: {  	v17 =	vpsel p2, v17, v0;
	v19 =	vnsel @p1 vm0, $0xF, v19;
	vm13 =	veq.f32 v13, v15  }
0x36c: {  	s9 =	smov.u32 s5;
	vm0 =	vlt.f32 @p2 v17, v16;
	v14 =	vperm.xlane @p1 v14, v19;
	v15 =	vmctz.xlane vm13  }
0x36d: {  	s9 =	smov.u32 @p1 s8;
	v16 =	vsel @p2 vm0, v17, v16;
	v17 =	vsel @p2 vm0, v20, v18;
	v18 =	vpsel p1, v19, v0  }
0x36e: {  	s8 =	smov.u32 @p1 s9;
	v16 =	vpsel p2, v16, v12;
	v14 =	vpsel p1, v14, v0;
	vm14 =	vlt.s32 v15, $0xF  }
0x36f: {  	s8 =	smov.u32 @p1 s8;
	v17 =	vpsel p2, v17, v11;
	vm0 =	vlt.f32 @p1 v14, v16;
	v15 =	vnsel vm14, $0xF, v15  }
0x370: {  	v18 =	vadd.s32 @p1 s8, v18;
	v14 =	vsel @p1 vm0, v14, v16;
	v13 =	vperm.xlane v13, v15  }
0x371: {  	v16 =	vsel @p1 vm0, v18, v17;
	v12 =	vpsel p1, v14, v12  }
0x372: {  	v14 =	vpsel p1, v16, v11;
	v15 =	vadd.s32 s7, v15;
	vm15 =	vlt.f32 v13, v12  }
0x373: {  	v12 =	vsel vm15, v15, v14  }
.LBB2_49:
0x374: {  	_ =	sdelay $0x2  }
0x375: {  	s7 =	sadd.s32 $0xFFFFFFFF, s6;
	s6 =	sadd.s32 $0x1, s6  }
0x376: {  	v13 =	vld.idx.msk [tilespmem:v12+s24+$0x0], $0xffff;
	p1 =	sne.s32 s6, $0x11  }
.Ltmp23:
0x377: {  	_ = 	snop;
	(pc) =	sbr.rel @!p1 .LBB2_50-.Ltmp23, $4  }
0x378: {  	_ = 	snop  }
0x379: {  	v14 =	vmov s7  }
0x37a: {  	vm0 =	veq.s32 v14, v0  }
0x37b: {  	[tilespmem:v12+s23+$0x0] =	vst.idx.msk $0x1, v7;
	v10 =	vsel vm0, v13, v10  }
.LBB2_37:
.Ltmp24:
0x37c: {  	(pc) =	sbr.rel @p0 .LBB2_49-.Ltmp24, $2  }
0x37d: {  	_ =	sdelay $0x2  }
0x37e: {  	v12 =	vimm.s32 $0x0  }
0x37f: {  	s7 =	simm.s32 $0xBE00  }
0x380: {  	p4 =	sne.s32 s3, $0x1;
	v13 =	vld [tilespmem:s7+$0x0]  }
.Ltmp25:
0x381: {  	_ = 	snop;
	(pc) =	sbr.rel @!p4 .LBB2_39-.Ltmp25, $4  }
0x382: {  	_ = 	snop  }
0x383: {  	v12 =	vor.u32 s5, v0  }
0x384: {  	s8 =	sadd.s32 $0xFFFFFFFF, s3;
	p1 =	por $0x0, $0x0;
	vm0 =	vlt.s32 v12, v9  }
0x385: {  	p2 =	por $0x0, $0x0;
	p3 =	por $0x0, $0x0;
	s7 =	simm.s32 $0xBE10;
	v12 =	vimm.f32 $+Inf;
	v14 =	vnsel vm0, $0x7F800000, v13  }
0x386: {  	v15 =	vsub.f32 $0.0e+00, v14  }
0x387: {  	v13 =	vld [tilespmem:s7+$0x0];
	p4 =	sne.s32 s8, $0x1  }
.Ltmp26:
0x388: {  	(xrf0) =	vmax.scan.msk.f32 $0xffff, v15;
	(pc) =	sbr.rel @!p4 .LBB2_41-.Ltmp26, $4  }
0x389: {  	s7 =	simm.s32 $0x10  }
0x38a: {  	v16 =	vor.u32 s7, v0  }
0x38b: {  	vm0 =	vlt.s32 v16, v9  }
0x38c: {  	s9 =	sadd.s32 $0xFFFFFFFF, s8;
	s8 =	simm.s32 $0xBE20;
	p1 =	por $0x1, $0x1;
	v15 =	vnsel vm0, $0x7F800000, v13  }
0x38d: {  	v17 =	vsub.f32 $0.0e+00, v15  }
0x38e: {  	v13 =	vld [tilespmem:s8+$0x0];
	p4 =	sne.s32 s9, $0x1  }
.Ltmp27:
0x38f: {  	v16, _, _ =	vpop (xrf0);
	(xrf0) =	vmax.scan.msk.f32 $0xffff, v17;
	(pc) =	sbr.rel @!p4 .LBB2_43-.Ltmp27, $4  }
0x390: {  	s8 =	simm.s32 $0x20  }
0x391: {  	v18 =	vor.u32 s8, v0;
	v16 =	vperm.xlane v16, v5  }
0x392: {  	vm0 =	vlt.s32 v18, v9  }
0x393: {  	s9 =	sadd.s32 $0xFFFFFFFF, s9;
	s10 =	simm.s32 $0xBE30;
	p2 =	por $0x1, $0x1;
	v16 =	vxor.u32 $0x80000000, v16;
	v20 =	vnsel vm0, $0x7F800000, v13  }
0x394: {  	v23 =	vsub.f32 $0.0e+00, v20  }
0x395: {  	v13 =	vld [tilespmem:s10+$0x0];
	vm0 =	veq.f32 v14, v16;
	p4 =	sne.s32 s9, $0x1  }
.Ltmp28:
0x396: {  	s10 =	simm.s32 $0x30;
	v17 =	vmctz.xlane vm0;
	v18, _, _ =	vpop (xrf0);
	(xrf0) =	vmax.scan.msk.f32 $0xffff, v23;
	(pc) =	sbr.rel @!p4 .LBB2_45-.Ltmp28, $4  }
0x397: {  	v19 =	vor.u32 s10, v0;
	v21 =	vperm.xlane v18, v5  }
0x398: {  	vm1 =	vlt.s32 v19, v9;
	vm0 =	vlt.s32 v17, $0xF  }
0x399: {  	s11 =	sadd.s32 $0xFFFFFFFF, s9;
	v18 =	vnsel vm0, $0xF, v17;
	v22 =	vxor.u32 $0x80000000, v21;
	v17 =	vimm.f32 $+Inf  }
0x39a: {  	s12 =	simm.s32 $0xBE40;
	p3 =	por $0x1, $0x1;
	s9 =	simm.s32 $0x0;
	v21 =	vimm.s32 $0x0;
	v13 =	vnsel vm1, $0x7F800000, v13;
	v19 =	vperm.xlane v14, v18  }
.LBB2_46:
0x39b: {  	v23 =	vld [tilespmem:s12+$0x0];
	p4 =	sne.s32 s11, $0x1;
	s11 =	sadd.s32 $0xFFFFFFFF, s11;
	v25 =	vsub.f32 $0.0e+00, v13;
	vm0 =	veq.f32 v15, v22;
	v18 =	vadd.s32 s9, v18;
	s9 =	smov.u32 s7  }
.Ltmp29:
0x39c: {  	s7 =	smov.u32 s8;
	s8 =	smov.u32 s10;
	v22 =	vmctz.xlane vm0;
	vm0 =	vlt.f32 v19, v17;
	(pc) =	sbr.rel @p4 .LBB2_46-.Ltmp29, $4  }
0x39d: {  	s10 =	sadd.s32 $0x10, s10;
	(xrf0) =	vmax.scan.msk.f32 $0xffff, v25;
	v24, _, _ =	vpop (xrf0);
	v17 =	vsel vm0, v19, v17;
	v21 =	vsel vm0, v18, v21  }
0x39e: {  	v18 =	vor.u32 s10, v0;
	v19 =	vperm.xlane v24, v5;
	vm0 =	vlt.s32 v22, $0xF  }
0x39f: {  	vm1 =	vlt.s32 v18, v9;
	v18 =	vnsel vm0, $0xF, v22  }
0x3a0: {  	s12 =	sadd.s32 $0x10, s12;
	v22 =	vxor.u32 $0x80000000, v19;
	v19 =	vperm.xlane v15, v18;
	v15 =	vmovc v20;
	v20 =	vmovc v13;
	v13 =	vnsel vm1, $0x7F800000, v23  }
.Ltmp30:
0x3a1: {  	(pc) =	sbr.rel .LBB2_48-.Ltmp30, $2  }
0x3a2: {  	_ =	sdelay $0x2  }
0x3a3: {  	v23 =	vmov v15;
	s11 =	smov.u32 s7;
	s7 =	smov.u32 s10;
	v15 =	vmov v20  }
.LBB2_41:
.Ltmp31:
0x3a4: {  	(pc) =	sbr.rel .LBB2_48-.Ltmp31, $2  }
0x3a5: {  	_ =	sdelay $0x2  }
0x3a6: {  	v13 =	vmovc v15;
	v15 =	vmov v14;
	v17 =	vimm.f32 $+Inf;
	s8 =	simm.s32 $0x0;
	v21 =	vimm.s32 $0x0  }
.LBB2_43:
.Ltmp32:
0x3a7: {  	(pc) =	sbr.rel .LBB2_48-.Ltmp32, $2  }
0x3a8: {  	_ =	sdelay $0x2  }
0x3a9: {  	v13 =	vmovc v20;
	v23 =	vmovc v14;
	v22 =	vmov v16;
	s11 =	simm.s32 $0x0;
	v17 =	vimm.f32 $+Inf;
	s8 =	simm.s32 $0x10;
	s7 =	simm.s32 $0x20;
	v21 =	vimm.s32 $0x0  }
.LBB2_45:
.Ltmp33:
0x3aa: {  	(pc) =	sbr.rel .LBB2_48-.Ltmp33, $2  }
0x3ab: {  	_ =	sdelay $0x2  }
0x3ac: {  	v23 =	vmovc v15;
	s9 =	smov.u32 s5;
	s11 =	simm.s32 $0x10;
	v17 =	vimm.f32 $+Inf;
	s7 =	simm.s32 $0x30;
	v21 =	vimm.s32 $0x0;
	v15 =	vmov v20  }
.LBB2_50:
0x3ad: {  	s3 =	sadd.s32 $0xF, s4  }
0x3ae: {  	s4 =	sand.u32 $0xF, s3  }
0x3af: {  	s5 =	sshra.s32 s3, $0x1F;
	p0 =	slt.s32 s3, $0x1;
	p1 =	sne.s32 s4, $0x0  }
.Ltmp34:
0x3b0: {  	s13 =	sshrl.u32 s5, $0x1C;
	p0 =	por !p0, !p1;
	(pc) =	sbr.rel .LBB2_51-.Ltmp34, $4  }
0x3b1: {  	s4 =	simm.s32 $0x1;
	s3 =	sadd.s32 s13, s3;
	p0 =	por !p0, !p0  }
0x3b2: {  	s3 =	sshra.s32 s3, $0x4;
	s4 =	simm.s32 @!p0 $0x0  }
0x3b3: {  	s3 =	ssub.s32 s3, s4  }
0x3b4: {  	v11 =	vimm.s32 $0x0;
	v9 =	vimm.s32 $0x0;
	s5 =	simm.s32 $0x0;
	s4 =	simm.s32 $0x0;
	p0 =	slt.s32 s3, $0x1  }
.LBB2_53:
0x3b5: {  	v13 =	vmov v14;
	v17 =	vimm.f32 $+Inf;
	s6 =	simm.s32 $0x0;
	v21 =	vimm.s32 $0x0  }
.LBB2_62:
0x3b6: {  	v20 =	vsub.f32 $0.0e+00, v13  }
0x3b7: {  	vm0 =	veq.f32 @p2 v23, v22;
	v22, _, _ =	vpop @p1 (xrf0)  }
0x3b8: {  	(xrf0) =	vmax.scan.msk.f32 $0xffff, v20;
	v22 =	vperm.xlane @p1 v22, v5;
	_ =	sdelay $0x1  }
0x3b9: {  	v20 =	vmctz.xlane @p2 vm0;
	v22 =	vxor.u32 @p1 $0x80000000, v22  }
0x3ba: {  	v14 =	vpsel p1, v15, v14;
	v15 =	vpsel p1, v22, v16  }
0x3bb: {  	vm0 =	vlt.s32 @p2 v20, $0xF  }
0x3bc: {  	v18 =	vadd.s32 @p3 s8, v18;
	v20 =	vnsel @p2 vm0, $0xF, v20;
	vm0 =	vlt.f32 @p3 v19, v17  }
0x3bd: {  	v16 =	vsel @p3 vm0, v19, v17;
	v17 =	vperm.xlane @p2 v23, v20;
	vm1 =	veq.f32 @p1 v14, v15;
	v15, _, _ =	vpop (xrf0)  }
0x3be: {  	s8 =	smov.u32 @p2 s10;
	v18 =	vsel @p3 vm0, v18, v21;
	v19 =	vmctz.xlane @p1 vm1;
	v15 =	vperm.xlane v15, v5  }
0x3bf: {  	s8 =	smov.u32 @p2 s8;
	v20 =	vpsel p2, v20, v0;
	v16 =	vpsel p3, v16, v12;
	v18 =	vpsel p3, v18, v11  }
0x3c0: {  	v20 =	vadd.s32 @p2 s8, v20;
	vm0 =	vlt.s32 @p1 v19, $0xF;
	v15 =	vxor.u32 $0x80000000, v15  }
0x3c1: {  	v17 =	vpsel p2, v17, v0;
	v19 =	vnsel @p1 vm0, $0xF, v19;
	vm13 =	veq.f32 v13, v15  }
0x3c2: {  	s8 =	smov.u32 s4;
	vm0 =	vlt.f32 @p2 v17, v16;
	v14 =	vperm.xlane @p1 v14, v19;
	v15 =	vmctz.xlane vm13  }
0x3c3: {  	s8 =	smov.u32 @p1 s7;
	v16 =	vsel @p2 vm0, v17, v16;
	v17 =	vsel @p2 vm0, v20, v18;
	v18 =	vpsel p1, v19, v0  }
0x3c4: {  	s7 =	smov.u32 @p1 s8;
	v16 =	vpsel p2, v16, v12;
	v14 =	vpsel p1, v14, v0;
	vm14 =	vlt.s32 v15, $0xF  }
0x3c5: {  	s7 =	smov.u32 @p1 s7;
	v17 =	vpsel p2, v17, v11;
	vm0 =	vlt.f32 @p1 v14, v16;
	v15 =	vnsel vm14, $0xF, v15  }
0x3c6: {  	v18 =	vadd.s32 @p1 s7, v18;
	v14 =	vsel @p1 vm0, v14, v16;
	v13 =	vperm.xlane v13, v15  }
0x3c7: {  	v16 =	vsel @p1 vm0, v18, v17;
	v12 =	vpsel p1, v14, v12  }
0x3c8: {  	v14 =	vpsel p1, v16, v11;
	v15 =	vadd.s32 s6, v15;
	vm15 =	vlt.f32 v13, v12  }
0x3c9: {  	v12 =	vsel vm15, v15, v14  }
.LBB2_63:
0x3ca: {  	_ =	sdelay $0x2  }
0x3cb: {  	s6 =	sadd.s32 $0xFFFFFFFF, s5;
	s5 =	sadd.s32 $0x1, s5  }
0x3cc: {  	v13 =	vld.idx.msk [tilespmem:v12+s26+$0x0], $0xffff;
	p1 =	sne.s32 s5, $0x11  }
.Ltmp35:
0x3cd: {  	_ = 	snop;
	(pc) =	sbr.rel @!p1 .LBB2_64-.Ltmp35, $4  }
0x3ce: {  	_ = 	snop  }
0x3cf: {  	v14 =	vmov s6  }
0x3d0: {  	vm0 =	veq.s32 v14, v0  }
0x3d1: {  	[tilespmem:v12+s25+$0x0] =	vst.idx.msk $0x1, v7;
	v9 =	vsel vm0, v13, v9  }
.LBB2_51:
.Ltmp36:
0x3d2: {  	(pc) =	sbr.rel @p0 .LBB2_63-.Ltmp36, $2  }
0x3d3: {  	_ =	sdelay $0x2  }
0x3d4: {  	v12 =	vimm.s32 $0x0  }
0x3d5: {  	s6 =	simm.s32 $0xDE00  }
0x3d6: {  	p4 =	sne.s32 s3, $0x1;
	v13 =	vld [tilespmem:s6+$0x0]  }
.Ltmp37:
0x3d7: {  	_ = 	snop;
	(pc) =	sbr.rel @!p4 .LBB2_53-.Ltmp37, $4  }
0x3d8: {  	_ = 	snop  }
0x3d9: {  	v12 =	vor.u32 s4, v0  }
0x3da: {  	s7 =	sadd.s32 $0xFFFFFFFF, s3;
	p1 =	por $0x0, $0x0;
	vm0 =	vlt.s32 v12, v8  }
0x3db: {  	p2 =	por $0x0, $0x0;
	p3 =	por $0x0, $0x0;
	s6 =	simm.s32 $0xDE10;
	v12 =	vimm.f32 $+Inf;
	v14 =	vnsel vm0, $0x7F800000, v13  }
0x3dc: {  	v15 =	vsub.f32 $0.0e+00, v14  }
0x3dd: {  	v13 =	vld [tilespmem:s6+$0x0];
	p4 =	sne.s32 s7, $0x1  }
.Ltmp38:
0x3de: {  	(xrf0) =	vmax.scan.msk.f32 $0xffff, v15;
	(pc) =	sbr.rel @!p4 .LBB2_55-.Ltmp38, $4  }
0x3df: {  	s6 =	simm.s32 $0x10  }
0x3e0: {  	v16 =	vor.u32 s6, v0  }
0x3e1: {  	vm0 =	vlt.s32 v16, v8  }
0x3e2: {  	s8 =	sadd.s32 $0xFFFFFFFF, s7;
	s7 =	simm.s32 $0xDE20;
	p1 =	por $0x1, $0x1;
	v15 =	vnsel vm0, $0x7F800000, v13  }
0x3e3: {  	v17 =	vsub.f32 $0.0e+00, v15  }
0x3e4: {  	v13 =	vld [tilespmem:s7+$0x0];
	p4 =	sne.s32 s8, $0x1  }
.Ltmp39:
0x3e5: {  	v16, _, _ =	vpop (xrf0);
	(xrf0) =	vmax.scan.msk.f32 $0xffff, v17;
	(pc) =	sbr.rel @!p4 .LBB2_57-.Ltmp39, $4  }
0x3e6: {  	s7 =	simm.s32 $0x20  }
0x3e7: {  	v18 =	vor.u32 s7, v0;
	v16 =	vperm.xlane v16, v5  }
0x3e8: {  	vm0 =	vlt.s32 v18, v8  }
0x3e9: {  	s8 =	sadd.s32 $0xFFFFFFFF, s8;
	s9 =	simm.s32 $0xDE30;
	p2 =	por $0x1, $0x1;
	v16 =	vxor.u32 $0x80000000, v16;
	v20 =	vnsel vm0, $0x7F800000, v13  }
0x3ea: {  	v23 =	vsub.f32 $0.0e+00, v20  }
0x3eb: {  	v13 =	vld [tilespmem:s9+$0x0];
	vm0 =	veq.f32 v14, v16;
	p4 =	sne.s32 s8, $0x1  }
.Ltmp40:
0x3ec: {  	s9 =	simm.s32 $0x30;
	v17 =	vmctz.xlane vm0;
	v18, _, _ =	vpop (xrf0);
	(xrf0) =	vmax.scan.msk.f32 $0xffff, v23;
	(pc) =	sbr.rel @!p4 .LBB2_59-.Ltmp40, $4  }
0x3ed: {  	v19 =	vor.u32 s9, v0;
	v21 =	vperm.xlane v18, v5  }
0x3ee: {  	vm1 =	vlt.s32 v19, v8;
	vm0 =	vlt.s32 v17, $0xF  }
0x3ef: {  	s10 =	sadd.s32 $0xFFFFFFFF, s8;
	v18 =	vnsel vm0, $0xF, v17;
	v22 =	vxor.u32 $0x80000000, v21;
	v17 =	vimm.f32 $+Inf  }
0x3f0: {  	s11 =	simm.s32 $0xDE40;
	p3 =	por $0x1, $0x1;
	s8 =	simm.s32 $0x0;
	v21 =	vimm.s32 $0x0;
	v13 =	vnsel vm1, $0x7F800000, v13;
	v19 =	vperm.xlane v14, v18  }
.LBB2_60:
0x3f1: {  	v23 =	vld [tilespmem:s11+$0x0];
	p4 =	sne.s32 s10, $0x1;
	s10 =	sadd.s32 $0xFFFFFFFF, s10;
	v25 =	vsub.f32 $0.0e+00, v13;
	vm0 =	veq.f32 v15, v22;
	v18 =	vadd.s32 s8, v18;
	s8 =	smov.u32 s6  }
.Ltmp41:
0x3f2: {  	s6 =	smov.u32 s7;
	s7 =	smov.u32 s9;
	v22 =	vmctz.xlane vm0;
	vm0 =	vlt.f32 v19, v17;
	(pc) =	sbr.rel @p4 .LBB2_60-.Ltmp41, $4  }
0x3f3: {  	s9 =	sadd.s32 $0x10, s9;
	(xrf0) =	vmax.scan.msk.f32 $0xffff, v25;
	v24, _, _ =	vpop (xrf0);
	v17 =	vsel vm0, v19, v17;
	v21 =	vsel vm0, v18, v21  }
0x3f4: {  	v18 =	vor.u32 s9, v0;
	v19 =	vperm.xlane v24, v5;
	vm0 =	vlt.s32 v22, $0xF  }
0x3f5: {  	vm1 =	vlt.s32 v18, v8;
	v18 =	vnsel vm0, $0xF, v22  }
0x3f6: {  	s11 =	sadd.s32 $0x10, s11;
	v22 =	vxor.u32 $0x80000000, v19;
	v19 =	vperm.xlane v15, v18;
	v15 =	vmovc v20;
	v20 =	vmovc v13;
	v13 =	vnsel vm1, $0x7F800000, v23  }
.Ltmp42:
0x3f7: {  	(pc) =	sbr.rel .LBB2_62-.Ltmp42, $2  }
0x3f8: {  	_ =	sdelay $0x2  }
0x3f9: {  	v23 =	vmov v15;
	s10 =	smov.u32 s6;
	s6 =	smov.u32 s9;
	v15 =	vmov v20  }
.LBB2_55:
.Ltmp43:
0x3fa: {  	(pc) =	sbr.rel .LBB2_62-.Ltmp43, $2  }
0x3fb: {  	_ =	sdelay $0x2  }
0x3fc: {  	v13 =	vmovc v15;
	v15 =	vmov v14;
	v17 =	vimm.f32 $+Inf;
	s7 =	simm.s32 $0x0;
	v21 =	vimm.s32 $0x0  }
.LBB2_57:
.Ltmp44:
0x3fd: {  	(pc) =	sbr.rel .LBB2_62-.Ltmp44, $2  }
0x3fe: {  	_ =	sdelay $0x2  }
0x3ff: {  	v13 =	vmovc v20;
	v23 =	vmovc v14;
	v22 =	vmov v16;
	s10 =	simm.s32 $0x0;
	v17 =	vimm.f32 $+Inf;
	s7 =	simm.s32 $0x10;
	s6 =	simm.s32 $0x20;
	v21 =	vimm.s32 $0x0  }
.LBB2_59:
.Ltmp45:
0x400: {  	(pc) =	sbr.rel .LBB2_62-.Ltmp45, $2  }
0x401: {  	_ =	sdelay $0x2  }
0x402: {  	v23 =	vmovc v15;
	s8 =	smov.u32 s4;
	s10 =	simm.s32 $0x10;
	v17 =	vimm.f32 $+Inf;
	s6 =	simm.s32 $0x30;
	v21 =	vimm.s32 $0x0;
	v15 =	vmov v20  }
.LBB2_19:
.Ltmp46:
0x403: {  	(pc) =	sbr.rel .LBB2_26-.Ltmp46, $2  }
0x404: {  	_ =	sdelay $0x2  }
0x405: {  	v18 =	vimm.s32 $0x0;
	s8 =	simm.s32 $0x7E10;
	s9 =	simm.s32 $0x8E10;
	s10 =	simm.s32 $0x10  }
.LBB2_28:
.Ltmp47:
0x406: {  	(pc) =	sbr.rel .LBB2_35-.Ltmp47, $2  }
0x407: {  	_ =	sdelay $0x2  }
0x408: {  	v16 =	vimm.s32 $0x0;
	s9 =	simm.s32 $0x9E10;
	s10 =	simm.s32 $0xAE10;
	s11 =	simm.s32 $0x10  }
.LBB2_21:
.Ltmp48:
0x409: {  	(pc) =	sbr.rel .LBB2_26-.Ltmp48, $2  }
0x40a: {  	_ =	sdelay $0x2  }
0x40b: {  	v16 =	vmov v15;
	v18 =	vimm.s32 $0x0;
	s8 =	simm.s32 $0x7E10;
	s9 =	simm.s32 $0x8E10;
	s10 =	simm.s32 $0x10;
	v21 =	vimm.s32 $0x0  }
.LBB2_30:
.Ltmp49:
0x40c: {  	(pc) =	sbr.rel .LBB2_35-.Ltmp49, $2  }
0x40d: {  	_ =	sdelay $0x2  }
0x40e: {  	v14 =	vmov v13;
	v16 =	vimm.s32 $0x0;
	s9 =	simm.s32 $0x9E10;
	s10 =	simm.s32 $0xAE10;
	s11 =	simm.s32 $0x10;
	v19 =	vimm.s32 $0x0  }
.LBB2_23:
.Ltmp50:
0x40f: {  	(pc) =	sbr.rel .LBB2_26-.Ltmp50, $2  }
0x410: {  	_ =	sdelay $0x2  }
0x411: {  	v26 =	vmov v14;
	s9 =	simm.s32 $0x8E10;
	v14 =	vmov v24;
	v21 =	vmov v18  }
.LBB2_32:
.Ltmp51:
0x412: {  	(pc) =	sbr.rel .LBB2_35-.Ltmp51, $2  }
0x413: {  	_ =	sdelay $0x2  }
0x414: {  	v24 =	vmov v12;
	s10 =	simm.s32 $0xAE10;
	v12 =	vmov v22;
	v19 =	vmov v16  }
.LBB2_66:
0x415: {  	_ =	sfence.sel $0x180000  }
0x416: {  	[bflag:$0x0] =	sbarrier.arrive $0xFFFF  }
0x417: {  	_ =	strace $0x90000047  }
0x418: {  	s0 =	stileid.u32;
	[bflag:$0x2] =	sbarrier.arrive $0xFFFF  }
0x419: {  	p0 =	sne.s32 s0, $0x0;
	s0 =	rddreg [dreg:$0x2]  }
0x41a: {  	s0 =	sadd.s32 @!p0 $0x100000, s0  }
0x41b: {  	[sflag:s0] =	ssyncadd.tile.s32 @!p0 $0x1;
	_ =	shalt  }
.Lfunc_end2:
_tile_overlayer_lowered:
.L_overlay_start_2:
0x41c: {  	(tag) =	ssettag $0x2  }
0x41d: {  	s0 =	rddreg [dreg:$0x0];
	s2 =	stileid.u32  }
0x41e: {  	s1 =	rddreg [dreg:$0x1];
	p0 =	sne.s32 s2, $0x0  }
0x41f: {  	s3 =	rddreg [dreg:$0x2];
	[bflag:$0x3] =	sbarrier.arrive $0xFFFF;
	s2 =	simm.s32 @!p0 $0x1C01  }
0x420: {  	[timem:s3], [sflag:s2] =	dma.local @!p0 [hbm:s0], s1  }
0x421: {  	s0 =	simm.s32 @!p0 $0x1  }
0x422: {  	_ =	swait.ge @!p0 [sflag:s0], s1  }
0x423: {  	s1 =	ssub.s32 @!p0 $0x0, s1;
	[sflag:s0] =	ssyncset.done @!p0 $0x0  }
0x424: {  	[sflag:s0] =	ssyncadd.s32 @!p0 s1  }
0x425: {  	[bflag:$0x3] =	sbarrier.arrive $0xFFFF  }
0x426: {  	_ =	shalt  }

</sc_bundles>
